<compile_context>
chip_gen: v7x
topology: tpu7x:2x2x1
jax: 0.10.2.dev20260603
libtpu: 0.0.44.dev20260713+nightly
codegen_flags: <defaults>
</compile_context>

<pallas_src>
import functools

import jax
import jax.numpy as jnp
from jax import lax
from jax.experimental import pallas as pl
from jax.experimental.pallas import tpu as pltpu
from jax.experimental.pallas import tpu_sc as plsc

N_NODES = 10000
N_EDGES = 160000
ND = 32
ED = 16
HD = 64

NUM_CORES = 2
NUM_SUBCORES = 16
NUM_WORKERS = NUM_CORES * NUM_SUBCORES
CHUNK = 40
NBUF = 5
HALF_A = 76800
HALF_B = N_EDGES - HALF_A
NPAD = 10112
ROWS_PER_SUBCORE = NPAD // NUM_SUBCORES

def _mesh():
    return plsc.VectorSubcoreMesh(core_axis_name="c", subcore_axis_name="s")


def _sc_gather(x, src_r, n_edges, nbuf):
    epw = n_edges // NUM_WORKERS
    nchunk = epw // CHUNK
    ngroup = nchunk // nbuf

    @functools.partial(
        pl.kernel,
        out_type=jax.ShapeDtypeStruct((n_edges, 128), jnp.float32),
        mesh=_mesh(),
        scratch_types=(
            [pltpu.VMEM((nchunk, CHUNK), jnp.int32)]
            + [pltpu.VMEM((CHUNK, 128), jnp.float32)] * nbuf
            + [pltpu.SemaphoreType.DMA] * (2 * nbuf)
        ),
    )
    def k(x_hbm, src_hbm, out_hbm, idx_v, *scr):
        bufs = scr[:nbuf]
        sg = scr[nbuf:2 * nbuf]
        so = scr[2 * nbuf:]
        wid = lax.axis_index("s") * NUM_CORES + lax.axis_index("c")
        pltpu.sync_copy(src_hbm.at[wid], idx_v)
        base = wid * epw

        def out_slice(j):
            return out_hbm.at[pl.ds(base + j * CHUNK, CHUNK)]

        for b in range(nbuf):
            pltpu.async_copy(x_hbm.at[idx_v.at[b]], bufs[b], sg[b])

        def body(g, carry):
            j0 = g * nbuf
            for b in range(nbuf):
                pltpu.make_async_copy(x_hbm.at[idx_v.at[j0 + b]],
                                      bufs[b], sg[b]).wait()
                pltpu.async_copy(bufs[b], out_slice(j0 + b), so[b])
            for b in range(nbuf):
                pltpu.make_async_copy(bufs[b], out_slice(j0 + b), so[b]).wait()

                @pl.when(g + 1 < ngroup)
                def _():
                    pltpu.async_copy(x_hbm.at[idx_v.at[j0 + nbuf + b]],
                                     bufs[b], sg[b])
            return carry

        lax.fori_loop(0, ngroup, body, 0)

    return k(x, src_r)


def _sc_scatter(messages, dst_r, zeros, n_edges, nbuf):
    epw = n_edges // NUM_WORKERS
    nchunk = epw // CHUNK
    ngroup = nchunk // nbuf

    @functools.partial(
        pl.kernel,
        out_type=jax.ShapeDtypeStruct((NUM_CORES, NPAD, 128), jnp.float32),
        mesh=_mesh(),
        scratch_types=(
            [pltpu.VMEM((nchunk, CHUNK), jnp.int32),
             pltpu.VMEM_SHARED((NPAD, 128), jnp.float32)]
            + [pltpu.VMEM((CHUNK, 128), jnp.float32)] * nbuf
            + [pltpu.SemaphoreType.DMA] * (2 * nbuf)
        ),
    )
    def k(msg_hbm, dst_hbm, zero_hbm, out_hbm, idx_v, agg_sh, *scr):
        bufs = scr[:nbuf]
        sr = scr[nbuf:2 * nbuf]
        sa = scr[2 * nbuf:]
        cid = lax.axis_index("c")
        sid = lax.axis_index("s")
        wid = sid * NUM_CORES + cid
        rows = pl.ds(sid * ROWS_PER_SUBCORE, ROWS_PER_SUBCORE)
        pltpu.sync_copy(zero_hbm, agg_sh.at[rows])
        pltpu.sync_copy(dst_hbm.at[wid], idx_v)
        plsc.subcore_barrier()
        base = wid * epw

        def msg_slice(j):
            return msg_hbm.at[pl.ds(base + j * CHUNK, CHUNK)]

        for b in range(nbuf):
            pltpu.async_copy(msg_slice(b), bufs[b], sr[b])

        def body(g, carry):
            j0 = g * nbuf
            for b in range(nbuf):
                pltpu.make_async_copy(msg_slice(j0 + b), bufs[b], sr[b]).wait()
                pltpu.async_copy(bufs[b], agg_sh.at[idx_v.at[j0 + b]],
                                 sa[b], add=True)
            for b in range(nbuf):
                pltpu.make_async_copy(bufs[b], agg_sh.at[idx_v.at[j0 + b]],
                                      sa[b]).wait()

                @pl.when(g + 1 < ngroup)
                def _():
                    pltpu.async_copy(msg_slice(j0 + nbuf + b), bufs[b], sr[b])
            return carry

        lax.fori_loop(0, ngroup, body, 0)
        plsc.subcore_barrier()
        pltpu.sync_copy(agg_sh.at[rows], out_hbm.at[cid, rows])

    return k(messages, dst_r, zeros)


def _tc_messages(edge_attr, x_src, W1T, b1r, W2T, bm, Rp, G, n_edges):
    ET = 3200
    GRID = n_edges // ET

    def body(ea_ref, xs_ref, w1_ref, b1_ref, w2_ref, bm_ref, rp_ref, g_ref,
             out_ref):
        h = jnp.dot(ea_ref[...], w1_ref[...],
                    preferred_element_type=jnp.float32) + b1_ref[...]
        h = 0.5 * h * (1.0 + lax.erf(h * 0.7071067811865476))
        xs = xs_ref[:, :ND]
        wt = jnp.dot(h.astype(jnp.bfloat16), w2_ref[...],
                     preferred_element_type=jnp.float32).astype(jnp.bfloat16)
        xsrep = jnp.dot(xs.astype(jnp.bfloat16), rp_ref[...],
                        preferred_element_type=jnp.float32).astype(jnp.bfloat16)
        y = wt * xsrep
        msg = (jnp.dot(y, g_ref[...], preferred_element_type=jnp.float32)
               + jnp.dot(xs, bm_ref[...], preferred_element_type=jnp.float32))
        out_ref[:, :ND] = msg

    return pl.pallas_call(
        body,
        grid=(GRID,),
        in_specs=[
            pl.BlockSpec((ET, ED), lambda i: (i, 0)),
            pl.BlockSpec((ET, 128), lambda i: (i, 0)),
            pl.BlockSpec((ED, HD), lambda i: (0, 0)),
            pl.BlockSpec((1, HD), lambda i: (0, 0)),
            pl.BlockSpec((HD, ND * ND), lambda i: (0, 0)),
            pl.BlockSpec((ND, ND), lambda i: (0, 0)),
            pl.BlockSpec((ND, ND * ND), lambda i: (0, 0)),
            pl.BlockSpec((ND * ND, ND), lambda i: (0, 0)),
        ],
        out_specs=pl.BlockSpec((ET, 128), lambda i: (i, 0)),
        out_shape=jax.ShapeDtypeStruct((n_edges, 128), jnp.float32),
    )(edge_attr, x_src, W1T, b1r, W2T, bm, Rp, G)


def _tc_gru(x, parts_a, parts_b, W_ihT, b_ihr, W_hhT, b_hhr):

    def body(x_ref, a_ref, b_ref, wih_ref, bih_ref, whh_ref, bhh_ref,
             out_ref):
        agg = (a_ref[0, :N_NODES, :ND] + a_ref[1, :N_NODES, :ND]
               + b_ref[0, :N_NODES, :ND] + b_ref[1, :N_NODES, :ND])
        gi = jnp.dot(agg, wih_ref[...],
                     preferred_element_type=jnp.float32) + bih_ref[...]
        gh = jnp.dot(x_ref[...], whh_ref[...],
                     preferred_element_type=jnp.float32) + bhh_ref[...]
        r = jax.nn.sigmoid(gi[:, :ND] + gh[:, :ND])
        z = jax.nn.sigmoid(gi[:, ND:2 * ND] + gh[:, ND:2 * ND])
        n = jnp.tanh(gi[:, 2 * ND:] + r * gh[:, 2 * ND:])
        out_ref[...] = (1.0 - z) * n + z * x_ref[...]

    return pl.pallas_call(
        body,
        out_shape=jax.ShapeDtypeStruct((N_NODES, ND), jnp.float32),
    )(x, parts_a, parts_b, W_ihT, b_ihr, W_hhT, b_hhr)


def kernel(x, edge_index, edge_attr, W1, b1, W2, b2, W_ih, W_hh, b_ih, b_hh):
    src = edge_index[0]
    dst = edge_index[1]
    src_a = src[:HALF_A].reshape(NUM_WORKERS, -1, CHUNK)
    src_b = src[HALF_A:].reshape(NUM_WORKERS, -1, CHUNK)
    dst_a = dst[:HALF_A].reshape(NUM_WORKERS, -1, CHUNK)
    dst_b = dst[HALF_A:].reshape(NUM_WORKERS, -1, CHUNK)
    ea_a = edge_attr[:HALF_A]
    ea_b = edge_attr[HALF_A:]
    Rp = jnp.kron(jnp.ones((1, ND), dtype=jnp.bfloat16),
                  jnp.eye(ND, dtype=jnp.bfloat16))
    G = jnp.kron(jnp.eye(ND, dtype=jnp.bfloat16),
                 jnp.ones((ND, 1), dtype=jnp.bfloat16))
    Bm = b2.reshape(ND, ND).T
    zeros = jnp.zeros((ROWS_PER_SUBCORE, 128), dtype=jnp.float32)
    W1T = W1.T
    b1r = b1.reshape(1, HD)
    W2Tb = W2.T.astype(jnp.bfloat16)

    x128 = jnp.pad(x, ((0, 0), (0, 128 - ND)))
    xa = _sc_gather(x128, src_a, HALF_A, NBUF)
    xb = _sc_gather(x128, src_b, HALF_B, NBUF)
    ma = _tc_messages(ea_a, xa, W1T, b1r, W2Tb, Bm, Rp, G, HALF_A)
    pa = _sc_scatter(ma, dst_a, zeros, HALF_A, NBUF)
    mb = _tc_messages(ea_b, xb, W1T, b1r, W2Tb, Bm, Rp, G, HALF_B)
    pb = _sc_scatter(mb, dst_b, zeros, HALF_B, NBUF)
    return _tc_gru(x, pa, pb, W_ih.T, b_ih.reshape(1, 3 * ND),
                   W_hh.T, b_hh.reshape(1, 3 * ND))

# --- scband reference (transcript-rebuilt; emitter-appended) ---
"""Pipeline reference for scband-edge-conditioned-conv-43774306680927 (READ-ONLY COPY).

The authoritative reference and input builder live on the scoring server;
editing this copy changes nothing except your own understanding.
"""

import jax, jax.numpy as jnp
import numpy as np

N = 10000
E = 160000
NODE_DIM = 32
EDGE_DIM = 16
HIDDEN_DIM = 64


def setup_inputs(seed: int = 0) -> dict:
    key = jax.random.key(seed)
    ks = jax.random.split(key, 12)
    x = jax.random.normal(ks[0], (N, NODE_DIM), dtype=jnp.float32)
    edge_index = jax.random.randint(ks[1], (2, E), 0, N, dtype=jnp.int32)
    edge_attr = jax.random.normal(ks[2], (E, EDGE_DIM), dtype=jnp.float32)
    # edge_nn params: Linear(edge_dim -> hidden), GELU, Linear(hidden -> node_dim*node_dim)
    s1 = 1.0 / np.sqrt(EDGE_DIM)
    s2 = 1.0 / np.sqrt(HIDDEN_DIM)
    W1 = jax.random.uniform(ks[3], (HIDDEN_DIM, EDGE_DIM), jnp.float32, -s1, s1)
    b1 = jax.random.uniform(ks[4], (HIDDEN_DIM,), jnp.float32, -s1, s1)
    W2 = jax.random.uniform(ks[5], (NODE_DIM * NODE_DIM, HIDDEN_DIM), jnp.float32, -s2, s2)
    b2 = jax.random.uniform(ks[6], (NODE_DIM * NODE_DIM,), jnp.float32, -s2, s2)
    # GRUCell params (PyTorch layout: [3*hidden, input] split as r,z,n)
    sg = 1.0 / np.sqrt(NODE_DIM)
    W_ih = jax.random.uniform(ks[7], (3 * NODE_DIM, NODE_DIM), jnp.float32, -sg, sg)
    W_hh = jax.random.uniform(ks[8], (3 * NODE_DIM, NODE_DIM), jnp.float32, -sg, sg)
    b_ih = jax.random.uniform(ks[9], (3 * NODE_DIM,), jnp.float32, -sg, sg)
    b_hh = jax.random.uniform(ks[10], (3 * NODE_DIM,), jnp.float32, -sg, sg)
    return {"x": x, "edge_index": edge_index, "edge_attr": edge_attr,
            "W1": W1, "b1": b1, "W2": W2, "b2": b2,
            "W_ih": W_ih, "W_hh": W_hh, "b_ih": b_ih, "b_hh": b_hh}


def reference(x, edge_index, edge_attr, W1, b1, W2, b2, W_ih, W_hh, b_ih, b_hh):
    src = edge_index[0]
    dst = edge_index[1]
    n_nodes = x.shape[0]
    # edge_nn: Linear -> GELU(exact) -> Linear
    h = jax.nn.gelu(edge_attr @ W1.T + b1, approximate=False)
    edge_weights = (h @ W2.T + b2).reshape(-1, NODE_DIM, NODE_DIM)
    # gather source node features, per-edge matvec message
    x_src = jnp.take(x, src, axis=0)
    messages = jnp.einsum('eij,ej->ei', edge_weights, x_src)
    # scatter-add aggregation by destination node
    agg = jnp.zeros((n_nodes, NODE_DIM), dtype=x.dtype).at[dst].add(messages)
    # GRUCell: input = agg, hidden = x  (PyTorch GRUCell math)
    gi = agg @ W_ih.T + b_ih
    gh = x @ W_hh.T + b_hh
    i_r, i_z, i_n = jnp.split(gi, 3, axis=1)
    h_r, h_z, h_n = jnp.split(gh, 3, axis=1)
    r = jax.nn.sigmoid(i_r + h_r)
    z = jax.nn.sigmoid(i_z + h_z)
    n = jnp.tanh(i_n + r * h_n)
    x_new = (1.0 - z) * n + z * x
    return x_new

if __name__ == "__main__":
    import jax
    _d = setup_inputs()
    print(jax.jit(kernel)(*tuple(_d.values())))

</pallas_src>

<mosaic_0001>
#map = affine_map<(d0, d1) -> (0, 0)>
#map1 = affine_map<(d0, d1) -> (0, 0, 0)>
module attributes {stable_mosaic.version = 14 : i64} {
  func.func @k(%arg0: i32, %arg1: i32, %arg2: memref<10000x128xf32, #tpu.memory_space<hbm>>, %arg3: memref<32x65x40xi32, #tpu.memory_space<hbm>>, %arg4: memref<83200x128xf32, #tpu.memory_space<hbm>>, %arg5: memref<65x40xi32, #tpu.memory_space<vmem>>, %arg6: memref<40x128xf32, #tpu.memory_space<vmem>>, %arg7: memref<40x128xf32, #tpu.memory_space<vmem>>, %arg8: memref<40x128xf32, #tpu.memory_space<vmem>>, %arg9: memref<40x128xf32, #tpu.memory_space<vmem>>, %arg10: memref<40x128xf32, #tpu.memory_space<vmem>>, %arg11: memref<!tpu.dma_semaphore, #tpu.memory_space<semaphore_mem>>, %arg12: memref<!tpu.dma_semaphore, #tpu.memory_space<semaphore_mem>>, %arg13: memref<!tpu.dma_semaphore, #tpu.memory_space<semaphore_mem>>, %arg14: memref<!tpu.dma_semaphore, #tpu.memory_space<semaphore_mem>>, %arg15: memref<!tpu.dma_semaphore, #tpu.memory_space<semaphore_mem>>, %arg16: memref<!tpu.dma_semaphore, #tpu.memory_space<semaphore_mem>>, %arg17: memref<!tpu.dma_semaphore, #tpu.memory_space<semaphore_mem>>, %arg18: memref<!tpu.dma_semaphore, #tpu.memory_space<semaphore_mem>>, %arg19: memref<!tpu.dma_semaphore, #tpu.memory_space<semaphore_mem>>, %arg20: memref<!tpu.dma_semaphore, #tpu.memory_space<semaphore_mem>>) attributes {dimension_semantics = [#tpu.dimension_semantics<core_parallel>, #tpu.dimension_semantics<subcore_parallel>], iteration_bounds = array<i64: 2, 16>, scalar_prefetch = 0 : i64, scratch_operands = 16 : i64, tpu.core_type = #tpu.core_type<sc_vector_subcore>, window_params = [{transform_indices = #map}, {transform_indices = #map1}, {transform_indices = #map}]} {
    %mul3A = arith.constant 2 : i32
    %mul3A_0 = arith.muli %arg1, %mul3A : i32
    %add3A = arith.addi %mul3A_0, %arg0 : i32
    "tpu.region"() ({
      %run_scoped3A = tpu.sem_alloc : memref<!tpu.dma_semaphore, #tpu.memory_space<semaphore_mem>>
      %dma_start3A_42 = arith.constant 0 : i32
      %dma_start3A_43 = arith.constant 0 : i32
      %dma_start3A_44 = tpu.memref_slice %arg3[%add3A, %dma_start3A_42, %dma_start3A_43] : memref<32x65x40xi32, #tpu.memory_space<hbm>> -> memref<1x65x40xi32, #tpu.memory_space<hbm>>
      %dma_start3A_45 = tpu.memref_squeeze %dma_start3A_44 : memref<1x65x40xi32, #tpu.memory_space<hbm>> -> memref<65x40xi32, #tpu.memory_space<hbm>>
      %dma_start3A_46 = arith.constant 0 : i32
      %dma_start3A_47 = arith.constant 0 : i32
      %dma_start3A_48 = tpu.memref_slice %arg3[%add3A, %dma_start3A_46, %dma_start3A_47] : memref<32x65x40xi32, #tpu.memory_space<hbm>> -> memref<1x65x40xi32, #tpu.memory_space<hbm>>
      %dma_start3A_49 = tpu.memref_squeeze %dma_start3A_48 : memref<1x65x40xi32, #tpu.memory_space<hbm>> -> memref<65x40xi32, #tpu.memory_space<hbm>>
      tpu.enqueue_dma source(%dma_start3A_49 : memref<65x40xi32, #tpu.memory_space<hbm>>) target(%arg5 : memref<65x40xi32, #tpu.memory_space<vmem>>) target_semaphore(%run_scoped3A : memref<!tpu.dma_semaphore, #tpu.memory_space<semaphore_mem>>)
      %dma_wait3A = arith.constant 0 : i32
      %dma_wait3A_50 = arith.constant 0 : i32
      %dma_wait3A_51 = tpu.memref_slice %arg3[%add3A, %dma_wait3A, %dma_wait3A_50] : memref<32x65x40xi32, #tpu.memory_space<hbm>> -> memref<1x65x40xi32, #tpu.memory_space<hbm>>
      %dma_wait3A_52 = tpu.memref_squeeze %dma_wait3A_51 : memref<1x65x40xi32, #tpu.memory_space<hbm>> -> memref<65x40xi32, #tpu.memory_space<hbm>>
      %dma_wait3A_53 = arith.constant 0 : i32
      %dma_wait3A_54 = arith.constant 0 : i32
      %dma_wait3A_55 = tpu.memref_slice %arg3[%add3A, %dma_wait3A_53, %dma_wait3A_54] : memref<32x65x40xi32, #tpu.memory_space<hbm>> -> memref<1x65x40xi32, #tpu.memory_space<hbm>>
      %dma_wait3A_56 = tpu.memref_squeeze %dma_wait3A_55 : memref<1x65x40xi32, #tpu.memory_space<hbm>> -> memref<65x40xi32, #tpu.memory_space<hbm>>
      tpu.wait_dma2 semaphore(%run_scoped3A : memref<!tpu.dma_semaphore, #tpu.memory_space<semaphore_mem>>) src(%dma_wait3A_56 : memref<65x40xi32, #tpu.memory_space<hbm>>) dst(%arg5 : memref<65x40xi32, #tpu.memory_space<vmem>>)
      tpu.yield
    }) : () -> ()
    %mul3A_1 = arith.constant 2600 : i32
    %mul3A_2 = arith.muli %add3A, %mul3A_1 : i32
    %dma_start3A = arith.constant 0 : i32
    %dma_start3A_3 = arith.constant 0 : i32
    %dma_start3A_4 = tpu.memref_slice %arg5[%dma_start3A, %dma_start3A_3] : memref<65x40xi32, #tpu.memory_space<vmem>> -> memref<1x40xi32, #tpu.memory_space<vmem>>
    %dma_start3A_5 = tpu.memref_squeeze %dma_start3A_4 : memref<1x40xi32, #tpu.memory_space<vmem>> -> memref<40xi32, #tpu.memory_space<vmem>>
    %dma_start3A_6 = arith.constant 0 : i32
    %dma_start3A_7 = arith.constant 0 : i32
    %dma_start3A_8 = tpu.memref_slice %arg2[%dma_start3A_6, %dma_start3A_7] : memref<10000x128xf32, #tpu.memory_space<hbm>> -> memref<10000x128xf32, #tpu.memory_space<hbm>>
    tpu.enqueue_indirect_dma source(%dma_start3A_8 : memref<10000x128xf32, #tpu.memory_space<hbm>>) target(%arg6 : memref<40x128xf32, #tpu.memory_space<vmem>>) offsets(%dma_start3A_5 : memref<40xi32, #tpu.memory_space<vmem>>) semaphore(%arg11 : memref<!tpu.dma_semaphore, #tpu.memory_space<semaphore_mem>>)
    %dma_start3A_9 = arith.constant 1 : i32
    %dma_start3A_10 = arith.constant 0 : i32
    %dma_start3A_11 = tpu.memref_slice %arg5[%dma_start3A_9, %dma_start3A_10] : memref<65x40xi32, #tpu.memory_space<vmem>> -> memref<1x40xi32, #tpu.memory_space<vmem>>
    %dma_start3A_12 = tpu.memref_squeeze %dma_start3A_11 : memref<1x40xi32, #tpu.memory_space<vmem>> -> memref<40xi32, #tpu.memory_space<vmem>>
    %dma_start3A_13 = arith.constant 0 : i32
    %dma_start3A_14 = arith.constant 0 : i32
    %dma_start3A_15 = tpu.memref_slice %arg2[%dma_start3A_13, %dma_start3A_14] : memref<10000x128xf32, #tpu.memory_space<hbm>> -> memref<10000x128xf32, #tpu.memory_space<hbm>>
    tpu.enqueue_indirect_dma source(%dma_start3A_15 : memref<10000x128xf32, #tpu.memory_space<hbm>>) target(%arg7 : memref<40x128xf32, #tpu.memory_space<vmem>>) offsets(%dma_start3A_12 : memref<40xi32, #tpu.memory_space<vmem>>) semaphore(%arg12 : memref<!tpu.dma_semaphore, #tpu.memory_space<semaphore_mem>>)
    %dma_start3A_16 = arith.constant 2 : i32
    %dma_start3A_17 = arith.constant 0 : i32
    %dma_start3A_18 = tpu.memref_slice %arg5[%dma_start3A_16, %dma_start3A_17] : memref<65x40xi32, #tpu.memory_space<vmem>> -> memref<1x40xi32, #tpu.memory_space<vmem>>
    %dma_start3A_19 = tpu.memref_squeeze %dma_start3A_18 : memref<1x40xi32, #tpu.memory_space<vmem>> -> memref<40xi32, #tpu.memory_space<vmem>>
    %dma_start3A_20 = arith.constant 0 : i32
    %dma_start3A_21 = arith.constant 0 : i32
    %dma_start3A_22 = tpu.memref_slice %arg2[%dma_start3A_20, %dma_start3A_21] : memref<10000x128xf32, #tpu.memory_space<hbm>> -> memref<10000x128xf32, #tpu.memory_space<hbm>>
    tpu.enqueue_indirect_dma source(%dma_start3A_22 : memref<10000x128xf32, #tpu.memory_space<hbm>>) target(%arg8 : memref<40x128xf32, #tpu.memory_space<vmem>>) offsets(%dma_start3A_19 : memref<40xi32, #tpu.memory_space<vmem>>) semaphore(%arg13 : memref<!tpu.dma_semaphore, #tpu.memory_space<semaphore_mem>>)
    %dma_start3A_23 = arith.constant 3 : i32
    %dma_start3A_24 = arith.constant 0 : i32
    %dma_start3A_25 = tpu.memref_slice %arg5[%dma_start3A_23, %dma_start3A_24] : memref<65x40xi32, #tpu.memory_space<vmem>> -> memref<1x40xi32, #tpu.memory_space<vmem>>
    %dma_start3A_26 = tpu.memref_squeeze %dma_start3A_25 : memref<1x40xi32, #tpu.memory_space<vmem>> -> memref<40xi32, #tpu.memory_space<vmem>>
    %dma_start3A_27 = arith.constant 0 : i32
    %dma_start3A_28 = arith.constant 0 : i32
    %dma_start3A_29 = tpu.memref_slice %arg2[%dma_start3A_27, %dma_start3A_28] : memref<10000x128xf32, #tpu.memory_space<hbm>> -> memref<10000x128xf32, #tpu.memory_space<hbm>>
    tpu.enqueue_indirect_dma source(%dma_start3A_29 : memref<10000x128xf32, #tpu.memory_space<hbm>>) target(%arg9 : memref<40x128xf32, #tpu.memory_space<vmem>>) offsets(%dma_start3A_26 : memref<40xi32, #tpu.memory_space<vmem>>) semaphore(%arg14 : memref<!tpu.dma_semaphore, #tpu.memory_space<semaphore_mem>>)
    %dma_start3A_30 = arith.constant 4 : i32
    %dma_start3A_31 = arith.constant 0 : i32
    %dma_start3A_32 = tpu.memref_slice %arg5[%dma_start3A_30, %dma_start3A_31] : memref<65x40xi32, #tpu.memory_space<vmem>> -> memref<1x40xi32, #tpu.memory_space<vmem>>
    %dma_start3A_33 = tpu.memref_squeeze %dma_start3A_32 : memref<1x40xi32, #tpu.memory_space<vmem>> -> memref<40xi32, #tpu.memory_space<vmem>>
    %dma_start3A_34 = arith.constant 0 : i32
    %dma_start3A_35 = arith.constant 0 : i32
    %dma_start3A_36 = tpu.memref_slice %arg2[%dma_start3A_34, %dma_start3A_35] : memref<10000x128xf32, #tpu.memory_space<hbm>> -> memref<10000x128xf32, #tpu.memory_space<hbm>>
    tpu.enqueue_indirect_dma source(%dma_start3A_36 : memref<10000x128xf32, #tpu.memory_space<hbm>>) target(%arg10 : memref<40x128xf32, #tpu.memory_space<vmem>>) offsets(%dma_start3A_33 : memref<40xi32, #tpu.memory_space<vmem>>) semaphore(%arg15 : memref<!tpu.dma_semaphore, #tpu.memory_space<semaphore_mem>>)
    %scan3A = arith.constant 0 : i32
    %scan3A_37 = arith.constant 0 : i32
    %scan3A_38 = arith.constant 13 : i32
    %scan3A_39 = arith.addi %scan3A_37, %scan3A_38 : i32
    %scan3A_40 = arith.constant 1 : i32
    scf.for %scan3A_42 = %scan3A_37 to %scan3A_39 step %scan3A_40  : i32 {
      %mul3A_43 = arith.constant 5 : i32
      %mul3A_44 = arith.muli %scan3A_42, %mul3A_43 : i32
      %add3A_45 = arith.constant 0 : i32
      %add3A_46 = arith.addi %mul3A_44, %add3A_45 : i32
      %dma_wait3A = arith.constant 0 : i32
      %dma_wait3A_47 = tpu.memref_slice %arg5[%add3A_46, %dma_wait3A] : memref<65x40xi32, #tpu.memory_space<vmem>> -> memref<1x40xi32, #tpu.memory_space<vmem>>
      %dma_wait3A_48 = tpu.memref_squeeze %dma_wait3A_47 : memref<1x40xi32, #tpu.memory_space<vmem>> -> memref<40xi32, #tpu.memory_space<vmem>>
      %dma_wait3A_49 = arith.constant 0 : i32
      %dma_wait3A_50 = arith.constant 0 : i32
      %dma_wait3A_51 = tpu.memref_slice %arg2[%dma_wait3A_49, %dma_wait3A_50] : memref<10000x128xf32, #tpu.memory_space<hbm>> -> memref<10000x128xf32, #tpu.memory_space<hbm>>
      tpu.wait_indirect_dma semaphore(%arg11 : memref<!tpu.dma_semaphore, #tpu.memory_space<semaphore_mem>>) src(%dma_wait3A_51 : memref<10000x128xf32, #tpu.memory_space<hbm>>) dst(%arg6 : memref<40x128xf32, #tpu.memory_space<vmem>>)
      %add3A_52 = arith.constant 0 : i32
      %add3A_53 = arith.addi %mul3A_44, %add3A_52 : i32
      %mul3A_54 = arith.constant 40 : i32
      %mul3A_55 = arith.muli %add3A_53, %mul3A_54 : i32
      %add3A_56 = arith.addi %mul3A_2, %mul3A_55 : i32
      %dma_start3A_57 = arith.constant 0 : i32
      %dma_start3A_58 = tpu.memref_slice %arg4[%add3A_56, %dma_start3A_57] : memref<83200x128xf32, #tpu.memory_space<hbm>> -> memref<40x128xf32, #tpu.memory_space<hbm>>
      %dma_start3A_59 = arith.constant 0 : i32
      %dma_start3A_60 = tpu.memref_slice %arg4[%add3A_56, %dma_start3A_59] : memref<83200x128xf32, #tpu.memory_space<hbm>> -> memref<40x128xf32, #tpu.memory_space<hbm>>
      tpu.enqueue_dma source(%arg6 : memref<40x128xf32, #tpu.memory_space<vmem>>) target(%dma_start3A_60 : memref<40x128xf32, #tpu.memory_space<hbm>>) target_semaphore(%arg16 : memref<!tpu.dma_semaphore, #tpu.memory_space<semaphore_mem>>)
      %add3A_61 = arith.constant 1 : i32
      %add3A_62 = arith.addi %mul3A_44, %add3A_61 : i32
      %dma_wait3A_63 = arith.constant 0 : i32
      %dma_wait3A_64 = tpu.memref_slice %arg5[%add3A_62, %dma_wait3A_63] : memref<65x40xi32, #tpu.memory_space<vmem>> -> memref<1x40xi32, #tpu.memory_space<vmem>>
      %dma_wait3A_65 = tpu.memref_squeeze %dma_wait3A_64 : memref<1x40xi32, #tpu.memory_space<vmem>> -> memref<40xi32, #tpu.memory_space<vmem>>
      %dma_wait3A_66 = arith.constant 0 : i32
      %dma_wait3A_67 = arith.constant 0 : i32
      %dma_wait3A_68 = tpu.memref_slice %arg2[%dma_wait3A_66, %dma_wait3A_67] : memref<10000x128xf32, #tpu.memory_space<hbm>> -> memref<10000x128xf32, #tpu.memory_space<hbm>>
      tpu.wait_indirect_dma semaphore(%arg12 : memref<!tpu.dma_semaphore, #tpu.memory_space<semaphore_mem>>) src(%dma_wait3A_68 : memref<10000x128xf32, #tpu.memory_space<hbm>>) dst(%arg7 : memref<40x128xf32, #tpu.memory_space<vmem>>)
      %add3A_69 = arith.constant 1 : i32
      %add3A_70 = arith.addi %mul3A_44, %add3A_69 : i32
      %mul3A_71 = arith.constant 40 : i32
      %mul3A_72 = arith.muli %add3A_70, %mul3A_71 : i32
      %add3A_73 = arith.addi %mul3A_2, %mul3A_72 : i32
      %dma_start3A_74 = arith.constant 0 : i32
      %dma_start3A_75 = tpu.memref_slice %arg4[%add3A_73, %dma_start3A_74] : memref<83200x128xf32, #tpu.memory_space<hbm>> -> memref<40x128xf32, #tpu.memory_space<hbm>>
      %dma_start3A_76 = arith.constant 0 : i32
      %dma_start3A_77 = tpu.memref_slice %arg4[%add3A_73, %dma_start3A_76] : memref<83200x128xf32, #tpu.memory_space<hbm>> -> memref<40x128xf32, #tpu.memory_space<hbm>>
      tpu.enqueue_dma source(%arg7 : memref<40x128xf32, #tpu.memory_space<vmem>>) target(%dma_start3A_77 : memref<40x128xf32, #tpu.memory_space<hbm>>) target_semaphore(%arg17 : memref<!tpu.dma_semaphore, #tpu.memory_space<semaphore_mem>>)
      %add3A_78 = arith.constant 2 : i32
      %add3A_79 = arith.addi %mul3A_44, %add3A_78 : i32
      %dma_wait3A_80 = arith.constant 0 : i32
      %dma_wait3A_81 = tpu.memref_slice %arg5[%add3A_79, %dma_wait3A_80] : memref<65x40xi32, #tpu.memory_space<vmem>> -> memref<1x40xi32, #tpu.memory_space<vmem>>
      %dma_wait3A_82 = tpu.memref_squeeze %dma_wait3A_81 : memref<1x40xi32, #tpu.memory_space<vmem>> -> memref<40xi32, #tpu.memory_space<vmem>>
      %dma_wait3A_83 = arith.constant 0 : i32
      %dma_wait3A_84 = arith.constant 0 : i32
      %dma_wait3A_85 = tpu.memref_slice %arg2[%dma_wait3A_83, %dma_wait3A_84] : memref<10000x128xf32, #tpu.memory_space<hbm>> -> memref<10000x128xf32, #tpu.memory_space<hbm>>
      tpu.wait_indirect_dma semaphore(%arg13 : memref<!tpu.dma_semaphore, #tpu.memory_space<semaphore_mem>>) src(%dma_wait3A_85 : memref<10000x128xf32, #tpu.memory_space<hbm>>) dst(%arg8 : memref<40x128xf32, #tpu.memory_space<vmem>>)
      %add3A_86 = arith.constant 2 : i32
      %add3A_87 = arith.addi %mul3A_44, %add3A_86 : i32
      %mul3A_88 = arith.constant 40 : i32
      %mul3A_89 = arith.muli %add3A_87, %mul3A_88 : i32
      %add3A_90 = arith.addi %mul3A_2, %mul3A_89 : i32
      %dma_start3A_91 = arith.constant 0 : i32
      %dma_start3A_92 = tpu.memref_slice %arg4[%add3A_90, %dma_start3A_91] : memref<83200x128xf32, #tpu.memory_space<hbm>> -> memref<40x128xf32, #tpu.memory_space<hbm>>
      %dma_start3A_93 = arith.constant 0 : i32
      %dma_start3A_94 = tpu.memref_slice %arg4[%add3A_90, %dma_start3A_93] : memref<83200x128xf32, #tpu.memory_space<hbm>> -> memref<40x128xf32, #tpu.memory_space<hbm>>
      tpu.enqueue_dma source(%arg8 : memref<40x128xf32, #tpu.memory_space<vmem>>) target(%dma_start3A_94 : memref<40x128xf32, #tpu.memory_space<hbm>>) target_semaphore(%arg18 : memref<!tpu.dma_semaphore, #tpu.memory_space<semaphore_mem>>)
      %add3A_95 = arith.constant 3 : i32
      %add3A_96 = arith.addi %mul3A_44, %add3A_95 : i32
      %dma_wait3A_97 = arith.constant 0 : i32
      %dma_wait3A_98 = tpu.memref_slice %arg5[%add3A_96, %dma_wait3A_97] : memref<65x40xi32, #tpu.memory_space<vmem>> -> memref<1x40xi32, #tpu.memory_space<vmem>>
      %dma_wait3A_99 = tpu.memref_squeeze %dma_wait3A_98 : memref<1x40xi32, #tpu.memory_space<vmem>> -> memref<40xi32, #tpu.memory_space<vmem>>
      %dma_wait3A_100 = arith.constant 0 : i32
      %dma_wait3A_101 = arith.constant 0 : i32
      %dma_wait3A_102 = tpu.memref_slice %arg2[%dma_wait3A_100, %dma_wait3A_101] : memref<10000x128xf32, #tpu.memory_space<hbm>> -> memref<10000x128xf32, #tpu.memory_space<hbm>>
      tpu.wait_indirect_dma semaphore(%arg14 : memref<!tpu.dma_semaphore, #tpu.memory_space<semaphore_mem>>) src(%dma_wait3A_102 : memref<10000x128xf32, #tpu.memory_space<hbm>>) dst(%arg9 : memref<40x128xf32, #tpu.memory_space<vmem>>)
      %add3A_103 = arith.constant 3 : i32
      %add3A_104 = arith.addi %mul3A_44, %add3A_103 : i32
      %mul3A_105 = arith.constant 40 : i32
      %mul3A_106 = arith.muli %add3A_104, %mul3A_105 : i32
      %add3A_107 = arith.addi %mul3A_2, %mul3A_106 : i32
      %dma_start3A_108 = arith.constant 0 : i32
      %dma_start3A_109 = tpu.memref_slice %arg4[%add3A_107, %dma_start3A_108] : memref<83200x128xf32, #tpu.memory_space<hbm>> -> memref<40x128xf32, #tpu.memory_space<hbm>>
      %dma_start3A_110 = arith.constant 0 : i32
      %dma_start3A_111 = tpu.memref_slice %arg4[%add3A_107, %dma_start3A_110] : memref<83200x128xf32, #tpu.memory_space<hbm>> -> memref<40x128xf32, #tpu.memory_space<hbm>>
      tpu.enqueue_dma source(%arg9 : memref<40x128xf32, #tpu.memory_space<vmem>>) target(%dma_start3A_111 : memref<40x128xf32, #tpu.memory_space<hbm>>) target_semaphore(%arg19 : memref<!tpu.dma_semaphore, #tpu.memory_space<semaphore_mem>>)
      %add3A_112 = arith.constant 4 : i32
      %add3A_113 = arith.addi %mul3A_44, %add3A_112 : i32
      %dma_wait3A_114 = arith.constant 0 : i32
      %dma_wait3A_115 = tpu.memref_slice %arg5[%add3A_113, %dma_wait3A_114] : memref<65x40xi32, #tpu.memory_space<vmem>> -> memref<1x40xi32, #tpu.memory_space<vmem>>
      %dma_wait3A_116 = tpu.memref_squeeze %dma_wait3A_115 : memref<1x40xi32, #tpu.memory_space<vmem>> -> memref<40xi32, #tpu.memory_space<vmem>>
      %dma_wait3A_117 = arith.constant 0 : i32
      %dma_wait3A_118 = arith.constant 0 : i32
      %dma_wait3A_119 = tpu.memref_slice %arg2[%dma_wait3A_117, %dma_wait3A_118] : memref<10000x128xf32, #tpu.memory_space<hbm>> -> memref<10000x128xf32, #tpu.memory_space<hbm>>
      tpu.wait_indirect_dma semaphore(%arg15 : memref<!tpu.dma_semaphore, #tpu.memory_space<semaphore_mem>>) src(%dma_wait3A_119 : memref<10000x128xf32, #tpu.memory_space<hbm>>) dst(%arg10 : memref<40x128xf32, #tpu.memory_space<vmem>>)
      %add3A_120 = arith.constant 4 : i32
      %add3A_121 = arith.addi %mul3A_44, %add3A_120 : i32
      %mul3A_122 = arith.constant 40 : i32
      %mul3A_123 = arith.muli %add3A_121, %mul3A_122 : i32
      %add3A_124 = arith.addi %mul3A_2, %mul3A_123 : i32
      %dma_start3A_125 = arith.constant 0 : i32
      %dma_start3A_126 = tpu.memref_slice %arg4[%add3A_124, %dma_start3A_125] : memref<83200x128xf32, #tpu.memory_space<hbm>> -> memref<40x128xf32, #tpu.memory_space<hbm>>
      %dma_start3A_127 = arith.constant 0 : i32
      %dma_start3A_128 = tpu.memref_slice %arg4[%add3A_124, %dma_start3A_127] : memref<83200x128xf32, #tpu.memory_space<hbm>> -> memref<40x128xf32, #tpu.memory_space<hbm>>
      tpu.enqueue_dma source(%arg10 : memref<40x128xf32, #tpu.memory_space<vmem>>) target(%dma_start3A_128 : memref<40x128xf32, #tpu.memory_space<hbm>>) target_semaphore(%arg20 : memref<!tpu.dma_semaphore, #tpu.memory_space<semaphore_mem>>)
      %add3A_129 = arith.constant 0 : i32
      %add3A_130 = arith.addi %mul3A_44, %add3A_129 : i32
      %mul3A_131 = arith.constant 40 : i32
      %mul3A_132 = arith.muli %add3A_130, %mul3A_131 : i32
      %add3A_133 = arith.addi %mul3A_2, %mul3A_132 : i32
      %dma_wait3A_134 = arith.constant 0 : i32
      %dma_wait3A_135 = tpu.memref_slice %arg4[%add3A_133, %dma_wait3A_134] : memref<83200x128xf32, #tpu.memory_space<hbm>> -> memref<40x128xf32, #tpu.memory_space<hbm>>
      %dma_wait3A_136 = arith.constant 0 : i32
      %dma_wait3A_137 = tpu.memref_slice %arg4[%add3A_133, %dma_wait3A_136] : memref<83200x128xf32, #tpu.memory_space<hbm>> -> memref<40x128xf32, #tpu.memory_space<hbm>>
      tpu.wait_dma2 semaphore(%arg16 : memref<!tpu.dma_semaphore, #tpu.memory_space<semaphore_mem>>) src(%arg6 : memref<40x128xf32, #tpu.memory_space<vmem>>) dst(%dma_wait3A_137 : memref<40x128xf32, #tpu.memory_space<hbm>>)
      %add3A_138 = arith.constant 1 : i32
      %add3A_139 = arith.addi %scan3A_42, %add3A_138 : i32
      %lt3A = arith.constant 13 : i32
      %lt3A_140 = arith.cmpi slt, %add3A_139, %lt3A : i32
      %convert_element_type3A = arith.extui %lt3A_140 : i1 to i32
      %cond3A = arith.constant 0 : i32
      %cond3A_141 = arith.cmpi ne, %convert_element_type3A, %cond3A : i32
      scf.if %cond3A_141 {
        %add3A_206 = arith.constant 5 : i32
        %add3A_207 = arith.addi %mul3A_44, %add3A_206 : i32
        %add3A_208 = arith.constant 0 : i32
        %add3A_209 = arith.addi %add3A_207, %add3A_208 : i32
        %dma_start3A_210 = arith.constant 0 : i32
        %dma_start3A_211 = tpu.memref_slice %arg5[%add3A_209, %dma_start3A_210] : memref<65x40xi32, #tpu.memory_space<vmem>> -> memref<1x40xi32, #tpu.memory_space<vmem>>
        %dma_start3A_212 = tpu.memref_squeeze %dma_start3A_211 : memref<1x40xi32, #tpu.memory_space<vmem>> -> memref<40xi32, #tpu.memory_space<vmem>>
        %dma_start3A_213 = arith.constant 0 : i32
        %dma_start3A_214 = arith.constant 0 : i32
        %dma_start3A_215 = tpu.memref_slice %arg2[%dma_start3A_213, %dma_start3A_214] : memref<10000x128xf32, #tpu.memory_space<hbm>> -> memref<10000x128xf32, #tpu.memory_space<hbm>>
        tpu.enqueue_indirect_dma source(%dma_start3A_215 : memref<10000x128xf32, #tpu.memory_space<hbm>>) target(%arg6 : memref<40x128xf32, #tpu.memory_space<vmem>>) offsets(%dma_start3A_212 : memref<40xi32, #tpu.memory_space<vmem>>) semaphore(%arg11 : memref<!tpu.dma_semaphore, #tpu.memory_space<semaphore_mem>>)
      } else {
      }
      %add3A_142 = arith.constant 1 : i32
      %add3A_143 = arith.addi %mul3A_44, %add3A_142 : i32
      %mul3A_144 = arith.constant 40 : i32
      %mul3A_145 = arith.muli %add3A_143, %mul3A_144 : i32
      %add3A_146 = arith.addi %mul3A_2, %mul3A_145 : i32
      %dma_wait3A_147 = arith.constant 0 : i32
      %dma_wait3A_148 = tpu.memref_slice %arg4[%add3A_146, %dma_wait3A_147] : memref<83200x128xf32, #tpu.memory_space<hbm>> -> memref<40x128xf32, #tpu.memory_space<hbm>>
      %dma_wait3A_149 = arith.constant 0 : i32
      %dma_wait3A_150 = tpu.memref_slice %arg4[%add3A_146, %dma_wait3A_149] : memref<83200x128xf32, #tpu.memory_space<hbm>> -> memref<40x128xf32, #tpu.memory_space<hbm>>
      tpu.wait_dma2 semaphore(%arg17 : memref<!tpu.dma_semaphore, #tpu.memory_space<semaphore_mem>>) src(%arg7 : memref<40x128xf32, #tpu.memory_space<vmem>>) dst(%dma_wait3A_150 : memref<40x128xf32, #tpu.memory_space<hbm>>)
      %add3A_151 = arith.constant 1 : i32
      %add3A_152 = arith.addi %scan3A_42, %add3A_151 : i32
      %lt3A_153 = arith.constant 13 : i32
      %lt3A_154 = arith.cmpi slt, %add3A_152, %lt3A_153 : i32
      %convert_element_type3A_155 = arith.extui %lt3A_154 : i1 to i32
      %cond3A_156 = arith.constant 0 : i32
      %cond3A_157 = arith.cmpi ne, %convert_element_type3A_155, %cond3A_156 : i32
      scf.if %cond3A_157 {
        %add3A_206 = arith.constant 5 : i32
        %add3A_207 = arith.addi %mul3A_44, %add3A_206 : i32
        %add3A_208 = arith.constant 1 : i32
        %add3A_209 = arith.addi %add3A_207, %add3A_208 : i32
        %dma_start3A_210 = arith.constant 0 : i32
        %dma_start3A_211 = tpu.memref_slice %arg5[%add3A_209, %dma_start3A_210] : memref<65x40xi32, #tpu.memory_space<vmem>> -> memref<1x40xi32, #tpu.memory_space<vmem>>
        %dma_start3A_212 = tpu.memref_squeeze %dma_start3A_211 : memref<1x40xi32, #tpu.memory_space<vmem>> -> memref<40xi32, #tpu.memory_space<vmem>>
        %dma_start3A_213 = arith.constant 0 : i32
        %dma_start3A_214 = arith.constant 0 : i32
        %dma_start3A_215 = tpu.memref_slice %arg2[%dma_start3A_213, %dma_start3A_214] : memref<10000x128xf32, #tpu.memory_space<hbm>> -> memref<10000x128xf32, #tpu.memory_space<hbm>>
        tpu.enqueue_indirect_dma source(%dma_start3A_215 : memref<10000x128xf32, #tpu.memory_space<hbm>>) target(%arg7 : memref<40x128xf32, #tpu.memory_space<vmem>>) offsets(%dma_start3A_212 : memref<40xi32, #tpu.memory_space<vmem>>) semaphore(%arg12 : memref<!tpu.dma_semaphore, #tpu.memory_space<semaphore_mem>>)
      } else {
      }
      %add3A_158 = arith.constant 2 : i32
      %add3A_159 = arith.addi %mul3A_44, %add3A_158 : i32
      %mul3A_160 = arith.constant 40 : i32
      %mul3A_161 = arith.muli %add3A_159, %mul3A_160 : i32
      %add3A_162 = arith.addi %mul3A_2, %mul3A_161 : i32
      %dma_wait3A_163 = arith.constant 0 : i32
      %dma_wait3A_164 = tpu.memref_slice %arg4[%add3A_162, %dma_wait3A_163] : memref<83200x128xf32, #tpu.memory_space<hbm>> -> memref<40x128xf32, #tpu.memory_space<hbm>>
      %dma_wait3A_165 = arith.constant 0 : i32
      %dma_wait3A_166 = tpu.memref_slice %arg4[%add3A_162, %dma_wait3A_165] : memref<83200x128xf32, #tpu.memory_space<hbm>> -> memref<40x128xf32, #tpu.memory_space<hbm>>
      tpu.wait_dma2 semaphore(%arg18 : memref<!tpu.dma_semaphore, #tpu.memory_space<semaphore_mem>>) src(%arg8 : memref<40x128xf32, #tpu.memory_space<vmem>>) dst(%dma_wait3A_166 : memref<40x128xf32, #tpu.memory_space<hbm>>)
      %add3A_167 = arith.constant 1 : i32
      %add3A_168 = arith.addi %scan3A_42, %add3A_167 : i32
      %lt3A_169 = arith.constant 13 : i32
      %lt3A_170 = arith.cmpi slt, %add3A_168, %lt3A_169 : i32
      %convert_element_type3A_171 = arith.extui %lt3A_170 : i1 to i32
      %cond3A_172 = arith.constant 0 : i32
      %cond3A_173 = arith.cmpi ne, %convert_element_type3A_171, %cond3A_172 : i32
      scf.if %cond3A_173 {
        %add3A_206 = arith.constant 5 : i32
        %add3A_207 = arith.addi %mul3A_44, %add3A_206 : i32
        %add3A_208 = arith.constant 2 : i32
        %add3A_209 = arith.addi %add3A_207, %add3A_208 : i32
        %dma_start3A_210 = arith.constant 0 : i32
        %dma_start3A_211 = tpu.memref_slice %arg5[%add3A_209, %dma_start3A_210] : memref<65x40xi32, #tpu.memory_space<vmem>> -> memref<1x40xi32, #tpu.memory_space<vmem>>
        %dma_start3A_212 = tpu.memref_squeeze %dma_start3A_211 : memref<1x40xi32, #tpu.memory_space<vmem>> -> memref<40xi32, #tpu.memory_space<vmem>>
        %dma_start3A_213 = arith.constant 0 : i32
        %dma_start3A_214 = arith.constant 0 : i32
        %dma_start3A_215 = tpu.memref_slice %arg2[%dma_start3A_213, %dma_start3A_214] : memref<10000x128xf32, #tpu.memory_space<hbm>> -> memref<10000x128xf32, #tpu.memory_space<hbm>>
        tpu.enqueue_indirect_dma source(%dma_start3A_215 : memref<10000x128xf32, #tpu.memory_space<hbm>>) target(%arg8 : memref<40x128xf32, #tpu.memory_space<vmem>>) offsets(%dma_start3A_212 : memref<40xi32, #tpu.memory_space<vmem>>) semaphore(%arg13 : memref<!tpu.dma_semaphore, #tpu.memory_space<semaphore_mem>>)
      } else {
      }
      %add3A_174 = arith.constant 3 : i32
      %add3A_175 = arith.addi %mul3A_44, %add3A_174 : i32
      %mul3A_176 = arith.constant 40 : i32
      %mul3A_177 = arith.muli %add3A_175, %mul3A_176 : i32
      %add3A_178 = arith.addi %mul3A_2, %mul3A_177 : i32
      %dma_wait3A_179 = arith.constant 0 : i32
      %dma_wait3A_180 = tpu.memref_slice %arg4[%add3A_178, %dma_wait3A_179] : memref<83200x128xf32, #tpu.memory_space<hbm>> -> memref<40x128xf32, #tpu.memory_space<hbm>>
      %dma_wait3A_181 = arith.constant 0 : i32
      %dma_wait3A_182 = tpu.memref_slice %arg4[%add3A_178, %dma_wait3A_181] : memref<83200x128xf32, #tpu.memory_space<hbm>> -> memref<40x128xf32, #tpu.memory_space<hbm>>
      tpu.wait_dma2 semaphore(%arg19 : memref<!tpu.dma_semaphore, #tpu.memory_space<semaphore_mem>>) src(%arg9 : memref<40x128xf32, #tpu.memory_space<vmem>>) dst(%dma_wait3A_182 : memref<40x128xf32, #tpu.memory_space<hbm>>)
      %add3A_183 = arith.constant 1 : i32
      %add3A_184 = arith.addi %scan3A_42, %add3A_183 : i32
      %lt3A_185 = arith.constant 13 : i32
      %lt3A_186 = arith.cmpi slt, %add3A_184, %lt3A_185 : i32
      %convert_element_type3A_187 = arith.extui %lt3A_186 : i1 to i32
      %cond3A_188 = arith.constant 0 : i32
      %cond3A_189 = arith.cmpi ne, %convert_element_type3A_187, %cond3A_188 : i32
      scf.if %cond3A_189 {
        %add3A_206 = arith.constant 5 : i32
        %add3A_207 = arith.addi %mul3A_44, %add3A_206 : i32
        %add3A_208 = arith.constant 3 : i32
        %add3A_209 = arith.addi %add3A_207, %add3A_208 : i32
        %dma_start3A_210 = arith.constant 0 : i32
        %dma_start3A_211 = tpu.memref_slice %arg5[%add3A_209, %dma_start3A_210] : memref<65x40xi32, #tpu.memory_space<vmem>> -> memref<1x40xi32, #tpu.memory_space<vmem>>
        %dma_start3A_212 = tpu.memref_squeeze %dma_start3A_211 : memref<1x40xi32, #tpu.memory_space<vmem>> -> memref<40xi32, #tpu.memory_space<vmem>>
        %dma_start3A_213 = arith.constant 0 : i32
        %dma_start3A_214 = arith.constant 0 : i32
        %dma_start3A_215 = tpu.memref_slice %arg2[%dma_start3A_213, %dma_start3A_214] : memref<10000x128xf32, #tpu.memory_space<hbm>> -> memref<10000x128xf32, #tpu.memory_space<hbm>>
        tpu.enqueue_indirect_dma source(%dma_start3A_215 : memref<10000x128xf32, #tpu.memory_space<hbm>>) target(%arg9 : memref<40x128xf32, #tpu.memory_space<vmem>>) offsets(%dma_start3A_212 : memref<40xi32, #tpu.memory_space<vmem>>) semaphore(%arg14 : memref<!tpu.dma_semaphore, #tpu.memory_space<semaphore_mem>>)
      } else {
      }
      %add3A_190 = arith.constant 4 : i32
      %add3A_191 = arith.addi %mul3A_44, %add3A_190 : i32
      %mul3A_192 = arith.constant 40 : i32
      %mul3A_193 = arith.muli %add3A_191, %mul3A_192 : i32
      %add3A_194 = arith.addi %mul3A_2, %mul3A_193 : i32
      %dma_wait3A_195 = arith.constant 0 : i32
      %dma_wait3A_196 = tpu.memref_slice %arg4[%add3A_194, %dma_wait3A_195] : memref<83200x128xf32, #tpu.memory_space<hbm>> -> memref<40x128xf32, #tpu.memory_space<hbm>>
      %dma_wait3A_197 = arith.constant 0 : i32
      %dma_wait3A_198 = tpu.memref_slice %arg4[%add3A_194, %dma_wait3A_197] : memref<83200x128xf32, #tpu.memory_space<hbm>> -> memref<40x128xf32, #tpu.memory_space<hbm>>
      tpu.wait_dma2 semaphore(%arg20 : memref<!tpu.dma_semaphore, #tpu.memory_space<semaphore_mem>>) src(%arg10 : memref<40x128xf32, #tpu.memory_space<vmem>>) dst(%dma_wait3A_198 : memref<40x128xf32, #tpu.memory_space<hbm>>)
      %add3A_199 = arith.constant 1 : i32
      %add3A_200 = arith.addi %scan3A_42, %add3A_199 : i32
      %lt3A_201 = arith.constant 13 : i32
      %lt3A_202 = arith.cmpi slt, %add3A_200, %lt3A_201 : i32
      %convert_element_type3A_203 = arith.extui %lt3A_202 : i1 to i32
      %cond3A_204 = arith.constant 0 : i32
      %cond3A_205 = arith.cmpi ne, %convert_element_type3A_203, %cond3A_204 : i32
      scf.if %cond3A_205 {
        %add3A_206 = arith.constant 5 : i32
        %add3A_207 = arith.addi %mul3A_44, %add3A_206 : i32
        %add3A_208 = arith.constant 4 : i32
        %add3A_209 = arith.addi %add3A_207, %add3A_208 : i32
        %dma_start3A_210 = arith.constant 0 : i32
        %dma_start3A_211 = tpu.memref_slice %arg5[%add3A_209, %dma_start3A_210] : memref<65x40xi32, #tpu.memory_space<vmem>> -> memref<1x40xi32, #tpu.memory_space<vmem>>
        %dma_start3A_212 = tpu.memref_squeeze %dma_start3A_211 : memref<1x40xi32, #tpu.memory_space<vmem>> -> memref<40xi32, #tpu.memory_space<vmem>>
        %dma_start3A_213 = arith.constant 0 : i32
        %dma_start3A_214 = arith.constant 0 : i32
        %dma_start3A_215 = tpu.memref_slice %arg2[%dma_start3A_213, %dma_start3A_214] : memref<10000x128xf32, #tpu.memory_space<hbm>> -> memref<10000x128xf32, #tpu.memory_space<hbm>>
        tpu.enqueue_indirect_dma source(%dma_start3A_215 : memref<10000x128xf32, #tpu.memory_space<hbm>>) target(%arg10 : memref<40x128xf32, #tpu.memory_space<vmem>>) offsets(%dma_start3A_212 : memref<40xi32, #tpu.memory_space<vmem>>) semaphore(%arg15 : memref<!tpu.dma_semaphore, #tpu.memory_space<semaphore_mem>>)
      } else {
      }
    }
    %scan3A_41 = arith.constant 13 : i32
    return
  }
}

#map = affine_map<(d0, d1) -> (0, 0)>
#map1 = affine_map<(d0, d1) -> (0, 0, 0)>
module attributes {stable_mosaic.version = 14 : i64} {
  func.func @k(%arg0: i32, %arg1: i32, %arg2: memref<76800x128xf32, #tpu.memory_space<hbm>>, %arg3: memref<32x60x40xi32, #tpu.memory_space<hbm>>, %arg4: memref<632x128xf32, #tpu.memory_space<hbm>>, %arg5: memref<2x10112x128xf32, #tpu.memory_space<hbm>>, %arg6: memref<60x40xi32, #tpu.memory_space<vmem>>, %arg7: memref<10112x128xf32, #tpu.memory_space<vmem_shared>>, %arg8: memref<40x128xf32, #tpu.memory_space<vmem>>, %arg9: memref<40x128xf32, #tpu.memory_space<vmem>>, %arg10: memref<40x128xf32, #tpu.memory_space<vmem>>, %arg11: memref<40x128xf32, #tpu.memory_space<vmem>>, %arg12: memref<40x128xf32, #tpu.memory_space<vmem>>, %arg13: memref<!tpu.dma_semaphore, #tpu.memory_space<semaphore_mem>>, %arg14: memref<!tpu.dma_semaphore, #tpu.memory_space<semaphore_mem>>, %arg15: memref<!tpu.dma_semaphore, #tpu.memory_space<semaphore_mem>>, %arg16: memref<!tpu.dma_semaphore, #tpu.memory_space<semaphore_mem>>, %arg17: memref<!tpu.dma_semaphore, #tpu.memory_space<semaphore_mem>>, %arg18: memref<!tpu.dma_semaphore, #tpu.memory_space<semaphore_mem>>, %arg19: memref<!tpu.dma_semaphore, #tpu.memory_space<semaphore_mem>>, %arg20: memref<!tpu.dma_semaphore, #tpu.memory_space<semaphore_mem>>, %arg21: memref<!tpu.dma_semaphore, #tpu.memory_space<semaphore_mem>>, %arg22: memref<!tpu.dma_semaphore, #tpu.memory_space<semaphore_mem>>) attributes {dimension_semantics = [#tpu.dimension_semantics<core_parallel>, #tpu.dimension_semantics<subcore_parallel>], iteration_bounds = array<i64: 2, 16>, scalar_prefetch = 0 : i64, scratch_operands = 17 : i64, tpu.core_type = #tpu.core_type<sc_vector_subcore>, window_params = [{transform_indices = #map}, {transform_indices = #map1}, {transform_indices = #map}, {transform_indices = #map1}]} {
    %mul3A = arith.constant 2 : i32
    %mul3A_0 = arith.muli %arg1, %mul3A : i32
    %add3A = arith.addi %mul3A_0, %arg0 : i32
    %mul3A_1 = arith.constant 632 : i32
    %mul3A_2 = arith.muli %arg1, %mul3A_1 : i32
    "tpu.region"() ({
      %run_scoped3A = tpu.sem_alloc : memref<!tpu.dma_semaphore, #tpu.memory_space<semaphore_mem>>
      %dma_start3A_40 = arith.constant 0 : i32
      %dma_start3A_41 = tpu.memref_slice %arg7[%mul3A_2, %dma_start3A_40] : memref<10112x128xf32, #tpu.memory_space<vmem_shared>> -> memref<632x128xf32, #tpu.memory_space<vmem_shared>>
      tpu.enqueue_dma source(%arg4 : memref<632x128xf32, #tpu.memory_space<hbm>>) target(%dma_start3A_41 : memref<632x128xf32, #tpu.memory_space<vmem_shared>>) target_semaphore(%run_scoped3A : memref<!tpu.dma_semaphore, #tpu.memory_space<semaphore_mem>>)
      %dma_wait3A = arith.constant 0 : i32
      %dma_wait3A_42 = tpu.memref_slice %arg7[%mul3A_2, %dma_wait3A] : memref<10112x128xf32, #tpu.memory_space<vmem_shared>> -> memref<632x128xf32, #tpu.memory_space<vmem_shared>>
      tpu.wait_dma2 semaphore(%run_scoped3A : memref<!tpu.dma_semaphore, #tpu.memory_space<semaphore_mem>>) src(%arg4 : memref<632x128xf32, #tpu.memory_space<hbm>>) dst(%dma_wait3A_42 : memref<632x128xf32, #tpu.memory_space<vmem_shared>>)
      tpu.yield
    }) : () -> ()
    "tpu.region"() ({
      %run_scoped3A = tpu.sem_alloc : memref<!tpu.dma_semaphore, #tpu.memory_space<semaphore_mem>>
      %dma_start3A_40 = arith.constant 0 : i32
      %dma_start3A_41 = arith.constant 0 : i32
      %dma_start3A_42 = tpu.memref_slice %arg3[%add3A, %dma_start3A_40, %dma_start3A_41] : memref<32x60x40xi32, #tpu.memory_space<hbm>> -> memref<1x60x40xi32, #tpu.memory_space<hbm>>
      %dma_start3A_43 = tpu.memref_squeeze %dma_start3A_42 : memref<1x60x40xi32, #tpu.memory_space<hbm>> -> memref<60x40xi32, #tpu.memory_space<hbm>>
      %dma_start3A_44 = arith.constant 0 : i32
      %dma_start3A_45 = arith.constant 0 : i32
      %dma_start3A_46 = tpu.memref_slice %arg3[%add3A, %dma_start3A_44, %dma_start3A_45] : memref<32x60x40xi32, #tpu.memory_space<hbm>> -> memref<1x60x40xi32, #tpu.memory_space<hbm>>
      %dma_start3A_47 = tpu.memref_squeeze %dma_start3A_46 : memref<1x60x40xi32, #tpu.memory_space<hbm>> -> memref<60x40xi32, #tpu.memory_space<hbm>>
      tpu.enqueue_dma source(%dma_start3A_47 : memref<60x40xi32, #tpu.memory_space<hbm>>) target(%arg6 : memref<60x40xi32, #tpu.memory_space<vmem>>) target_semaphore(%run_scoped3A : memref<!tpu.dma_semaphore, #tpu.memory_space<semaphore_mem>>)
      %dma_wait3A = arith.constant 0 : i32
      %dma_wait3A_48 = arith.constant 0 : i32
      %dma_wait3A_49 = tpu.memref_slice %arg3[%add3A, %dma_wait3A, %dma_wait3A_48] : memref<32x60x40xi32, #tpu.memory_space<hbm>> -> memref<1x60x40xi32, #tpu.memory_space<hbm>>
      %dma_wait3A_50 = tpu.memref_squeeze %dma_wait3A_49 : memref<1x60x40xi32, #tpu.memory_space<hbm>> -> memref<60x40xi32, #tpu.memory_space<hbm>>
      %dma_wait3A_51 = arith.constant 0 : i32
      %dma_wait3A_52 = arith.constant 0 : i32
      %dma_wait3A_53 = tpu.memref_slice %arg3[%add3A, %dma_wait3A_51, %dma_wait3A_52] : memref<32x60x40xi32, #tpu.memory_space<hbm>> -> memref<1x60x40xi32, #tpu.memory_space<hbm>>
      %dma_wait3A_54 = tpu.memref_squeeze %dma_wait3A_53 : memref<1x60x40xi32, #tpu.memory_space<hbm>> -> memref<60x40xi32, #tpu.memory_space<hbm>>
      tpu.wait_dma2 semaphore(%run_scoped3A : memref<!tpu.dma_semaphore, #tpu.memory_space<semaphore_mem>>) src(%dma_wait3A_54 : memref<60x40xi32, #tpu.memory_space<hbm>>) dst(%arg6 : memref<60x40xi32, #tpu.memory_space<vmem>>)
      tpu.yield
    }) : () -> ()
    %barrier3A = arith.constant 0 : index
    tpu.barrier barrier_id(%barrier3A)
    %mul3A_3 = arith.constant 2400 : i32
    %mul3A_4 = arith.muli %add3A, %mul3A_3 : i32
    %add3A_5 = arith.constant 0 : i32
    %add3A_6 = arith.addi %mul3A_4, %add3A_5 : i32
    %dma_start3A = arith.constant 0 : i32
    %dma_start3A_7 = tpu.memref_slice %arg2[%add3A_6, %dma_start3A] : memref<76800x128xf32, #tpu.memory_space<hbm>> -> memref<40x128xf32, #tpu.memory_space<hbm>>
    %dma_start3A_8 = arith.constant 0 : i32
    %dma_start3A_9 = tpu.memref_slice %arg2[%add3A_6, %dma_start3A_8] : memref<76800x128xf32, #tpu.memory_space<hbm>> -> memref<40x128xf32, #tpu.memory_space<hbm>>
    tpu.enqueue_dma source(%dma_start3A_9 : memref<40x128xf32, #tpu.memory_space<hbm>>) target(%arg8 : memref<40x128xf32, #tpu.memory_space<vmem>>) target_semaphore(%arg13 : memref<!tpu.dma_semaphore, #tpu.memory_space<semaphore_mem>>)
    %add3A_10 = arith.constant 40 : i32
    %add3A_11 = arith.addi %mul3A_4, %add3A_10 : i32
    %dma_start3A_12 = arith.constant 0 : i32
    %dma_start3A_13 = tpu.memref_slice %arg2[%add3A_11, %dma_start3A_12] : memref<76800x128xf32, #tpu.memory_space<hbm>> -> memref<40x128xf32, #tpu.memory_space<hbm>>
    %dma_start3A_14 = arith.constant 0 : i32
    %dma_start3A_15 = tpu.memref_slice %arg2[%add3A_11, %dma_start3A_14] : memref<76800x128xf32, #tpu.memory_space<hbm>> -> memref<40x128xf32, #tpu.memory_space<hbm>>
    tpu.enqueue_dma source(%dma_start3A_15 : memref<40x128xf32, #tpu.memory_space<hbm>>) target(%arg9 : memref<40x128xf32, #tpu.memory_space<vmem>>) target_semaphore(%arg14 : memref<!tpu.dma_semaphore, #tpu.memory_space<semaphore_mem>>)
    %add3A_16 = arith.constant 80 : i32
    %add3A_17 = arith.addi %mul3A_4, %add3A_16 : i32
    %dma_start3A_18 = arith.constant 0 : i32
    %dma_start3A_19 = tpu.memref_slice %arg2[%add3A_17, %dma_start3A_18] : memref<76800x128xf32, #tpu.memory_space<hbm>> -> memref<40x128xf32, #tpu.memory_space<hbm>>
    %dma_start3A_20 = arith.constant 0 : i32
    %dma_start3A_21 = tpu.memref_slice %arg2[%add3A_17, %dma_start3A_20] : memref<76800x128xf32, #tpu.memory_space<hbm>> -> memref<40x128xf32, #tpu.memory_space<hbm>>
    tpu.enqueue_dma source(%dma_start3A_21 : memref<40x128xf32, #tpu.memory_space<hbm>>) target(%arg10 : memref<40x128xf32, #tpu.memory_space<vmem>>) target_semaphore(%arg15 : memref<!tpu.dma_semaphore, #tpu.memory_space<semaphore_mem>>)
    %add3A_22 = arith.constant 120 : i32
    %add3A_23 = arith.addi %mul3A_4, %add3A_22 : i32
    %dma_start3A_24 = arith.constant 0 : i32
    %dma_start3A_25 = tpu.memref_slice %arg2[%add3A_23, %dma_start3A_24] : memref<76800x128xf32, #tpu.memory_space<hbm>> -> memref<40x128xf32, #tpu.memory_space<hbm>>
    %dma_start3A_26 = arith.constant 0 : i32
    %dma_start3A_27 = tpu.memref_slice %arg2[%add3A_23, %dma_start3A_26] : memref<76800x128xf32, #tpu.memory_space<hbm>> -> memref<40x128xf32, #tpu.memory_space<hbm>>
    tpu.enqueue_dma source(%dma_start3A_27 : memref<40x128xf32, #tpu.memory_space<hbm>>) target(%arg11 : memref<40x128xf32, #tpu.memory_space<vmem>>) target_semaphore(%arg16 : memref<!tpu.dma_semaphore, #tpu.memory_space<semaphore_mem>>)
    %add3A_28 = arith.constant 160 : i32
    %add3A_29 = arith.addi %mul3A_4, %add3A_28 : i32
    %dma_start3A_30 = arith.constant 0 : i32
    %dma_start3A_31 = tpu.memref_slice %arg2[%add3A_29, %dma_start3A_30] : memref<76800x128xf32, #tpu.memory_space<hbm>> -> memref<40x128xf32, #tpu.memory_space<hbm>>
    %dma_start3A_32 = arith.constant 0 : i32
    %dma_start3A_33 = tpu.memref_slice %arg2[%add3A_29, %dma_start3A_32] : memref<76800x128xf32, #tpu.memory_space<hbm>> -> memref<40x128xf32, #tpu.memory_space<hbm>>
    tpu.enqueue_dma source(%dma_start3A_33 : memref<40x128xf32, #tpu.memory_space<hbm>>) target(%arg12 : memref<40x128xf32, #tpu.memory_space<vmem>>) target_semaphore(%arg17 : memref<!tpu.dma_semaphore, #tpu.memory_space<semaphore_mem>>)
    %scan3A = arith.constant 0 : i32
    %scan3A_34 = arith.constant 0 : i32
    %scan3A_35 = arith.constant 12 : i32
    %scan3A_36 = arith.addi %scan3A_34, %scan3A_35 : i32
    %scan3A_37 = arith.constant 1 : i32
    scf.for %scan3A_40 = %scan3A_34 to %scan3A_36 step %scan3A_37  : i32 {
      %mul3A_41 = arith.constant 5 : i32
      %mul3A_42 = arith.muli %scan3A_40, %mul3A_41 : i32
      %add3A_43 = arith.constant 0 : i32
      %add3A_44 = arith.addi %mul3A_42, %add3A_43 : i32
      %mul3A_45 = arith.constant 40 : i32
      %mul3A_46 = arith.muli %add3A_44, %mul3A_45 : i32
      %add3A_47 = arith.addi %mul3A_4, %mul3A_46 : i32
      %dma_wait3A = arith.constant 0 : i32
      %dma_wait3A_48 = tpu.memref_slice %arg2[%add3A_47, %dma_wait3A] : memref<76800x128xf32, #tpu.memory_space<hbm>> -> memref<40x128xf32, #tpu.memory_space<hbm>>
      %dma_wait3A_49 = arith.constant 0 : i32
      %dma_wait3A_50 = tpu.memref_slice %arg2[%add3A_47, %dma_wait3A_49] : memref<76800x128xf32, #tpu.memory_space<hbm>> -> memref<40x128xf32, #tpu.memory_space<hbm>>
      tpu.wait_dma2 semaphore(%arg13 : memref<!tpu.dma_semaphore, #tpu.memory_space<semaphore_mem>>) src(%dma_wait3A_50 : memref<40x128xf32, #tpu.memory_space<hbm>>) dst(%arg8 : memref<40x128xf32, #tpu.memory_space<vmem>>)
      %add3A_51 = arith.constant 0 : i32
      %add3A_52 = arith.addi %mul3A_42, %add3A_51 : i32
      %dma_start3A_53 = arith.constant 0 : i32
      %dma_start3A_54 = tpu.memref_slice %arg6[%add3A_52, %dma_start3A_53] : memref<60x40xi32, #tpu.memory_space<vmem>> -> memref<1x40xi32, #tpu.memory_space<vmem>>
      %dma_start3A_55 = tpu.memref_squeeze %dma_start3A_54 : memref<1x40xi32, #tpu.memory_space<vmem>> -> memref<40xi32, #tpu.memory_space<vmem>>
      %dma_start3A_56 = arith.constant 0 : i32
      %dma_start3A_57 = arith.constant 0 : i32
      %dma_start3A_58 = tpu.memref_slice %arg7[%dma_start3A_56, %dma_start3A_57] : memref<10112x128xf32, #tpu.memory_space<vmem_shared>> -> memref<10112x128xf32, #tpu.memory_space<vmem_shared>>
      tpu.enqueue_indirect_dma source(%arg8 : memref<40x128xf32, #tpu.memory_space<vmem>>) target(%dma_start3A_58 : memref<10112x128xf32, #tpu.memory_space<vmem_shared>>) offsets(%dma_start3A_55 : memref<40xi32, #tpu.memory_space<vmem>>) semaphore(%arg18 : memref<!tpu.dma_semaphore, #tpu.memory_space<semaphore_mem>>) {add = true}
      %add3A_59 = arith.constant 1 : i32
      %add3A_60 = arith.addi %mul3A_42, %add3A_59 : i32
      %mul3A_61 = arith.constant 40 : i32
      %mul3A_62 = arith.muli %add3A_60, %mul3A_61 : i32
      %add3A_63 = arith.addi %mul3A_4, %mul3A_62 : i32
      %dma_wait3A_64 = arith.constant 0 : i32
      %dma_wait3A_65 = tpu.memref_slice %arg2[%add3A_63, %dma_wait3A_64] : memref<76800x128xf32, #tpu.memory_space<hbm>> -> memref<40x128xf32, #tpu.memory_space<hbm>>
      %dma_wait3A_66 = arith.constant 0 : i32
      %dma_wait3A_67 = tpu.memref_slice %arg2[%add3A_63, %dma_wait3A_66] : memref<76800x128xf32, #tpu.memory_space<hbm>> -> memref<40x128xf32, #tpu.memory_space<hbm>>
      tpu.wait_dma2 semaphore(%arg14 : memref<!tpu.dma_semaphore, #tpu.memory_space<semaphore_mem>>) src(%dma_wait3A_67 : memref<40x128xf32, #tpu.memory_space<hbm>>) dst(%arg9 : memref<40x128xf32, #tpu.memory_space<vmem>>)
      %add3A_68 = arith.constant 1 : i32
      %add3A_69 = arith.addi %mul3A_42, %add3A_68 : i32
      %dma_start3A_70 = arith.constant 0 : i32
      %dma_start3A_71 = tpu.memref_slice %arg6[%add3A_69, %dma_start3A_70] : memref<60x40xi32, #tpu.memory_space<vmem>> -> memref<1x40xi32, #tpu.memory_space<vmem>>
      %dma_start3A_72 = tpu.memref_squeeze %dma_start3A_71 : memref<1x40xi32, #tpu.memory_space<vmem>> -> memref<40xi32, #tpu.memory_space<vmem>>
      %dma_start3A_73 = arith.constant 0 : i32
      %dma_start3A_74 = arith.constant 0 : i32
      %dma_start3A_75 = tpu.memref_slice %arg7[%dma_start3A_73, %dma_start3A_74] : memref<10112x128xf32, #tpu.memory_space<vmem_shared>> -> memref<10112x128xf32, #tpu.memory_space<vmem_shared>>
      tpu.enqueue_indirect_dma source(%arg9 : memref<40x128xf32, #tpu.memory_space<vmem>>) target(%dma_start3A_75 : memref<10112x128xf32, #tpu.memory_space<vmem_shared>>) offsets(%dma_start3A_72 : memref<40xi32, #tpu.memory_space<vmem>>) semaphore(%arg19 : memref<!tpu.dma_semaphore, #tpu.memory_space<semaphore_mem>>) {add = true}
      %add3A_76 = arith.constant 2 : i32
      %add3A_77 = arith.addi %mul3A_42, %add3A_76 : i32
      %mul3A_78 = arith.constant 40 : i32
      %mul3A_79 = arith.muli %add3A_77, %mul3A_78 : i32
      %add3A_80 = arith.addi %mul3A_4, %mul3A_79 : i32
      %dma_wait3A_81 = arith.constant 0 : i32
      %dma_wait3A_82 = tpu.memref_slice %arg2[%add3A_80, %dma_wait3A_81] : memref<76800x128xf32, #tpu.memory_space<hbm>> -> memref<40x128xf32, #tpu.memory_space<hbm>>
      %dma_wait3A_83 = arith.constant 0 : i32
      %dma_wait3A_84 = tpu.memref_slice %arg2[%add3A_80, %dma_wait3A_83] : memref<76800x128xf32, #tpu.memory_space<hbm>> -> memref<40x128xf32, #tpu.memory_space<hbm>>
      tpu.wait_dma2 semaphore(%arg15 : memref<!tpu.dma_semaphore, #tpu.memory_space<semaphore_mem>>) src(%dma_wait3A_84 : memref<40x128xf32, #tpu.memory_space<hbm>>) dst(%arg10 : memref<40x128xf32, #tpu.memory_space<vmem>>)
      %add3A_85 = arith.constant 2 : i32
      %add3A_86 = arith.addi %mul3A_42, %add3A_85 : i32
      %dma_start3A_87 = arith.constant 0 : i32
      %dma_start3A_88 = tpu.memref_slice %arg6[%add3A_86, %dma_start3A_87] : memref<60x40xi32, #tpu.memory_space<vmem>> -> memref<1x40xi32, #tpu.memory_space<vmem>>
      %dma_start3A_89 = tpu.memref_squeeze %dma_start3A_88 : memref<1x40xi32, #tpu.memory_space<vmem>> -> memref<40xi32, #tpu.memory_space<vmem>>
      %dma_start3A_90 = arith.constant 0 : i32
      %dma_start3A_91 = arith.constant 0 : i32
      %dma_start3A_92 = tpu.memref_slice %arg7[%dma_start3A_90, %dma_start3A_91] : memref<10112x128xf32, #tpu.memory_space<vmem_shared>> -> memref<10112x128xf32, #tpu.memory_space<vmem_shared>>
      tpu.enqueue_indirect_dma source(%arg10 : memref<40x128xf32, #tpu.memory_space<vmem>>) target(%dma_start3A_92 : memref<10112x128xf32, #tpu.memory_space<vmem_shared>>) offsets(%dma_start3A_89 : memref<40xi32, #tpu.memory_space<vmem>>) semaphore(%arg20 : memref<!tpu.dma_semaphore, #tpu.memory_space<semaphore_mem>>) {add = true}
      %add3A_93 = arith.constant 3 : i32
      %add3A_94 = arith.addi %mul3A_42, %add3A_93 : i32
      %mul3A_95 = arith.constant 40 : i32
      %mul3A_96 = arith.muli %add3A_94, %mul3A_95 : i32
      %add3A_97 = arith.addi %mul3A_4, %mul3A_96 : i32
      %dma_wait3A_98 = arith.constant 0 : i32
      %dma_wait3A_99 = tpu.memref_slice %arg2[%add3A_97, %dma_wait3A_98] : memref<76800x128xf32, #tpu.memory_space<hbm>> -> memref<40x128xf32, #tpu.memory_space<hbm>>
      %dma_wait3A_100 = arith.constant 0 : i32
      %dma_wait3A_101 = tpu.memref_slice %arg2[%add3A_97, %dma_wait3A_100] : memref<76800x128xf32, #tpu.memory_space<hbm>> -> memref<40x128xf32, #tpu.memory_space<hbm>>
      tpu.wait_dma2 semaphore(%arg16 : memref<!tpu.dma_semaphore, #tpu.memory_space<semaphore_mem>>) src(%dma_wait3A_101 : memref<40x128xf32, #tpu.memory_space<hbm>>) dst(%arg11 : memref<40x128xf32, #tpu.memory_space<vmem>>)
      %add3A_102 = arith.constant 3 : i32
      %add3A_103 = arith.addi %mul3A_42, %add3A_102 : i32
      %dma_start3A_104 = arith.constant 0 : i32
      %dma_start3A_105 = tpu.memref_slice %arg6[%add3A_103, %dma_start3A_104] : memref<60x40xi32, #tpu.memory_space<vmem>> -> memref<1x40xi32, #tpu.memory_space<vmem>>
      %dma_start3A_106 = tpu.memref_squeeze %dma_start3A_105 : memref<1x40xi32, #tpu.memory_space<vmem>> -> memref<40xi32, #tpu.memory_space<vmem>>
      %dma_start3A_107 = arith.constant 0 : i32
      %dma_start3A_108 = arith.constant 0 : i32
      %dma_start3A_109 = tpu.memref_slice %arg7[%dma_start3A_107, %dma_start3A_108] : memref<10112x128xf32, #tpu.memory_space<vmem_shared>> -> memref<10112x128xf32, #tpu.memory_space<vmem_shared>>
      tpu.enqueue_indirect_dma source(%arg11 : memref<40x128xf32, #tpu.memory_space<vmem>>) target(%dma_start3A_109 : memref<10112x128xf32, #tpu.memory_space<vmem_shared>>) offsets(%dma_start3A_106 : memref<40xi32, #tpu.memory_space<vmem>>) semaphore(%arg21 : memref<!tpu.dma_semaphore, #tpu.memory_space<semaphore_mem>>) {add = true}
      %add3A_110 = arith.constant 4 : i32
      %add3A_111 = arith.addi %mul3A_42, %add3A_110 : i32
      %mul3A_112 = arith.constant 40 : i32
      %mul3A_113 = arith.muli %add3A_111, %mul3A_112 : i32
      %add3A_114 = arith.addi %mul3A_4, %mul3A_113 : i32
      %dma_wait3A_115 = arith.constant 0 : i32
      %dma_wait3A_116 = tpu.memref_slice %arg2[%add3A_114, %dma_wait3A_115] : memref<76800x128xf32, #tpu.memory_space<hbm>> -> memref<40x128xf32, #tpu.memory_space<hbm>>
      %dma_wait3A_117 = arith.constant 0 : i32
      %dma_wait3A_118 = tpu.memref_slice %arg2[%add3A_114, %dma_wait3A_117] : memref<76800x128xf32, #tpu.memory_space<hbm>> -> memref<40x128xf32, #tpu.memory_space<hbm>>
      tpu.wait_dma2 semaphore(%arg17 : memref<!tpu.dma_semaphore, #tpu.memory_space<semaphore_mem>>) src(%dma_wait3A_118 : memref<40x128xf32, #tpu.memory_space<hbm>>) dst(%arg12 : memref<40x128xf32, #tpu.memory_space<vmem>>)
      %add3A_119 = arith.constant 4 : i32
      %add3A_120 = arith.addi %mul3A_42, %add3A_119 : i32
      %dma_start3A_121 = arith.constant 0 : i32
      %dma_start3A_122 = tpu.memref_slice %arg6[%add3A_120, %dma_start3A_121] : memref<60x40xi32, #tpu.memory_space<vmem>> -> memref<1x40xi32, #tpu.memory_space<vmem>>
      %dma_start3A_123 = tpu.memref_squeeze %dma_start3A_122 : memref<1x40xi32, #tpu.memory_space<vmem>> -> memref<40xi32, #tpu.memory_space<vmem>>
      %dma_start3A_124 = arith.constant 0 : i32
      %dma_start3A_125 = arith.constant 0 : i32
      %dma_start3A_126 = tpu.memref_slice %arg7[%dma_start3A_124, %dma_start3A_125] : memref<10112x128xf32, #tpu.memory_space<vmem_shared>> -> memref<10112x128xf32, #tpu.memory_space<vmem_shared>>
      tpu.enqueue_indirect_dma source(%arg12 : memref<40x128xf32, #tpu.memory_space<vmem>>) target(%dma_start3A_126 : memref<10112x128xf32, #tpu.memory_space<vmem_shared>>) offsets(%dma_start3A_123 : memref<40xi32, #tpu.memory_space<vmem>>) semaphore(%arg22 : memref<!tpu.dma_semaphore, #tpu.memory_space<semaphore_mem>>) {add = true}
      %add3A_127 = arith.constant 0 : i32
      %add3A_128 = arith.addi %mul3A_42, %add3A_127 : i32
      %dma_wait3A_129 = arith.constant 0 : i32
      %dma_wait3A_130 = tpu.memref_slice %arg6[%add3A_128, %dma_wait3A_129] : memref<60x40xi32, #tpu.memory_space<vmem>> -> memref<1x40xi32, #tpu.memory_space<vmem>>
      %dma_wait3A_131 = tpu.memref_squeeze %dma_wait3A_130 : memref<1x40xi32, #tpu.memory_space<vmem>> -> memref<40xi32, #tpu.memory_space<vmem>>
      %dma_wait3A_132 = arith.constant 0 : i32
      %dma_wait3A_133 = arith.constant 0 : i32
      %dma_wait3A_134 = tpu.memref_slice %arg7[%dma_wait3A_132, %dma_wait3A_133] : memref<10112x128xf32, #tpu.memory_space<vmem_shared>> -> memref<10112x128xf32, #tpu.memory_space<vmem_shared>>
      tpu.wait_indirect_dma semaphore(%arg18 : memref<!tpu.dma_semaphore, #tpu.memory_space<semaphore_mem>>) src(%arg8 : memref<40x128xf32, #tpu.memory_space<vmem>>) dst(%dma_wait3A_134 : memref<10112x128xf32, #tpu.memory_space<vmem_shared>>)
      %add3A_135 = arith.constant 1 : i32
      %add3A_136 = arith.addi %scan3A_40, %add3A_135 : i32
      %lt3A = arith.constant 12 : i32
      %lt3A_137 = arith.cmpi slt, %add3A_136, %lt3A : i32
      %convert_element_type3A = arith.extui %lt3A_137 : i1 to i32
      %cond3A = arith.constant 0 : i32
      %cond3A_138 = arith.cmpi ne, %convert_element_type3A, %cond3A : i32
      scf.if %cond3A_138 {
        %add3A_199 = arith.constant 5 : i32
        %add3A_200 = arith.addi %mul3A_42, %add3A_199 : i32
        %add3A_201 = arith.constant 0 : i32
        %add3A_202 = arith.addi %add3A_200, %add3A_201 : i32
        %mul3A_203 = arith.constant 40 : i32
        %mul3A_204 = arith.muli %add3A_202, %mul3A_203 : i32
        %add3A_205 = arith.addi %mul3A_4, %mul3A_204 : i32
        %dma_start3A_206 = arith.constant 0 : i32
        %dma_start3A_207 = tpu.memref_slice %arg2[%add3A_205, %dma_start3A_206] : memref<76800x128xf32, #tpu.memory_space<hbm>> -> memref<40x128xf32, #tpu.memory_space<hbm>>
        %dma_start3A_208 = arith.constant 0 : i32
        %dma_start3A_209 = tpu.memref_slice %arg2[%add3A_205, %dma_start3A_208] : memref<76800x128xf32, #tpu.memory_space<hbm>> -> memref<40x128xf32, #tpu.memory_space<hbm>>
        tpu.enqueue_dma source(%dma_start3A_209 : memref<40x128xf32, #tpu.memory_space<hbm>>) target(%arg8 : memref<40x128xf32, #tpu.memory_space<vmem>>) target_semaphore(%arg13 : memref<!tpu.dma_semaphore, #tpu.memory_space<semaphore_mem>>)
      } else {
      }
      %add3A_139 = arith.constant 1 : i32
      %add3A_140 = arith.addi %mul3A_42, %add3A_139 : i32
      %dma_wait3A_141 = arith.constant 0 : i32
      %dma_wait3A_142 = tpu.memref_slice %arg6[%add3A_140, %dma_wait3A_141] : memref<60x40xi32, #tpu.memory_space<vmem>> -> memref<1x40xi32, #tpu.memory_space<vmem>>
      %dma_wait3A_143 = tpu.memref_squeeze %dma_wait3A_142 : memref<1x40xi32, #tpu.memory_space<vmem>> -> memref<40xi32, #tpu.memory_space<vmem>>
      %dma_wait3A_144 = arith.constant 0 : i32
      %dma_wait3A_145 = arith.constant 0 : i32
      %dma_wait3A_146 = tpu.memref_slice %arg7[%dma_wait3A_144, %dma_wait3A_145] : memref<10112x128xf32, #tpu.memory_space<vmem_shared>> -> memref<10112x128xf32, #tpu.memory_space<vmem_shared>>
      tpu.wait_indirect_dma semaphore(%arg19 : memref<!tpu.dma_semaphore, #tpu.memory_space<semaphore_mem>>) src(%arg9 : memref<40x128xf32, #tpu.memory_space<vmem>>) dst(%dma_wait3A_146 : memref<10112x128xf32, #tpu.memory_space<vmem_shared>>)
      %add3A_147 = arith.constant 1 : i32
      %add3A_148 = arith.addi %scan3A_40, %add3A_147 : i32
      %lt3A_149 = arith.constant 12 : i32
      %lt3A_150 = arith.cmpi slt, %add3A_148, %lt3A_149 : i32
      %convert_element_type3A_151 = arith.extui %lt3A_150 : i1 to i32
      %cond3A_152 = arith.constant 0 : i32
      %cond3A_153 = arith.cmpi ne, %convert_element_type3A_151, %cond3A_152 : i32
      scf.if %cond3A_153 {
        %add3A_199 = arith.constant 5 : i32
        %add3A_200 = arith.addi %mul3A_42, %add3A_199 : i32
        %add3A_201 = arith.constant 1 : i32
        %add3A_202 = arith.addi %add3A_200, %add3A_201 : i32
        %mul3A_203 = arith.constant 40 : i32
        %mul3A_204 = arith.muli %add3A_202, %mul3A_203 : i32
        %add3A_205 = arith.addi %mul3A_4, %mul3A_204 : i32
        %dma_start3A_206 = arith.constant 0 : i32
        %dma_start3A_207 = tpu.memref_slice %arg2[%add3A_205, %dma_start3A_206] : memref<76800x128xf32, #tpu.memory_space<hbm>> -> memref<40x128xf32, #tpu.memory_space<hbm>>
        %dma_start3A_208 = arith.constant 0 : i32
        %dma_start3A_209 = tpu.memref_slice %arg2[%add3A_205, %dma_start3A_208] : memref<76800x128xf32, #tpu.memory_space<hbm>> -> memref<40x128xf32, #tpu.memory_space<hbm>>
        tpu.enqueue_dma source(%dma_start3A_209 : memref<40x128xf32, #tpu.memory_space<hbm>>) target(%arg9 : memref<40x128xf32, #tpu.memory_space<vmem>>) target_semaphore(%arg14 : memref<!tpu.dma_semaphore, #tpu.memory_space<semaphore_mem>>)
      } else {
      }
      %add3A_154 = arith.constant 2 : i32
      %add3A_155 = arith.addi %mul3A_42, %add3A_154 : i32
      %dma_wait3A_156 = arith.constant 0 : i32
      %dma_wait3A_157 = tpu.memref_slice %arg6[%add3A_155, %dma_wait3A_156] : memref<60x40xi32, #tpu.memory_space<vmem>> -> memref<1x40xi32, #tpu.memory_space<vmem>>
      %dma_wait3A_158 = tpu.memref_squeeze %dma_wait3A_157 : memref<1x40xi32, #tpu.memory_space<vmem>> -> memref<40xi32, #tpu.memory_space<vmem>>
      %dma_wait3A_159 = arith.constant 0 : i32
      %dma_wait3A_160 = arith.constant 0 : i32
      %dma_wait3A_161 = tpu.memref_slice %arg7[%dma_wait3A_159, %dma_wait3A_160] : memref<10112x128xf32, #tpu.memory_space<vmem_shared>> -> memref<10112x128xf32, #tpu.memory_space<vmem_shared>>
      tpu.wait_indirect_dma semaphore(%arg20 : memref<!tpu.dma_semaphore, #tpu.memory_space<semaphore_mem>>) src(%arg10 : memref<40x128xf32, #tpu.memory_space<vmem>>) dst(%dma_wait3A_161 : memref<10112x128xf32, #tpu.memory_space<vmem_shared>>)
      %add3A_162 = arith.constant 1 : i32
      %add3A_163 = arith.addi %scan3A_40, %add3A_162 : i32
      %lt3A_164 = arith.constant 12 : i32
      %lt3A_165 = arith.cmpi slt, %add3A_163, %lt3A_164 : i32
      %convert_element_type3A_166 = arith.extui %lt3A_165 : i1 to i32
      %cond3A_167 = arith.constant 0 : i32
      %cond3A_168 = arith.cmpi ne, %convert_element_type3A_166, %cond3A_167 : i32
      scf.if %cond3A_168 {
        %add3A_199 = arith.constant 5 : i32
        %add3A_200 = arith.addi %mul3A_42, %add3A_199 : i32
        %add3A_201 = arith.constant 2 : i32
        %add3A_202 = arith.addi %add3A_200, %add3A_201 : i32
        %mul3A_203 = arith.constant 40 : i32
        %mul3A_204 = arith.muli %add3A_202, %mul3A_203 : i32
        %add3A_205 = arith.addi %mul3A_4, %mul3A_204 : i32
        %dma_start3A_206 = arith.constant 0 : i32
        %dma_start3A_207 = tpu.memref_slice %arg2[%add3A_205, %dma_start3A_206] : memref<76800x128xf32, #tpu.memory_space<hbm>> -> memref<40x128xf32, #tpu.memory_space<hbm>>
        %dma_start3A_208 = arith.constant 0 : i32
        %dma_start3A_209 = tpu.memref_slice %arg2[%add3A_205, %dma_start3A_208] : memref<76800x128xf32, #tpu.memory_space<hbm>> -> memref<40x128xf32, #tpu.memory_space<hbm>>
        tpu.enqueue_dma source(%dma_start3A_209 : memref<40x128xf32, #tpu.memory_space<hbm>>) target(%arg10 : memref<40x128xf32, #tpu.memory_space<vmem>>) target_semaphore(%arg15 : memref<!tpu.dma_semaphore, #tpu.memory_space<semaphore_mem>>)
      } else {
      }
      %add3A_169 = arith.constant 3 : i32
      %add3A_170 = arith.addi %mul3A_42, %add3A_169 : i32
      %dma_wait3A_171 = arith.constant 0 : i32
      %dma_wait3A_172 = tpu.memref_slice %arg6[%add3A_170, %dma_wait3A_171] : memref<60x40xi32, #tpu.memory_space<vmem>> -> memref<1x40xi32, #tpu.memory_space<vmem>>
      %dma_wait3A_173 = tpu.memref_squeeze %dma_wait3A_172 : memref<1x40xi32, #tpu.memory_space<vmem>> -> memref<40xi32, #tpu.memory_space<vmem>>
      %dma_wait3A_174 = arith.constant 0 : i32
      %dma_wait3A_175 = arith.constant 0 : i32
      %dma_wait3A_176 = tpu.memref_slice %arg7[%dma_wait3A_174, %dma_wait3A_175] : memref<10112x128xf32, #tpu.memory_space<vmem_shared>> -> memref<10112x128xf32, #tpu.memory_space<vmem_shared>>
      tpu.wait_indirect_dma semaphore(%arg21 : memref<!tpu.dma_semaphore, #tpu.memory_space<semaphore_mem>>) src(%arg11 : memref<40x128xf32, #tpu.memory_space<vmem>>) dst(%dma_wait3A_176 : memref<10112x128xf32, #tpu.memory_space<vmem_shared>>)
      %add3A_177 = arith.constant 1 : i32
      %add3A_178 = arith.addi %scan3A_40, %add3A_177 : i32
      %lt3A_179 = arith.constant 12 : i32
      %lt3A_180 = arith.cmpi slt, %add3A_178, %lt3A_179 : i32
      %convert_element_type3A_181 = arith.extui %lt3A_180 : i1 to i32
      %cond3A_182 = arith.constant 0 : i32
      %cond3A_183 = arith.cmpi ne, %convert_element_type3A_181, %cond3A_182 : i32
      scf.if %cond3A_183 {
        %add3A_199 = arith.constant 5 : i32
        %add3A_200 = arith.addi %mul3A_42, %add3A_199 : i32
        %add3A_201 = arith.constant 3 : i32
        %add3A_202 = arith.addi %add3A_200, %add3A_201 : i32
        %mul3A_203 = arith.constant 40 : i32
        %mul3A_204 = arith.muli %add3A_202, %mul3A_203 : i32
        %add3A_205 = arith.addi %mul3A_4, %mul3A_204 : i32
        %dma_start3A_206 = arith.constant 0 : i32
        %dma_start3A_207 = tpu.memref_slice %arg2[%add3A_205, %dma_start3A_206] : memref<76800x128xf32, #tpu.memory_space<hbm>> -> memref<40x128xf32, #tpu.memory_space<hbm>>
        %dma_start3A_208 = arith.constant 0 : i32
        %dma_start3A_209 = tpu.memref_slice %arg2[%add3A_205, %dma_start3A_208] : memref<76800x128xf32, #tpu.memory_space<hbm>> -> memref<40x128xf32, #tpu.memory_space<hbm>>
        tpu.enqueue_dma source(%dma_start3A_209 : memref<40x128xf32, #tpu.memory_space<hbm>>) target(%arg11 : memref<40x128xf32, #tpu.memory_space<vmem>>) target_semaphore(%arg16 : memref<!tpu.dma_semaphore, #tpu.memory_space<semaphore_mem>>)
      } else {
      }
      %add3A_184 = arith.constant 4 : i32
      %add3A_185 = arith.addi %mul3A_42, %add3A_184 : i32
      %dma_wait3A_186 = arith.constant 0 : i32
      %dma_wait3A_187 = tpu.memref_slice %arg6[%add3A_185, %dma_wait3A_186] : memref<60x40xi32, #tpu.memory_space<vmem>> -> memref<1x40xi32, #tpu.memory_space<vmem>>
      %dma_wait3A_188 = tpu.memref_squeeze %dma_wait3A_187 : memref<1x40xi32, #tpu.memory_space<vmem>> -> memref<40xi32, #tpu.memory_space<vmem>>
      %dma_wait3A_189 = arith.constant 0 : i32
      %dma_wait3A_190 = arith.constant 0 : i32
      %dma_wait3A_191 = tpu.memref_slice %arg7[%dma_wait3A_189, %dma_wait3A_190] : memref<10112x128xf32, #tpu.memory_space<vmem_shared>> -> memref<10112x128xf32, #tpu.memory_space<vmem_shared>>
      tpu.wait_indirect_dma semaphore(%arg22 : memref<!tpu.dma_semaphore, #tpu.memory_space<semaphore_mem>>) src(%arg12 : memref<40x128xf32, #tpu.memory_space<vmem>>) dst(%dma_wait3A_191 : memref<10112x128xf32, #tpu.memory_space<vmem_shared>>)
      %add3A_192 = arith.constant 1 : i32
      %add3A_193 = arith.addi %scan3A_40, %add3A_192 : i32
      %lt3A_194 = arith.constant 12 : i32
      %lt3A_195 = arith.cmpi slt, %add3A_193, %lt3A_194 : i32
      %convert_element_type3A_196 = arith.extui %lt3A_195 : i1 to i32
      %cond3A_197 = arith.constant 0 : i32
      %cond3A_198 = arith.cmpi ne, %convert_element_type3A_196, %cond3A_197 : i32
      scf.if %cond3A_198 {
        %add3A_199 = arith.constant 5 : i32
        %add3A_200 = arith.addi %mul3A_42, %add3A_199 : i32
        %add3A_201 = arith.constant 4 : i32
        %add3A_202 = arith.addi %add3A_200, %add3A_201 : i32
        %mul3A_203 = arith.constant 40 : i32
        %mul3A_204 = arith.muli %add3A_202, %mul3A_203 : i32
        %add3A_205 = arith.addi %mul3A_4, %mul3A_204 : i32
        %dma_start3A_206 = arith.constant 0 : i32
        %dma_start3A_207 = tpu.memref_slice %arg2[%add3A_205, %dma_start3A_206] : memref<76800x128xf32, #tpu.memory_space<hbm>> -> memref<40x128xf32, #tpu.memory_space<hbm>>
        %dma_start3A_208 = arith.constant 0 : i32
        %dma_start3A_209 = tpu.memref_slice %arg2[%add3A_205, %dma_start3A_208] : memref<76800x128xf32, #tpu.memory_space<hbm>> -> memref<40x128xf32, #tpu.memory_space<hbm>>
        tpu.enqueue_dma source(%dma_start3A_209 : memref<40x128xf32, #tpu.memory_space<hbm>>) target(%arg12 : memref<40x128xf32, #tpu.memory_space<vmem>>) target_semaphore(%arg17 : memref<!tpu.dma_semaphore, #tpu.memory_space<semaphore_mem>>)
      } else {
      }
    }
    %scan3A_38 = arith.constant 12 : i32
    %barrier3A_39 = arith.constant 0 : index
    tpu.barrier barrier_id(%barrier3A_39)
    "tpu.region"() ({
      %run_scoped3A = tpu.sem_alloc : memref<!tpu.dma_semaphore, #tpu.memory_space<semaphore_mem>>
      %dma_start3A_40 = arith.constant 0 : i32
      %dma_start3A_41 = tpu.memref_slice %arg5[%arg0, %mul3A_2, %dma_start3A_40] : memref<2x10112x128xf32, #tpu.memory_space<hbm>> -> memref<1x632x128xf32, #tpu.memory_space<hbm>>
      %dma_start3A_42 = tpu.memref_squeeze %dma_start3A_41 : memref<1x632x128xf32, #tpu.memory_space<hbm>> -> memref<632x128xf32, #tpu.memory_space<hbm>>
      %dma_start3A_43 = arith.constant 0 : i32
      %dma_start3A_44 = tpu.memref_slice %arg7[%mul3A_2, %dma_start3A_43] : memref<10112x128xf32, #tpu.memory_space<vmem_shared>> -> memref<632x128xf32, #tpu.memory_space<vmem_shared>>
      tpu.enqueue_dma source(%dma_start3A_44 : memref<632x128xf32, #tpu.memory_space<vmem_shared>>) target(%dma_start3A_42 : memref<632x128xf32, #tpu.memory_space<hbm>>) target_semaphore(%run_scoped3A : memref<!tpu.dma_semaphore, #tpu.memory_space<semaphore_mem>>)
      %dma_wait3A = arith.constant 0 : i32
      %dma_wait3A_45 = tpu.memref_slice %arg5[%arg0, %mul3A_2, %dma_wait3A] : memref<2x10112x128xf32, #tpu.memory_space<hbm>> -> memref<1x632x128xf32, #tpu.memory_space<hbm>>
      %dma_wait3A_46 = tpu.memref_squeeze %dma_wait3A_45 : memref<1x632x128xf32, #tpu.memory_space<hbm>> -> memref<632x128xf32, #tpu.memory_space<hbm>>
      %dma_wait3A_47 = arith.constant 0 : i32
      %dma_wait3A_48 = tpu.memref_slice %arg7[%mul3A_2, %dma_wait3A_47] : memref<10112x128xf32, #tpu.memory_space<vmem_shared>> -> memref<632x128xf32, #tpu.memory_space<vmem_shared>>
      tpu.wait_dma2 semaphore(%run_scoped3A : memref<!tpu.dma_semaphore, #tpu.memory_space<semaphore_mem>>) src(%dma_wait3A_48 : memref<632x128xf32, #tpu.memory_space<vmem_shared>>) dst(%dma_wait3A_46 : memref<632x128xf32, #tpu.memory_space<hbm>>)
      tpu.yield
    }) : () -> ()
    return
  }
}

#map = affine_map<(d0, d1) -> (0, 0)>
#map1 = affine_map<(d0, d1) -> (0, 0, 0)>
module attributes {stable_mosaic.version = 14 : i64} {
  func.func @k(%arg0: i32, %arg1: i32, %arg2: memref<83200x128xf32, #tpu.memory_space<hbm>>, %arg3: memref<32x65x40xi32, #tpu.memory_space<hbm>>, %arg4: memref<632x128xf32, #tpu.memory_space<hbm>>, %arg5: memref<2x10112x128xf32, #tpu.memory_space<hbm>>, %arg6: memref<65x40xi32, #tpu.memory_space<vmem>>, %arg7: memref<10112x128xf32, #tpu.memory_space<vmem_shared>>, %arg8: memref<40x128xf32, #tpu.memory_space<vmem>>, %arg9: memref<40x128xf32, #tpu.memory_space<vmem>>, %arg10: memref<40x128xf32, #tpu.memory_space<vmem>>, %arg11: memref<40x128xf32, #tpu.memory_space<vmem>>, %arg12: memref<40x128xf32, #tpu.memory_space<vmem>>, %arg13: memref<!tpu.dma_semaphore, #tpu.memory_space<semaphore_mem>>, %arg14: memref<!tpu.dma_semaphore, #tpu.memory_space<semaphore_mem>>, %arg15: memref<!tpu.dma_semaphore, #tpu.memory_space<semaphore_mem>>, %arg16: memref<!tpu.dma_semaphore, #tpu.memory_space<semaphore_mem>>, %arg17: memref<!tpu.dma_semaphore, #tpu.memory_space<semaphore_mem>>, %arg18: memref<!tpu.dma_semaphore, #tpu.memory_space<semaphore_mem>>, %arg19: memref<!tpu.dma_semaphore, #tpu.memory_space<semaphore_mem>>, %arg20: memref<!tpu.dma_semaphore, #tpu.memory_space<semaphore_mem>>, %arg21: memref<!tpu.dma_semaphore, #tpu.memory_space<semaphore_mem>>, %arg22: memref<!tpu.dma_semaphore, #tpu.memory_space<semaphore_mem>>) attributes {dimension_semantics = [#tpu.dimension_semantics<core_parallel>, #tpu.dimension_semantics<subcore_parallel>], iteration_bounds = array<i64: 2, 16>, scalar_prefetch = 0 : i64, scratch_operands = 17 : i64, tpu.core_type = #tpu.core_type<sc_vector_subcore>, window_params = [{transform_indices = #map}, {transform_indices = #map1}, {transform_indices = #map}, {transform_indices = #map1}]} {
    %mul3A = arith.constant 2 : i32
    %mul3A_0 = arith.muli %arg1, %mul3A : i32
    %add3A = arith.addi %mul3A_0, %arg0 : i32
    %mul3A_1 = arith.constant 632 : i32
    %mul3A_2 = arith.muli %arg1, %mul3A_1 : i32
    "tpu.region"() ({
      %run_scoped3A = tpu.sem_alloc : memref<!tpu.dma_semaphore, #tpu.memory_space<semaphore_mem>>
      %dma_start3A_40 = arith.constant 0 : i32
      %dma_start3A_41 = tpu.memref_slice %arg7[%mul3A_2, %dma_start3A_40] : memref<10112x128xf32, #tpu.memory_space<vmem_shared>> -> memref<632x128xf32, #tpu.memory_space<vmem_shared>>
      tpu.enqueue_dma source(%arg4 : memref<632x128xf32, #tpu.memory_space<hbm>>) target(%dma_start3A_41 : memref<632x128xf32, #tpu.memory_space<vmem_shared>>) target_semaphore(%run_scoped3A : memref<!tpu.dma_semaphore, #tpu.memory_space<semaphore_mem>>)
      %dma_wait3A = arith.constant 0 : i32
      %dma_wait3A_42 = tpu.memref_slice %arg7[%mul3A_2, %dma_wait3A] : memref<10112x128xf32, #tpu.memory_space<vmem_shared>> -> memref<632x128xf32, #tpu.memory_space<vmem_shared>>
      tpu.wait_dma2 semaphore(%run_scoped3A : memref<!tpu.dma_semaphore, #tpu.memory_space<semaphore_mem>>) src(%arg4 : memref<632x128xf32, #tpu.memory_space<hbm>>) dst(%dma_wait3A_42 : memref<632x128xf32, #tpu.memory_space<vmem_shared>>)
      tpu.yield
    }) : () -> ()
    "tpu.region"() ({
      %run_scoped3A = tpu.sem_alloc : memref<!tpu.dma_semaphore, #tpu.memory_space<semaphore_mem>>
      %dma_start3A_40 = arith.constant 0 : i32
      %dma_start3A_41 = arith.constant 0 : i32
      %dma_start3A_42 = tpu.memref_slice %arg3[%add3A, %dma_start3A_40, %dma_start3A_41] : memref<32x65x40xi32, #tpu.memory_space<hbm>> -> memref<1x65x40xi32, #tpu.memory_space<hbm>>
      %dma_start3A_43 = tpu.memref_squeeze %dma_start3A_42 : memref<1x65x40xi32, #tpu.memory_space<hbm>> -> memref<65x40xi32, #tpu.memory_space<hbm>>
      %dma_start3A_44 = arith.constant 0 : i32
      %dma_start3A_45 = arith.constant 0 : i32
      %dma_start3A_46 = tpu.memref_slice %arg3[%add3A, %dma_start3A_44, %dma_start3A_45] : memref<32x65x40xi32, #tpu.memory_space<hbm>> -> memref<1x65x40xi32, #tpu.memory_space<hbm>>
      %dma_start3A_47 = tpu.memref_squeeze %dma_start3A_46 : memref<1x65x40xi32, #tpu.memory_space<hbm>> -> memref<65x40xi32, #tpu.memory_space<hbm>>
      tpu.enqueue_dma source(%dma_start3A_47 : memref<65x40xi32, #tpu.memory_space<hbm>>) target(%arg6 : memref<65x40xi32, #tpu.memory_space<vmem>>) target_semaphore(%run_scoped3A : memref<!tpu.dma_semaphore, #tpu.memory_space<semaphore_mem>>)
      %dma_wait3A = arith.constant 0 : i32
      %dma_wait3A_48 = arith.constant 0 : i32
      %dma_wait3A_49 = tpu.memref_slice %arg3[%add3A, %dma_wait3A, %dma_wait3A_48] : memref<32x65x40xi32, #tpu.memory_space<hbm>> -> memref<1x65x40xi32, #tpu.memory_space<hbm>>
      %dma_wait3A_50 = tpu.memref_squeeze %dma_wait3A_49 : memref<1x65x40xi32, #tpu.memory_space<hbm>> -> memref<65x40xi32, #tpu.memory_space<hbm>>
      %dma_wait3A_51 = arith.constant 0 : i32
      %dma_wait3A_52 = arith.constant 0 : i32
      %dma_wait3A_53 = tpu.memref_slice %arg3[%add3A, %dma_wait3A_51, %dma_wait3A_52] : memref<32x65x40xi32, #tpu.memory_space<hbm>> -> memref<1x65x40xi32, #tpu.memory_space<hbm>>
      %dma_wait3A_54 = tpu.memref_squeeze %dma_wait3A_53 : memref<1x65x40xi32, #tpu.memory_space<hbm>> -> memref<65x40xi32, #tpu.memory_space<hbm>>
      tpu.wait_dma2 semaphore(%run_scoped3A : memref<!tpu.dma_semaphore, #tpu.memory_space<semaphore_mem>>) src(%dma_wait3A_54 : memref<65x40xi32, #tpu.memory_space<hbm>>) dst(%arg6 : memref<65x40xi32, #tpu.memory_space<vmem>>)
      tpu.yield
    }) : () -> ()
    %barrier3A = arith.constant 0 : index
    tpu.barrier barrier_id(%barrier3A)
    %mul3A_3 = arith.constant 2600 : i32
    %mul3A_4 = arith.muli %add3A, %mul3A_3 : i32
    %add3A_5 = arith.constant 0 : i32
    %add3A_6 = arith.addi %mul3A_4, %add3A_5 : i32
    %dma_start3A = arith.constant 0 : i32
    %dma_start3A_7 = tpu.memref_slice %arg2[%add3A_6, %dma_start3A] : memref<83200x128xf32, #tpu.memory_space<hbm>> -> memref<40x128xf32, #tpu.memory_space<hbm>>
    %dma_start3A_8 = arith.constant 0 : i32
    %dma_start3A_9 = tpu.memref_slice %arg2[%add3A_6, %dma_start3A_8] : memref<83200x128xf32, #tpu.memory_space<hbm>> -> memref<40x128xf32, #tpu.memory_space<hbm>>
    tpu.enqueue_dma source(%dma_start3A_9 : memref<40x128xf32, #tpu.memory_space<hbm>>) target(%arg8 : memref<40x128xf32, #tpu.memory_space<vmem>>) target_semaphore(%arg13 : memref<!tpu.dma_semaphore, #tpu.memory_space<semaphore_mem>>)
    %add3A_10 = arith.constant 40 : i32
    %add3A_11 = arith.addi %mul3A_4, %add3A_10 : i32
    %dma_start3A_12 = arith.constant 0 : i32
    %dma_start3A_13 = tpu.memref_slice %arg2[%add3A_11, %dma_start3A_12] : memref<83200x128xf32, #tpu.memory_space<hbm>> -> memref<40x128xf32, #tpu.memory_space<hbm>>
    %dma_start3A_14 = arith.constant 0 : i32
    %dma_start3A_15 = tpu.memref_slice %arg2[%add3A_11, %dma_start3A_14] : memref<83200x128xf32, #tpu.memory_space<hbm>> -> memref<40x128xf32, #tpu.memory_space<hbm>>
    tpu.enqueue_dma source(%dma_start3A_15 : memref<40x128xf32, #tpu.memory_space<hbm>>) target(%arg9 : memref<40x128xf32, #tpu.memory_space<vmem>>) target_semaphore(%arg14 : memref<!tpu.dma_semaphore, #tpu.memory_space<semaphore_mem>>)
    %add3A_16 = arith.constant 80 : i32
    %add3A_17 = arith.addi %mul3A_4, %add3A_16 : i32
    %dma_start3A_18 = arith.constant 0 : i32
    %dma_start3A_19 = tpu.memref_slice %arg2[%add3A_17, %dma_start3A_18] : memref<83200x128xf32, #tpu.memory_space<hbm>> -> memref<40x128xf32, #tpu.memory_space<hbm>>
    %dma_start3A_20 = arith.constant 0 : i32
    %dma_start3A_21 = tpu.memref_slice %arg2[%add3A_17, %dma_start3A_20] : memref<83200x128xf32, #tpu.memory_space<hbm>> -> memref<40x128xf32, #tpu.memory_space<hbm>>
    tpu.enqueue_dma source(%dma_start3A_21 : memref<40x128xf32, #tpu.memory_space<hbm>>) target(%arg10 : memref<40x128xf32, #tpu.memory_space<vmem>>) target_semaphore(%arg15 : memref<!tpu.dma_semaphore, #tpu.memory_space<semaphore_mem>>)
    %add3A_22 = arith.constant 120 : i32
    %add3A_23 = arith.addi %mul3A_4, %add3A_22 : i32
    %dma_start3A_24 = arith.constant 0 : i32
    %dma_start3A_25 = tpu.memref_slice %arg2[%add3A_23, %dma_start3A_24] : memref<83200x128xf32, #tpu.memory_space<hbm>> -> memref<40x128xf32, #tpu.memory_space<hbm>>
    %dma_start3A_26 = arith.constant 0 : i32
    %dma_start3A_27 = tpu.memref_slice %arg2[%add3A_23, %dma_start3A_26] : memref<83200x128xf32, #tpu.memory_space<hbm>> -> memref<40x128xf32, #tpu.memory_space<hbm>>
    tpu.enqueue_dma source(%dma_start3A_27 : memref<40x128xf32, #tpu.memory_space<hbm>>) target(%arg11 : memref<40x128xf32, #tpu.memory_space<vmem>>) target_semaphore(%arg16 : memref<!tpu.dma_semaphore, #tpu.memory_space<semaphore_mem>>)
    %add3A_28 = arith.constant 160 : i32
    %add3A_29 = arith.addi %mul3A_4, %add3A_28 : i32
    %dma_start3A_30 = arith.constant 0 : i32
    %dma_start3A_31 = tpu.memref_slice %arg2[%add3A_29, %dma_start3A_30] : memref<83200x128xf32, #tpu.memory_space<hbm>> -> memref<40x128xf32, #tpu.memory_space<hbm>>
    %dma_start3A_32 = arith.constant 0 : i32
    %dma_start3A_33 = tpu.memref_slice %arg2[%add3A_29, %dma_start3A_32] : memref<83200x128xf32, #tpu.memory_space<hbm>> -> memref<40x128xf32, #tpu.memory_space<hbm>>
    tpu.enqueue_dma source(%dma_start3A_33 : memref<40x128xf32, #tpu.memory_space<hbm>>) target(%arg12 : memref<40x128xf32, #tpu.memory_space<vmem>>) target_semaphore(%arg17 : memref<!tpu.dma_semaphore, #tpu.memory_space<semaphore_mem>>)
    %scan3A = arith.constant 0 : i32
    %scan3A_34 = arith.constant 0 : i32
    %scan3A_35 = arith.constant 13 : i32
    %scan3A_36 = arith.addi %scan3A_34, %scan3A_35 : i32
    %scan3A_37 = arith.constant 1 : i32
    scf.for %scan3A_40 = %scan3A_34 to %scan3A_36 step %scan3A_37  : i32 {
      %mul3A_41 = arith.constant 5 : i32
      %mul3A_42 = arith.muli %scan3A_40, %mul3A_41 : i32
      %add3A_43 = arith.constant 0 : i32
      %add3A_44 = arith.addi %mul3A_42, %add3A_43 : i32
      %mul3A_45 = arith.constant 40 : i32
      %mul3A_46 = arith.muli %add3A_44, %mul3A_45 : i32
      %add3A_47 = arith.addi %mul3A_4, %mul3A_46 : i32
      %dma_wait3A = arith.constant 0 : i32
      %dma_wait3A_48 = tpu.memref_slice %arg2[%add3A_47, %dma_wait3A] : memref<83200x128xf32, #tpu.memory_space<hbm>> -> memref<40x128xf32, #tpu.memory_space<hbm>>
      %dma_wait3A_49 = arith.constant 0 : i32
      %dma_wait3A_50 = tpu.memref_slice %arg2[%add3A_47, %dma_wait3A_49] : memref<83200x128xf32, #tpu.memory_space<hbm>> -> memref<40x128xf32, #tpu.memory_space<hbm>>
      tpu.wait_dma2 semaphore(%arg13 : memref<!tpu.dma_semaphore, #tpu.memory_space<semaphore_mem>>) src(%dma_wait3A_50 : memref<40x128xf32, #tpu.memory_space<hbm>>) dst(%arg8 : memref<40x128xf32, #tpu.memory_space<vmem>>)
      %add3A_51 = arith.constant 0 : i32
      %add3A_52 = arith.addi %mul3A_42, %add3A_51 : i32
      %dma_start3A_53 = arith.constant 0 : i32
      %dma_start3A_54 = tpu.memref_slice %arg6[%add3A_52, %dma_start3A_53] : memref<65x40xi32, #tpu.memory_space<vmem>> -> memref<1x40xi32, #tpu.memory_space<vmem>>
      %dma_start3A_55 = tpu.memref_squeeze %dma_start3A_54 : memref<1x40xi32, #tpu.memory_space<vmem>> -> memref<40xi32, #tpu.memory_space<vmem>>
      %dma_start3A_56 = arith.constant 0 : i32
      %dma_start3A_57 = arith.constant 0 : i32
      %dma_start3A_58 = tpu.memref_slice %arg7[%dma_start3A_56, %dma_start3A_57] : memref<10112x128xf32, #tpu.memory_space<vmem_shared>> -> memref<10112x128xf32, #tpu.memory_space<vmem_shared>>
      tpu.enqueue_indirect_dma source(%arg8 : memref<40x128xf32, #tpu.memory_space<vmem>>) target(%dma_start3A_58 : memref<10112x128xf32, #tpu.memory_space<vmem_shared>>) offsets(%dma_start3A_55 : memref<40xi32, #tpu.memory_space<vmem>>) semaphore(%arg18 : memref<!tpu.dma_semaphore, #tpu.memory_space<semaphore_mem>>) {add = true}
      %add3A_59 = arith.constant 1 : i32
      %add3A_60 = arith.addi %mul3A_42, %add3A_59 : i32
      %mul3A_61 = arith.constant 40 : i32
      %mul3A_62 = arith.muli %add3A_60, %mul3A_61 : i32
      %add3A_63 = arith.addi %mul3A_4, %mul3A_62 : i32
      %dma_wait3A_64 = arith.constant 0 : i32
      %dma_wait3A_65 = tpu.memref_slice %arg2[%add3A_63, %dma_wait3A_64] : memref<83200x128xf32, #tpu.memory_space<hbm>> -> memref<40x128xf32, #tpu.memory_space<hbm>>
      %dma_wait3A_66 = arith.constant 0 : i32
      %dma_wait3A_67 = tpu.memref_slice %arg2[%add3A_63, %dma_wait3A_66] : memref<83200x128xf32, #tpu.memory_space<hbm>> -> memref<40x128xf32, #tpu.memory_space<hbm>>
      tpu.wait_dma2 semaphore(%arg14 : memref<!tpu.dma_semaphore, #tpu.memory_space<semaphore_mem>>) src(%dma_wait3A_67 : memref<40x128xf32, #tpu.memory_space<hbm>>) dst(%arg9 : memref<40x128xf32, #tpu.memory_space<vmem>>)
      %add3A_68 = arith.constant 1 : i32
      %add3A_69 = arith.addi %mul3A_42, %add3A_68 : i32
      %dma_start3A_70 = arith.constant 0 : i32
      %dma_start3A_71 = tpu.memref_slice %arg6[%add3A_69, %dma_start3A_70] : memref<65x40xi32, #tpu.memory_space<vmem>> -> memref<1x40xi32, #tpu.memory_space<vmem>>
      %dma_start3A_72 = tpu.memref_squeeze %dma_start3A_71 : memref<1x40xi32, #tpu.memory_space<vmem>> -> memref<40xi32, #tpu.memory_space<vmem>>
      %dma_start3A_73 = arith.constant 0 : i32
      %dma_start3A_74 = arith.constant 0 : i32
      %dma_start3A_75 = tpu.memref_slice %arg7[%dma_start3A_73, %dma_start3A_74] : memref<10112x128xf32, #tpu.memory_space<vmem_shared>> -> memref<10112x128xf32, #tpu.memory_space<vmem_shared>>
      tpu.enqueue_indirect_dma source(%arg9 : memref<40x128xf32, #tpu.memory_space<vmem>>) target(%dma_start3A_75 : memref<10112x128xf32, #tpu.memory_space<vmem_shared>>) offsets(%dma_start3A_72 : memref<40xi32, #tpu.memory_space<vmem>>) semaphore(%arg19 : memref<!tpu.dma_semaphore, #tpu.memory_space<semaphore_mem>>) {add = true}
      %add3A_76 = arith.constant 2 : i32
      %add3A_77 = arith.addi %mul3A_42, %add3A_76 : i32
      %mul3A_78 = arith.constant 40 : i32
      %mul3A_79 = arith.muli %add3A_77, %mul3A_78 : i32
      %add3A_80 = arith.addi %mul3A_4, %mul3A_79 : i32
      %dma_wait3A_81 = arith.constant 0 : i32
      %dma_wait3A_82 = tpu.memref_slice %arg2[%add3A_80, %dma_wait3A_81] : memref<83200x128xf32, #tpu.memory_space<hbm>> -> memref<40x128xf32, #tpu.memory_space<hbm>>
      %dma_wait3A_83 = arith.constant 0 : i32
      %dma_wait3A_84 = tpu.memref_slice %arg2[%add3A_80, %dma_wait3A_83] : memref<83200x128xf32, #tpu.memory_space<hbm>> -> memref<40x128xf32, #tpu.memory_space<hbm>>
      tpu.wait_dma2 semaphore(%arg15 : memref<!tpu.dma_semaphore, #tpu.memory_space<semaphore_mem>>) src(%dma_wait3A_84 : memref<40x128xf32, #tpu.memory_space<hbm>>) dst(%arg10 : memref<40x128xf32, #tpu.memory_space<vmem>>)
      %add3A_85 = arith.constant 2 : i32
      %add3A_86 = arith.addi %mul3A_42, %add3A_85 : i32
      %dma_start3A_87 = arith.constant 0 : i32
      %dma_start3A_88 = tpu.memref_slice %arg6[%add3A_86, %dma_start3A_87] : memref<65x40xi32, #tpu.memory_space<vmem>> -> memref<1x40xi32, #tpu.memory_space<vmem>>
      %dma_start3A_89 = tpu.memref_squeeze %dma_start3A_88 : memref<1x40xi32, #tpu.memory_space<vmem>> -> memref<40xi32, #tpu.memory_space<vmem>>
      %dma_start3A_90 = arith.constant 0 : i32
      %dma_start3A_91 = arith.constant 0 : i32
      %dma_start3A_92 = tpu.memref_slice %arg7[%dma_start3A_90, %dma_start3A_91] : memref<10112x128xf32, #tpu.memory_space<vmem_shared>> -> memref<10112x128xf32, #tpu.memory_space<vmem_shared>>
      tpu.enqueue_indirect_dma source(%arg10 : memref<40x128xf32, #tpu.memory_space<vmem>>) target(%dma_start3A_92 : memref<10112x128xf32, #tpu.memory_space<vmem_shared>>) offsets(%dma_start3A_89 : memref<40xi32, #tpu.memory_space<vmem>>) semaphore(%arg20 : memref<!tpu.dma_semaphore, #tpu.memory_space<semaphore_mem>>) {add = true}
      %add3A_93 = arith.constant 3 : i32
      %add3A_94 = arith.addi %mul3A_42, %add3A_93 : i32
      %mul3A_95 = arith.constant 40 : i32
      %mul3A_96 = arith.muli %add3A_94, %mul3A_95 : i32
      %add3A_97 = arith.addi %mul3A_4, %mul3A_96 : i32
      %dma_wait3A_98 = arith.constant 0 : i32
      %dma_wait3A_99 = tpu.memref_slice %arg2[%add3A_97, %dma_wait3A_98] : memref<83200x128xf32, #tpu.memory_space<hbm>> -> memref<40x128xf32, #tpu.memory_space<hbm>>
      %dma_wait3A_100 = arith.constant 0 : i32
      %dma_wait3A_101 = tpu.memref_slice %arg2[%add3A_97, %dma_wait3A_100] : memref<83200x128xf32, #tpu.memory_space<hbm>> -> memref<40x128xf32, #tpu.memory_space<hbm>>
      tpu.wait_dma2 semaphore(%arg16 : memref<!tpu.dma_semaphore, #tpu.memory_space<semaphore_mem>>) src(%dma_wait3A_101 : memref<40x128xf32, #tpu.memory_space<hbm>>) dst(%arg11 : memref<40x128xf32, #tpu.memory_space<vmem>>)
      %add3A_102 = arith.constant 3 : i32
      %add3A_103 = arith.addi %mul3A_42, %add3A_102 : i32
      %dma_start3A_104 = arith.constant 0 : i32
      %dma_start3A_105 = tpu.memref_slice %arg6[%add3A_103, %dma_start3A_104] : memref<65x40xi32, #tpu.memory_space<vmem>> -> memref<1x40xi32, #tpu.memory_space<vmem>>
      %dma_start3A_106 = tpu.memref_squeeze %dma_start3A_105 : memref<1x40xi32, #tpu.memory_space<vmem>> -> memref<40xi32, #tpu.memory_space<vmem>>
      %dma_start3A_107 = arith.constant 0 : i32
      %dma_start3A_108 = arith.constant 0 : i32
      %dma_start3A_109 = tpu.memref_slice %arg7[%dma_start3A_107, %dma_start3A_108] : memref<10112x128xf32, #tpu.memory_space<vmem_shared>> -> memref<10112x128xf32, #tpu.memory_space<vmem_shared>>
      tpu.enqueue_indirect_dma source(%arg11 : memref<40x128xf32, #tpu.memory_space<vmem>>) target(%dma_start3A_109 : memref<10112x128xf32, #tpu.memory_space<vmem_shared>>) offsets(%dma_start3A_106 : memref<40xi32, #tpu.memory_space<vmem>>) semaphore(%arg21 : memref<!tpu.dma_semaphore, #tpu.memory_space<semaphore_mem>>) {add = true}
      %add3A_110 = arith.constant 4 : i32
      %add3A_111 = arith.addi %mul3A_42, %add3A_110 : i32
      %mul3A_112 = arith.constant 40 : i32
      %mul3A_113 = arith.muli %add3A_111, %mul3A_112 : i32
      %add3A_114 = arith.addi %mul3A_4, %mul3A_113 : i32
      %dma_wait3A_115 = arith.constant 0 : i32
      %dma_wait3A_116 = tpu.memref_slice %arg2[%add3A_114, %dma_wait3A_115] : memref<83200x128xf32, #tpu.memory_space<hbm>> -> memref<40x128xf32, #tpu.memory_space<hbm>>
      %dma_wait3A_117 = arith.constant 0 : i32
      %dma_wait3A_118 = tpu.memref_slice %arg2[%add3A_114, %dma_wait3A_117] : memref<83200x128xf32, #tpu.memory_space<hbm>> -> memref<40x128xf32, #tpu.memory_space<hbm>>
      tpu.wait_dma2 semaphore(%arg17 : memref<!tpu.dma_semaphore, #tpu.memory_space<semaphore_mem>>) src(%dma_wait3A_118 : memref<40x128xf32, #tpu.memory_space<hbm>>) dst(%arg12 : memref<40x128xf32, #tpu.memory_space<vmem>>)
      %add3A_119 = arith.constant 4 : i32
      %add3A_120 = arith.addi %mul3A_42, %add3A_119 : i32
      %dma_start3A_121 = arith.constant 0 : i32
      %dma_start3A_122 = tpu.memref_slice %arg6[%add3A_120, %dma_start3A_121] : memref<65x40xi32, #tpu.memory_space<vmem>> -> memref<1x40xi32, #tpu.memory_space<vmem>>
      %dma_start3A_123 = tpu.memref_squeeze %dma_start3A_122 : memref<1x40xi32, #tpu.memory_space<vmem>> -> memref<40xi32, #tpu.memory_space<vmem>>
      %dma_start3A_124 = arith.constant 0 : i32
      %dma_start3A_125 = arith.constant 0 : i32
      %dma_start3A_126 = tpu.memref_slice %arg7[%dma_start3A_124, %dma_start3A_125] : memref<10112x128xf32, #tpu.memory_space<vmem_shared>> -> memref<10112x128xf32, #tpu.memory_space<vmem_shared>>
      tpu.enqueue_indirect_dma source(%arg12 : memref<40x128xf32, #tpu.memory_space<vmem>>) target(%dma_start3A_126 : memref<10112x128xf32, #tpu.memory_space<vmem_shared>>) offsets(%dma_start3A_123 : memref<40xi32, #tpu.memory_space<vmem>>) semaphore(%arg22 : memref<!tpu.dma_semaphore, #tpu.memory_space<semaphore_mem>>) {add = true}
      %add3A_127 = arith.constant 0 : i32
      %add3A_128 = arith.addi %mul3A_42, %add3A_127 : i32
      %dma_wait3A_129 = arith.constant 0 : i32
      %dma_wait3A_130 = tpu.memref_slice %arg6[%add3A_128, %dma_wait3A_129] : memref<65x40xi32, #tpu.memory_space<vmem>> -> memref<1x40xi32, #tpu.memory_space<vmem>>
      %dma_wait3A_131 = tpu.memref_squeeze %dma_wait3A_130 : memref<1x40xi32, #tpu.memory_space<vmem>> -> memref<40xi32, #tpu.memory_space<vmem>>
      %dma_wait3A_132 = arith.constant 0 : i32
      %dma_wait3A_133 = arith.constant 0 : i32
      %dma_wait3A_134 = tpu.memref_slice %arg7[%dma_wait3A_132, %dma_wait3A_133] : memref<10112x128xf32, #tpu.memory_space<vmem_shared>> -> memref<10112x128xf32, #tpu.memory_space<vmem_shared>>
      tpu.wait_indirect_dma semaphore(%arg18 : memref<!tpu.dma_semaphore, #tpu.memory_space<semaphore_mem>>) src(%arg8 : memref<40x128xf32, #tpu.memory_space<vmem>>) dst(%dma_wait3A_134 : memref<10112x128xf32, #tpu.memory_space<vmem_shared>>)
      %add3A_135 = arith.constant 1 : i32
      %add3A_136 = arith.addi %scan3A_40, %add3A_135 : i32
      %lt3A = arith.constant 13 : i32
      %lt3A_137 = arith.cmpi slt, %add3A_136, %lt3A : i32
      %convert_element_type3A = arith.extui %lt3A_137 : i1 to i32
      %cond3A = arith.constant 0 : i32
      %cond3A_138 = arith.cmpi ne, %convert_element_type3A, %cond3A : i32
      scf.if %cond3A_138 {
        %add3A_199 = arith.constant 5 : i32
        %add3A_200 = arith.addi %mul3A_42, %add3A_199 : i32
        %add3A_201 = arith.constant 0 : i32
        %add3A_202 = arith.addi %add3A_200, %add3A_201 : i32
        %mul3A_203 = arith.constant 40 : i32
        %mul3A_204 = arith.muli %add3A_202, %mul3A_203 : i32
        %add3A_205 = arith.addi %mul3A_4, %mul3A_204 : i32
        %dma_start3A_206 = arith.constant 0 : i32
        %dma_start3A_207 = tpu.memref_slice %arg2[%add3A_205, %dma_start3A_206] : memref<83200x128xf32, #tpu.memory_space<hbm>> -> memref<40x128xf32, #tpu.memory_space<hbm>>
        %dma_start3A_208 = arith.constant 0 : i32
        %dma_start3A_209 = tpu.memref_slice %arg2[%add3A_205, %dma_start3A_208] : memref<83200x128xf32, #tpu.memory_space<hbm>> -> memref<40x128xf32, #tpu.memory_space<hbm>>
        tpu.enqueue_dma source(%dma_start3A_209 : memref<40x128xf32, #tpu.memory_space<hbm>>) target(%arg8 : memref<40x128xf32, #tpu.memory_space<vmem>>) target_semaphore(%arg13 : memref<!tpu.dma_semaphore, #tpu.memory_space<semaphore_mem>>)
      } else {
      }
      %add3A_139 = arith.constant 1 : i32
      %add3A_140 = arith.addi %mul3A_42, %add3A_139 : i32
      %dma_wait3A_141 = arith.constant 0 : i32
      %dma_wait3A_142 = tpu.memref_slice %arg6[%add3A_140, %dma_wait3A_141] : memref<65x40xi32, #tpu.memory_space<vmem>> -> memref<1x40xi32, #tpu.memory_space<vmem>>
      %dma_wait3A_143 = tpu.memref_squeeze %dma_wait3A_142 : memref<1x40xi32, #tpu.memory_space<vmem>> -> memref<40xi32, #tpu.memory_space<vmem>>
      %dma_wait3A_144 = arith.constant 0 : i32
      %dma_wait3A_145 = arith.constant 0 : i32
      %dma_wait3A_146 = tpu.memref_slice %arg7[%dma_wait3A_144, %dma_wait3A_145] : memref<10112x128xf32, #tpu.memory_space<vmem_shared>> -> memref<10112x128xf32, #tpu.memory_space<vmem_shared>>
      tpu.wait_indirect_dma semaphore(%arg19 : memref<!tpu.dma_semaphore, #tpu.memory_space<semaphore_mem>>) src(%arg9 : memref<40x128xf32, #tpu.memory_space<vmem>>) dst(%dma_wait3A_146 : memref<10112x128xf32, #tpu.memory_space<vmem_shared>>)
      %add3A_147 = arith.constant 1 : i32
      %add3A_148 = arith.addi %scan3A_40, %add3A_147 : i32
      %lt3A_149 = arith.constant 13 : i32
      %lt3A_150 = arith.cmpi slt, %add3A_148, %lt3A_149 : i32
      %convert_element_type3A_151 = arith.extui %lt3A_150 : i1 to i32
      %cond3A_152 = arith.constant 0 : i32
      %cond3A_153 = arith.cmpi ne, %convert_element_type3A_151, %cond3A_152 : i32
      scf.if %cond3A_153 {
        %add3A_199 = arith.constant 5 : i32
        %add3A_200 = arith.addi %mul3A_42, %add3A_199 : i32
        %add3A_201 = arith.constant 1 : i32
        %add3A_202 = arith.addi %add3A_200, %add3A_201 : i32
        %mul3A_203 = arith.constant 40 : i32
        %mul3A_204 = arith.muli %add3A_202, %mul3A_203 : i32
        %add3A_205 = arith.addi %mul3A_4, %mul3A_204 : i32
        %dma_start3A_206 = arith.constant 0 : i32
        %dma_start3A_207 = tpu.memref_slice %arg2[%add3A_205, %dma_start3A_206] : memref<83200x128xf32, #tpu.memory_space<hbm>> -> memref<40x128xf32, #tpu.memory_space<hbm>>
        %dma_start3A_208 = arith.constant 0 : i32
        %dma_start3A_209 = tpu.memref_slice %arg2[%add3A_205, %dma_start3A_208] : memref<83200x128xf32, #tpu.memory_space<hbm>> -> memref<40x128xf32, #tpu.memory_space<hbm>>
        tpu.enqueue_dma source(%dma_start3A_209 : memref<40x128xf32, #tpu.memory_space<hbm>>) target(%arg9 : memref<40x128xf32, #tpu.memory_space<vmem>>) target_semaphore(%arg14 : memref<!tpu.dma_semaphore, #tpu.memory_space<semaphore_mem>>)
      } else {
      }
      %add3A_154 = arith.constant 2 : i32
      %add3A_155 = arith.addi %mul3A_42, %add3A_154 : i32
      %dma_wait3A_156 = arith.constant 0 : i32
      %dma_wait3A_157 = tpu.memref_slice %arg6[%add3A_155, %dma_wait3A_156] : memref<65x40xi32, #tpu.memory_space<vmem>> -> memref<1x40xi32, #tpu.memory_space<vmem>>
      %dma_wait3A_158 = tpu.memref_squeeze %dma_wait3A_157 : memref<1x40xi32, #tpu.memory_space<vmem>> -> memref<40xi32, #tpu.memory_space<vmem>>
      %dma_wait3A_159 = arith.constant 0 : i32
      %dma_wait3A_160 = arith.constant 0 : i32
      %dma_wait3A_161 = tpu.memref_slice %arg7[%dma_wait3A_159, %dma_wait3A_160] : memref<10112x128xf32, #tpu.memory_space<vmem_shared>> -> memref<10112x128xf32, #tpu.memory_space<vmem_shared>>
      tpu.wait_indirect_dma semaphore(%arg20 : memref<!tpu.dma_semaphore, #tpu.memory_space<semaphore_mem>>) src(%arg10 : memref<40x128xf32, #tpu.memory_space<vmem>>) dst(%dma_wait3A_161 : memref<10112x128xf32, #tpu.memory_space<vmem_shared>>)
      %add3A_162 = arith.constant 1 : i32
      %add3A_163 = arith.addi %scan3A_40, %add3A_162 : i32
      %lt3A_164 = arith.constant 13 : i32
      %lt3A_165 = arith.cmpi slt, %add3A_163, %lt3A_164 : i32
      %convert_element_type3A_166 = arith.extui %lt3A_165 : i1 to i32
      %cond3A_167 = arith.constant 0 : i32
      %cond3A_168 = arith.cmpi ne, %convert_element_type3A_166, %cond3A_167 : i32
      scf.if %cond3A_168 {
        %add3A_199 = arith.constant 5 : i32
        %add3A_200 = arith.addi %mul3A_42, %add3A_199 : i32
        %add3A_201 = arith.constant 2 : i32
        %add3A_202 = arith.addi %add3A_200, %add3A_201 : i32
        %mul3A_203 = arith.constant 40 : i32
        %mul3A_204 = arith.muli %add3A_202, %mul3A_203 : i32
        %add3A_205 = arith.addi %mul3A_4, %mul3A_204 : i32
        %dma_start3A_206 = arith.constant 0 : i32
        %dma_start3A_207 = tpu.memref_slice %arg2[%add3A_205, %dma_start3A_206] : memref<83200x128xf32, #tpu.memory_space<hbm>> -> memref<40x128xf32, #tpu.memory_space<hbm>>
        %dma_start3A_208 = arith.constant 0 : i32
        %dma_start3A_209 = tpu.memref_slice %arg2[%add3A_205, %dma_start3A_208] : memref<83200x128xf32, #tpu.memory_space<hbm>> -> memref<40x128xf32, #tpu.memory_space<hbm>>
        tpu.enqueue_dma source(%dma_start3A_209 : memref<40x128xf32, #tpu.memory_space<hbm>>) target(%arg10 : memref<40x128xf32, #tpu.memory_space<vmem>>) target_semaphore(%arg15 : memref<!tpu.dma_semaphore, #tpu.memory_space<semaphore_mem>>)
      } else {
      }
      %add3A_169 = arith.constant 3 : i32
      %add3A_170 = arith.addi %mul3A_42, %add3A_169 : i32
      %dma_wait3A_171 = arith.constant 0 : i32
      %dma_wait3A_172 = tpu.memref_slice %arg6[%add3A_170, %dma_wait3A_171] : memref<65x40xi32, #tpu.memory_space<vmem>> -> memref<1x40xi32, #tpu.memory_space<vmem>>
      %dma_wait3A_173 = tpu.memref_squeeze %dma_wait3A_172 : memref<1x40xi32, #tpu.memory_space<vmem>> -> memref<40xi32, #tpu.memory_space<vmem>>
      %dma_wait3A_174 = arith.constant 0 : i32
      %dma_wait3A_175 = arith.constant 0 : i32
      %dma_wait3A_176 = tpu.memref_slice %arg7[%dma_wait3A_174, %dma_wait3A_175] : memref<10112x128xf32, #tpu.memory_space<vmem_shared>> -> memref<10112x128xf32, #tpu.memory_space<vmem_shared>>
      tpu.wait_indirect_dma semaphore(%arg21 : memref<!tpu.dma_semaphore, #tpu.memory_space<semaphore_mem>>) src(%arg11 : memref<40x128xf32, #tpu.memory_space<vmem>>) dst(%dma_wait3A_176 : memref<10112x128xf32, #tpu.memory_space<vmem_shared>>)
      %add3A_177 = arith.constant 1 : i32
      %add3A_178 = arith.addi %scan3A_40, %add3A_177 : i32
      %lt3A_179 = arith.constant 13 : i32
      %lt3A_180 = arith.cmpi slt, %add3A_178, %lt3A_179 : i32
      %convert_element_type3A_181 = arith.extui %lt3A_180 : i1 to i32
      %cond3A_182 = arith.constant 0 : i32
      %cond3A_183 = arith.cmpi ne, %convert_element_type3A_181, %cond3A_182 : i32
      scf.if %cond3A_183 {
        %add3A_199 = arith.constant 5 : i32
        %add3A_200 = arith.addi %mul3A_42, %add3A_199 : i32
        %add3A_201 = arith.constant 3 : i32
        %add3A_202 = arith.addi %add3A_200, %add3A_201 : i32
        %mul3A_203 = arith.constant 40 : i32
        %mul3A_204 = arith.muli %add3A_202, %mul3A_203 : i32
        %add3A_205 = arith.addi %mul3A_4, %mul3A_204 : i32
        %dma_start3A_206 = arith.constant 0 : i32
        %dma_start3A_207 = tpu.memref_slice %arg2[%add3A_205, %dma_start3A_206] : memref<83200x128xf32, #tpu.memory_space<hbm>> -> memref<40x128xf32, #tpu.memory_space<hbm>>
        %dma_start3A_208 = arith.constant 0 : i32
        %dma_start3A_209 = tpu.memref_slice %arg2[%add3A_205, %dma_start3A_208] : memref<83200x128xf32, #tpu.memory_space<hbm>> -> memref<40x128xf32, #tpu.memory_space<hbm>>
        tpu.enqueue_dma source(%dma_start3A_209 : memref<40x128xf32, #tpu.memory_space<hbm>>) target(%arg11 : memref<40x128xf32, #tpu.memory_space<vmem>>) target_semaphore(%arg16 : memref<!tpu.dma_semaphore, #tpu.memory_space<semaphore_mem>>)
      } else {
      }
      %add3A_184 = arith.constant 4 : i32
      %add3A_185 = arith.addi %mul3A_42, %add3A_184 : i32
      %dma_wait3A_186 = arith.constant 0 : i32
      %dma_wait3A_187 = tpu.memref_slice %arg6[%add3A_185, %dma_wait3A_186] : memref<65x40xi32, #tpu.memory_space<vmem>> -> memref<1x40xi32, #tpu.memory_space<vmem>>
      %dma_wait3A_188 = tpu.memref_squeeze %dma_wait3A_187 : memref<1x40xi32, #tpu.memory_space<vmem>> -> memref<40xi32, #tpu.memory_space<vmem>>
      %dma_wait3A_189 = arith.constant 0 : i32
      %dma_wait3A_190 = arith.constant 0 : i32
      %dma_wait3A_191 = tpu.memref_slice %arg7[%dma_wait3A_189, %dma_wait3A_190] : memref<10112x128xf32, #tpu.memory_space<vmem_shared>> -> memref<10112x128xf32, #tpu.memory_space<vmem_shared>>
      tpu.wait_indirect_dma semaphore(%arg22 : memref<!tpu.dma_semaphore, #tpu.memory_space<semaphore_mem>>) src(%arg12 : memref<40x128xf32, #tpu.memory_space<vmem>>) dst(%dma_wait3A_191 : memref<10112x128xf32, #tpu.memory_space<vmem_shared>>)
      %add3A_192 = arith.constant 1 : i32
      %add3A_193 = arith.addi %scan3A_40, %add3A_192 : i32
      %lt3A_194 = arith.constant 13 : i32
      %lt3A_195 = arith.cmpi slt, %add3A_193, %lt3A_194 : i32
      %convert_element_type3A_196 = arith.extui %lt3A_195 : i1 to i32
      %cond3A_197 = arith.constant 0 : i32
      %cond3A_198 = arith.cmpi ne, %convert_element_type3A_196, %cond3A_197 : i32
      scf.if %cond3A_198 {
        %add3A_199 = arith.constant 5 : i32
        %add3A_200 = arith.addi %mul3A_42, %add3A_199 : i32
        %add3A_201 = arith.constant 4 : i32
        %add3A_202 = arith.addi %add3A_200, %add3A_201 : i32
        %mul3A_203 = arith.constant 40 : i32
        %mul3A_204 = arith.muli %add3A_202, %mul3A_203 : i32
        %add3A_205 = arith.addi %mul3A_4, %mul3A_204 : i32
        %dma_start3A_206 = arith.constant 0 : i32
        %dma_start3A_207 = tpu.memref_slice %arg2[%add3A_205, %dma_start3A_206] : memref<83200x128xf32, #tpu.memory_space<hbm>> -> memref<40x128xf32, #tpu.memory_space<hbm>>
        %dma_start3A_208 = arith.constant 0 : i32
        %dma_start3A_209 = tpu.memref_slice %arg2[%add3A_205, %dma_start3A_208] : memref<83200x128xf32, #tpu.memory_space<hbm>> -> memref<40x128xf32, #tpu.memory_space<hbm>>
        tpu.enqueue_dma source(%dma_start3A_209 : memref<40x128xf32, #tpu.memory_space<hbm>>) target(%arg12 : memref<40x128xf32, #tpu.memory_space<vmem>>) target_semaphore(%arg17 : memref<!tpu.dma_semaphore, #tpu.memory_space<semaphore_mem>>)
      } else {
      }
    }
    %scan3A_38 = arith.constant 13 : i32
    %barrier3A_39 = arith.constant 0 : index
    tpu.barrier barrier_id(%barrier3A_39)
    "tpu.region"() ({
      %run_scoped3A = tpu.sem_alloc : memref<!tpu.dma_semaphore, #tpu.memory_space<semaphore_mem>>
      %dma_start3A_40 = arith.constant 0 : i32
      %dma_start3A_41 = tpu.memref_slice %arg5[%arg0, %mul3A_2, %dma_start3A_40] : memref<2x10112x128xf32, #tpu.memory_space<hbm>> -> memref<1x632x128xf32, #tpu.memory_space<hbm>>
      %dma_start3A_42 = tpu.memref_squeeze %dma_start3A_41 : memref<1x632x128xf32, #tpu.memory_space<hbm>> -> memref<632x128xf32, #tpu.memory_space<hbm>>
      %dma_start3A_43 = arith.constant 0 : i32
      %dma_start3A_44 = tpu.memref_slice %arg7[%mul3A_2, %dma_start3A_43] : memref<10112x128xf32, #tpu.memory_space<vmem_shared>> -> memref<632x128xf32, #tpu.memory_space<vmem_shared>>
      tpu.enqueue_dma source(%dma_start3A_44 : memref<632x128xf32, #tpu.memory_space<vmem_shared>>) target(%dma_start3A_42 : memref<632x128xf32, #tpu.memory_space<hbm>>) target_semaphore(%run_scoped3A : memref<!tpu.dma_semaphore, #tpu.memory_space<semaphore_mem>>)
      %dma_wait3A = arith.constant 0 : i32
      %dma_wait3A_45 = tpu.memref_slice %arg5[%arg0, %mul3A_2, %dma_wait3A] : memref<2x10112x128xf32, #tpu.memory_space<hbm>> -> memref<1x632x128xf32, #tpu.memory_space<hbm>>
      %dma_wait3A_46 = tpu.memref_squeeze %dma_wait3A_45 : memref<1x632x128xf32, #tpu.memory_space<hbm>> -> memref<632x128xf32, #tpu.memory_space<hbm>>
      %dma_wait3A_47 = arith.constant 0 : i32
      %dma_wait3A_48 = tpu.memref_slice %arg7[%mul3A_2, %dma_wait3A_47] : memref<10112x128xf32, #tpu.memory_space<vmem_shared>> -> memref<632x128xf32, #tpu.memory_space<vmem_shared>>
      tpu.wait_dma2 semaphore(%run_scoped3A : memref<!tpu.dma_semaphore, #tpu.memory_space<semaphore_mem>>) src(%dma_wait3A_48 : memref<632x128xf32, #tpu.memory_space<vmem_shared>>) dst(%dma_wait3A_46 : memref<632x128xf32, #tpu.memory_space<hbm>>)
      tpu.yield
    }) : () -> ()
    return
  }
}

#map = affine_map<(d0, d1) -> (0, 0)>
#map1 = affine_map<(d0, d1) -> (0, 0, 0)>
module attributes {stable_mosaic.version = 14 : i64} {
  func.func @k(%arg0: i32, %arg1: i32, %arg2: memref<10000x128xf32, #tpu.memory_space<hbm>>, %arg3: memref<32x60x40xi32, #tpu.memory_space<hbm>>, %arg4: memref<76800x128xf32, #tpu.memory_space<hbm>>, %arg5: memref<60x40xi32, #tpu.memory_space<vmem>>, %arg6: memref<40x128xf32, #tpu.memory_space<vmem>>, %arg7: memref<40x128xf32, #tpu.memory_space<vmem>>, %arg8: memref<40x128xf32, #tpu.memory_space<vmem>>, %arg9: memref<40x128xf32, #tpu.memory_space<vmem>>, %arg10: memref<40x128xf32, #tpu.memory_space<vmem>>, %arg11: memref<!tpu.dma_semaphore, #tpu.memory_space<semaphore_mem>>, %arg12: memref<!tpu.dma_semaphore, #tpu.memory_space<semaphore_mem>>, %arg13: memref<!tpu.dma_semaphore, #tpu.memory_space<semaphore_mem>>, %arg14: memref<!tpu.dma_semaphore, #tpu.memory_space<semaphore_mem>>, %arg15: memref<!tpu.dma_semaphore, #tpu.memory_space<semaphore_mem>>, %arg16: memref<!tpu.dma_semaphore, #tpu.memory_space<semaphore_mem>>, %arg17: memref<!tpu.dma_semaphore, #tpu.memory_space<semaphore_mem>>, %arg18: memref<!tpu.dma_semaphore, #tpu.memory_space<semaphore_mem>>, %arg19: memref<!tpu.dma_semaphore, #tpu.memory_space<semaphore_mem>>, %arg20: memref<!tpu.dma_semaphore, #tpu.memory_space<semaphore_mem>>) attributes {dimension_semantics = [#tpu.dimension_semantics<core_parallel>, #tpu.dimension_semantics<subcore_parallel>], iteration_bounds = array<i64: 2, 16>, scalar_prefetch = 0 : i64, scratch_operands = 16 : i64, tpu.core_type = #tpu.core_type<sc_vector_subcore>, window_params = [{transform_indices = #map}, {transform_indices = #map1}, {transform_indices = #map}]} {
    %mul3A = arith.constant 2 : i32
    %mul3A_0 = arith.muli %arg1, %mul3A : i32
    %add3A = arith.addi %mul3A_0, %arg0 : i32
    "tpu.region"() ({
      %run_scoped3A = tpu.sem_alloc : memref<!tpu.dma_semaphore, #tpu.memory_space<semaphore_mem>>
      %dma_start3A_42 = arith.constant 0 : i32
      %dma_start3A_43 = arith.constant 0 : i32
      %dma_start3A_44 = tpu.memref_slice %arg3[%add3A, %dma_start3A_42, %dma_start3A_43] : memref<32x60x40xi32, #tpu.memory_space<hbm>> -> memref<1x60x40xi32, #tpu.memory_space<hbm>>
      %dma_start3A_45 = tpu.memref_squeeze %dma_start3A_44 : memref<1x60x40xi32, #tpu.memory_space<hbm>> -> memref<60x40xi32, #tpu.memory_space<hbm>>
      %dma_start3A_46 = arith.constant 0 : i32
      %dma_start3A_47 = arith.constant 0 : i32
      %dma_start3A_48 = tpu.memref_slice %arg3[%add3A, %dma_start3A_46, %dma_start3A_47] : memref<32x60x40xi32, #tpu.memory_space<hbm>> -> memref<1x60x40xi32, #tpu.memory_space<hbm>>
      %dma_start3A_49 = tpu.memref_squeeze %dma_start3A_48 : memref<1x60x40xi32, #tpu.memory_space<hbm>> -> memref<60x40xi32, #tpu.memory_space<hbm>>
      tpu.enqueue_dma source(%dma_start3A_49 : memref<60x40xi32, #tpu.memory_space<hbm>>) target(%arg5 : memref<60x40xi32, #tpu.memory_space<vmem>>) target_semaphore(%run_scoped3A : memref<!tpu.dma_semaphore, #tpu.memory_space<semaphore_mem>>)
      %dma_wait3A = arith.constant 0 : i32
      %dma_wait3A_50 = arith.constant 0 : i32
      %dma_wait3A_51 = tpu.memref_slice %arg3[%add3A, %dma_wait3A, %dma_wait3A_50] : memref<32x60x40xi32, #tpu.memory_space<hbm>> -> memref<1x60x40xi32, #tpu.memory_space<hbm>>
      %dma_wait3A_52 = tpu.memref_squeeze %dma_wait3A_51 : memref<1x60x40xi32, #tpu.memory_space<hbm>> -> memref<60x40xi32, #tpu.memory_space<hbm>>
      %dma_wait3A_53 = arith.constant 0 : i32
      %dma_wait3A_54 = arith.constant 0 : i32
      %dma_wait3A_55 = tpu.memref_slice %arg3[%add3A, %dma_wait3A_53, %dma_wait3A_54] : memref<32x60x40xi32, #tpu.memory_space<hbm>> -> memref<1x60x40xi32, #tpu.memory_space<hbm>>
      %dma_wait3A_56 = tpu.memref_squeeze %dma_wait3A_55 : memref<1x60x40xi32, #tpu.memory_space<hbm>> -> memref<60x40xi32, #tpu.memory_space<hbm>>
      tpu.wait_dma2 semaphore(%run_scoped3A : memref<!tpu.dma_semaphore, #tpu.memory_space<semaphore_mem>>) src(%dma_wait3A_56 : memref<60x40xi32, #tpu.memory_space<hbm>>) dst(%arg5 : memref<60x40xi32, #tpu.memory_space<vmem>>)
      tpu.yield
    }) : () -> ()
    %mul3A_1 = arith.constant 2400 : i32
    %mul3A_2 = arith.muli %add3A, %mul3A_1 : i32
    %dma_start3A = arith.constant 0 : i32
    %dma_start3A_3 = arith.constant 0 : i32
    %dma_start3A_4 = tpu.memref_slice %arg5[%dma_start3A, %dma_start3A_3] : memref<60x40xi32, #tpu.memory_space<vmem>> -> memref<1x40xi32, #tpu.memory_space<vmem>>
    %dma_start3A_5 = tpu.memref_squeeze %dma_start3A_4 : memref<1x40xi32, #tpu.memory_space<vmem>> -> memref<40xi32, #tpu.memory_space<vmem>>
    %dma_start3A_6 = arith.constant 0 : i32
    %dma_start3A_7 = arith.constant 0 : i32
    %dma_start3A_8 = tpu.memref_slice %arg2[%dma_start3A_6, %dma_start3A_7] : memref<10000x128xf32, #tpu.memory_space<hbm>> -> memref<10000x128xf32, #tpu.memory_space<hbm>>
    tpu.enqueue_indirect_dma source(%dma_start3A_8 : memref<10000x128xf32, #tpu.memory_space<hbm>>) target(%arg6 : memref<40x128xf32, #tpu.memory_space<vmem>>) offsets(%dma_start3A_5 : memref<40xi32, #tpu.memory_space<vmem>>) semaphore(%arg11 : memref<!tpu.dma_semaphore, #tpu.memory_space<semaphore_mem>>)
    %dma_start3A_9 = arith.constant 1 : i32
    %dma_start3A_10 = arith.constant 0 : i32
    %dma_start3A_11 = tpu.memref_slice %arg5[%dma_start3A_9, %dma_start3A_10] : memref<60x40xi32, #tpu.memory_space<vmem>> -> memref<1x40xi32, #tpu.memory_space<vmem>>
    %dma_start3A_12 = tpu.memref_squeeze %dma_start3A_11 : memref<1x40xi32, #tpu.memory_space<vmem>> -> memref<40xi32, #tpu.memory_space<vmem>>
    %dma_start3A_13 = arith.constant 0 : i32
    %dma_start3A_14 = arith.constant 0 : i32
    %dma_start3A_15 = tpu.memref_slice %arg2[%dma_start3A_13, %dma_start3A_14] : memref<10000x128xf32, #tpu.memory_space<hbm>> -> memref<10000x128xf32, #tpu.memory_space<hbm>>
    tpu.enqueue_indirect_dma source(%dma_start3A_15 : memref<10000x128xf32, #tpu.memory_space<hbm>>) target(%arg7 : memref<40x128xf32, #tpu.memory_space<vmem>>) offsets(%dma_start3A_12 : memref<40xi32, #tpu.memory_space<vmem>>) semaphore(%arg12 : memref<!tpu.dma_semaphore, #tpu.memory_space<semaphore_mem>>)
    %dma_start3A_16 = arith.constant 2 : i32
    %dma_start3A_17 = arith.constant 0 : i32
    %dma_start3A_18 = tpu.memref_slice %arg5[%dma_start3A_16, %dma_start3A_17] : memref<60x40xi32, #tpu.memory_space<vmem>> -> memref<1x40xi32, #tpu.memory_space<vmem>>
    %dma_start3A_19 = tpu.memref_squeeze %dma_start3A_18 : memref<1x40xi32, #tpu.memory_space<vmem>> -> memref<40xi32, #tpu.memory_space<vmem>>
    %dma_start3A_20 = arith.constant 0 : i32
    %dma_start3A_21 = arith.constant 0 : i32
    %dma_start3A_22 = tpu.memref_slice %arg2[%dma_start3A_20, %dma_start3A_21] : memref<10000x128xf32, #tpu.memory_space<hbm>> -> memref<10000x128xf32, #tpu.memory_space<hbm>>
    tpu.enqueue_indirect_dma source(%dma_start3A_22 : memref<10000x128xf32, #tpu.memory_space<hbm>>) target(%arg8 : memref<40x128xf32, #tpu.memory_space<vmem>>) offsets(%dma_start3A_19 : memref<40xi32, #tpu.memory_space<vmem>>) semaphore(%arg13 : memref<!tpu.dma_semaphore, #tpu.memory_space<semaphore_mem>>)
    %dma_start3A_23 = arith.constant 3 : i32
    %dma_start3A_24 = arith.constant 0 : i32
    %dma_start3A_25 = tpu.memref_slice %arg5[%dma_start3A_23, %dma_start3A_24] : memref<60x40xi32, #tpu.memory_space<vmem>> -> memref<1x40xi32, #tpu.memory_space<vmem>>
    %dma_start3A_26 = tpu.memref_squeeze %dma_start3A_25 : memref<1x40xi32, #tpu.memory_space<vmem>> -> memref<40xi32, #tpu.memory_space<vmem>>
    %dma_start3A_27 = arith.constant 0 : i32
    %dma_start3A_28 = arith.constant 0 : i32
    %dma_start3A_29 = tpu.memref_slice %arg2[%dma_start3A_27, %dma_start3A_28] : memref<10000x128xf32, #tpu.memory_space<hbm>> -> memref<10000x128xf32, #tpu.memory_space<hbm>>
    tpu.enqueue_indirect_dma source(%dma_start3A_29 : memref<10000x128xf32, #tpu.memory_space<hbm>>) target(%arg9 : memref<40x128xf32, #tpu.memory_space<vmem>>) offsets(%dma_start3A_26 : memref<40xi32, #tpu.memory_space<vmem>>) semaphore(%arg14 : memref<!tpu.dma_semaphore, #tpu.memory_space<semaphore_mem>>)
    %dma_start3A_30 = arith.constant 4 : i32
    %dma_start3A_31 = arith.constant 0 : i32
    %dma_start3A_32 = tpu.memref_slice %arg5[%dma_start3A_30, %dma_start3A_31] : memref<60x40xi32, #tpu.memory_space<vmem>> -> memref<1x40xi32, #tpu.memory_space<vmem>>
    %dma_start3A_33 = tpu.memref_squeeze %dma_start3A_32 : memref<1x40xi32, #tpu.memory_space<vmem>> -> memref<40xi32, #tpu.memory_space<vmem>>
    %dma_start3A_34 = arith.constant 0 : i32
    %dma_start3A_35 = arith.constant 0 : i32
    %dma_start3A_36 = tpu.memref_slice %arg2[%dma_start3A_34, %dma_start3A_35] : memref<10000x128xf32, #tpu.memory_space<hbm>> -> memref<10000x128xf32, #tpu.memory_space<hbm>>
    tpu.enqueue_indirect_dma source(%dma_start3A_36 : memref<10000x128xf32, #tpu.memory_space<hbm>>) target(%arg10 : memref<40x128xf32, #tpu.memory_space<vmem>>) offsets(%dma_start3A_33 : memref<40xi32, #tpu.memory_space<vmem>>) semaphore(%arg15 : memref<!tpu.dma_semaphore, #tpu.memory_space<semaphore_mem>>)
    %scan3A = arith.constant 0 : i32
    %scan3A_37 = arith.constant 0 : i32
    %scan3A_38 = arith.constant 12 : i32
    %scan3A_39 = arith.addi %scan3A_37, %scan3A_38 : i32
    %scan3A_40 = arith.constant 1 : i32
    scf.for %scan3A_42 = %scan3A_37 to %scan3A_39 step %scan3A_40  : i32 {
      %mul3A_43 = arith.constant 5 : i32
      %mul3A_44 = arith.muli %scan3A_42, %mul3A_43 : i32
      %add3A_45 = arith.constant 0 : i32
      %add3A_46 = arith.addi %mul3A_44, %add3A_45 : i32
      %dma_wait3A = arith.constant 0 : i32
      %dma_wait3A_47 = tpu.memref_slice %arg5[%add3A_46, %dma_wait3A] : memref<60x40xi32, #tpu.memory_space<vmem>> -> memref<1x40xi32, #tpu.memory_space<vmem>>
      %dma_wait3A_48 = tpu.memref_squeeze %dma_wait3A_47 : memref<1x40xi32, #tpu.memory_space<vmem>> -> memref<40xi32, #tpu.memory_space<vmem>>
      %dma_wait3A_49 = arith.constant 0 : i32
      %dma_wait3A_50 = arith.constant 0 : i32
      %dma_wait3A_51 = tpu.memref_slice %arg2[%dma_wait3A_49, %dma_wait3A_50] : memref<10000x128xf32, #tpu.memory_space<hbm>> -> memref<10000x128xf32, #tpu.memory_space<hbm>>
      tpu.wait_indirect_dma semaphore(%arg11 : memref<!tpu.dma_semaphore, #tpu.memory_space<semaphore_mem>>) src(%dma_wait3A_51 : memref<10000x128xf32, #tpu.memory_space<hbm>>) dst(%arg6 : memref<40x128xf32, #tpu.memory_space<vmem>>)
      %add3A_52 = arith.constant 0 : i32
      %add3A_53 = arith.addi %mul3A_44, %add3A_52 : i32
      %mul3A_54 = arith.constant 40 : i32
      %mul3A_55 = arith.muli %add3A_53, %mul3A_54 : i32
      %add3A_56 = arith.addi %mul3A_2, %mul3A_55 : i32
      %dma_start3A_57 = arith.constant 0 : i32
      %dma_start3A_58 = tpu.memref_slice %arg4[%add3A_56, %dma_start3A_57] : memref<76800x128xf32, #tpu.memory_space<hbm>> -> memref<40x128xf32, #tpu.memory_space<hbm>>
      %dma_start3A_59 = arith.constant 0 : i32
      %dma_start3A_60 = tpu.memref_slice %arg4[%add3A_56, %dma_start3A_59] : memref<76800x128xf32, #tpu.memory_space<hbm>> -> memref<40x128xf32, #tpu.memory_space<hbm>>
      tpu.enqueue_dma source(%arg6 : memref<40x128xf32, #tpu.memory_space<vmem>>) target(%dma_start3A_60 : memref<40x128xf32, #tpu.memory_space<hbm>>) target_semaphore(%arg16 : memref<!tpu.dma_semaphore, #tpu.memory_space<semaphore_mem>>)
      %add3A_61 = arith.constant 1 : i32
      %add3A_62 = arith.addi %mul3A_44, %add3A_61 : i32
      %dma_wait3A_63 = arith.constant 0 : i32
      %dma_wait3A_64 = tpu.memref_slice %arg5[%add3A_62, %dma_wait3A_63] : memref<60x40xi32, #tpu.memory_space<vmem>> -> memref<1x40xi32, #tpu.memory_space<vmem>>
      %dma_wait3A_65 = tpu.memref_squeeze %dma_wait3A_64 : memref<1x40xi32, #tpu.memory_space<vmem>> -> memref<40xi32, #tpu.memory_space<vmem>>
      %dma_wait3A_66 = arith.constant 0 : i32
      %dma_wait3A_67 = arith.constant 0 : i32
      %dma_wait3A_68 = tpu.memref_slice %arg2[%dma_wait3A_66, %dma_wait3A_67] : memref<10000x128xf32, #tpu.memory_space<hbm>> -> memref<10000x128xf32, #tpu.memory_space<hbm>>
      tpu.wait_indirect_dma semaphore(%arg12 : memref<!tpu.dma_semaphore, #tpu.memory_space<semaphore_mem>>) src(%dma_wait3A_68 : memref<10000x128xf32, #tpu.memory_space<hbm>>) dst(%arg7 : memref<40x128xf32, #tpu.memory_space<vmem>>)
      %add3A_69 = arith.constant 1 : i32
      %add3A_70 = arith.addi %mul3A_44, %add3A_69 : i32
      %mul3A_71 = arith.constant 40 : i32
      %mul3A_72 = arith.muli %add3A_70, %mul3A_71 : i32
      %add3A_73 = arith.addi %mul3A_2, %mul3A_72 : i32
      %dma_start3A_74 = arith.constant 0 : i32
      %dma_start3A_75 = tpu.memref_slice %arg4[%add3A_73, %dma_start3A_74] : memref<76800x128xf32, #tpu.memory_space<hbm>> -> memref<40x128xf32, #tpu.memory_space<hbm>>
      %dma_start3A_76 = arith.constant 0 : i32
      %dma_start3A_77 = tpu.memref_slice %arg4[%add3A_73, %dma_start3A_76] : memref<76800x128xf32, #tpu.memory_space<hbm>> -> memref<40x128xf32, #tpu.memory_space<hbm>>
      tpu.enqueue_dma source(%arg7 : memref<40x128xf32, #tpu.memory_space<vmem>>) target(%dma_start3A_77 : memref<40x128xf32, #tpu.memory_space<hbm>>) target_semaphore(%arg17 : memref<!tpu.dma_semaphore, #tpu.memory_space<semaphore_mem>>)
      %add3A_78 = arith.constant 2 : i32
      %add3A_79 = arith.addi %mul3A_44, %add3A_78 : i32
      %dma_wait3A_80 = arith.constant 0 : i32
      %dma_wait3A_81 = tpu.memref_slice %arg5[%add3A_79, %dma_wait3A_80] : memref<60x40xi32, #tpu.memory_space<vmem>> -> memref<1x40xi32, #tpu.memory_space<vmem>>
      %dma_wait3A_82 = tpu.memref_squeeze %dma_wait3A_81 : memref<1x40xi32, #tpu.memory_space<vmem>> -> memref<40xi32, #tpu.memory_space<vmem>>
      %dma_wait3A_83 = arith.constant 0 : i32
      %dma_wait3A_84 = arith.constant 0 : i32
      %dma_wait3A_85 = tpu.memref_slice %arg2[%dma_wait3A_83, %dma_wait3A_84] : memref<10000x128xf32, #tpu.memory_space<hbm>> -> memref<10000x128xf32, #tpu.memory_space<hbm>>
      tpu.wait_indirect_dma semaphore(%arg13 : memref<!tpu.dma_semaphore, #tpu.memory_space<semaphore_mem>>) src(%dma_wait3A_85 : memref<10000x128xf32, #tpu.memory_space<hbm>>) dst(%arg8 : memref<40x128xf32, #tpu.memory_space<vmem>>)
      %add3A_86 = arith.constant 2 : i32
      %add3A_87 = arith.addi %mul3A_44, %add3A_86 : i32
      %mul3A_88 = arith.constant 40 : i32
      %mul3A_89 = arith.muli %add3A_87, %mul3A_88 : i32
      %add3A_90 = arith.addi %mul3A_2, %mul3A_89 : i32
      %dma_start3A_91 = arith.constant 0 : i32
      %dma_start3A_92 = tpu.memref_slice %arg4[%add3A_90, %dma_start3A_91] : memref<76800x128xf32, #tpu.memory_space<hbm>> -> memref<40x128xf32, #tpu.memory_space<hbm>>
      %dma_start3A_93 = arith.constant 0 : i32
      %dma_start3A_94 = tpu.memref_slice %arg4[%add3A_90, %dma_start3A_93] : memref<76800x128xf32, #tpu.memory_space<hbm>> -> memref<40x128xf32, #tpu.memory_space<hbm>>
      tpu.enqueue_dma source(%arg8 : memref<40x128xf32, #tpu.memory_space<vmem>>) target(%dma_start3A_94 : memref<40x128xf32, #tpu.memory_space<hbm>>) target_semaphore(%arg18 : memref<!tpu.dma_semaphore, #tpu.memory_space<semaphore_mem>>)
      %add3A_95 = arith.constant 3 : i32
      %add3A_96 = arith.addi %mul3A_44, %add3A_95 : i32
      %dma_wait3A_97 = arith.constant 0 : i32
      %dma_wait3A_98 = tpu.memref_slice %arg5[%add3A_96, %dma_wait3A_97] : memref<60x40xi32, #tpu.memory_space<vmem>> -> memref<1x40xi32, #tpu.memory_space<vmem>>
      %dma_wait3A_99 = tpu.memref_squeeze %dma_wait3A_98 : memref<1x40xi32, #tpu.memory_space<vmem>> -> memref<40xi32, #tpu.memory_space<vmem>>
      %dma_wait3A_100 = arith.constant 0 : i32
      %dma_wait3A_101 = arith.constant 0 : i32
      %dma_wait3A_102 = tpu.memref_slice %arg2[%dma_wait3A_100, %dma_wait3A_101] : memref<10000x128xf32, #tpu.memory_space<hbm>> -> memref<10000x128xf32, #tpu.memory_space<hbm>>
      tpu.wait_indirect_dma semaphore(%arg14 : memref<!tpu.dma_semaphore, #tpu.memory_space<semaphore_mem>>) src(%dma_wait3A_102 : memref<10000x128xf32, #tpu.memory_space<hbm>>) dst(%arg9 : memref<40x128xf32, #tpu.memory_space<vmem>>)
      %add3A_103 = arith.constant 3 : i32
      %add3A_104 = arith.addi %mul3A_44, %add3A_103 : i32
      %mul3A_105 = arith.constant 40 : i32
      %mul3A_106 = arith.muli %add3A_104, %mul3A_105 : i32
      %add3A_107 = arith.addi %mul3A_2, %mul3A_106 : i32
      %dma_start3A_108 = arith.constant 0 : i32
      %dma_start3A_109 = tpu.memref_slice %arg4[%add3A_107, %dma_start3A_108] : memref<76800x128xf32, #tpu.memory_space<hbm>> -> memref<40x128xf32, #tpu.memory_space<hbm>>
      %dma_start3A_110 = arith.constant 0 : i32
      %dma_start3A_111 = tpu.memref_slice %arg4[%add3A_107, %dma_start3A_110] : memref<76800x128xf32, #tpu.memory_space<hbm>> -> memref<40x128xf32, #tpu.memory_space<hbm>>
      tpu.enqueue_dma source(%arg9 : memref<40x128xf32, #tpu.memory_space<vmem>>) target(%dma_start3A_111 : memref<40x128xf32, #tpu.memory_space<hbm>>) target_semaphore(%arg19 : memref<!tpu.dma_semaphore, #tpu.memory_space<semaphore_mem>>)
      %add3A_112 = arith.constant 4 : i32
      %add3A_113 = arith.addi %mul3A_44, %add3A_112 : i32
      %dma_wait3A_114 = arith.constant 0 : i32
      %dma_wait3A_115 = tpu.memref_slice %arg5[%add3A_113, %dma_wait3A_114] : memref<60x40xi32, #tpu.memory_space<vmem>> -> memref<1x40xi32, #tpu.memory_space<vmem>>
      %dma_wait3A_116 = tpu.memref_squeeze %dma_wait3A_115 : memref<1x40xi32, #tpu.memory_space<vmem>> -> memref<40xi32, #tpu.memory_space<vmem>>
      %dma_wait3A_117 = arith.constant 0 : i32
      %dma_wait3A_118 = arith.constant 0 : i32
      %dma_wait3A_119 = tpu.memref_slice %arg2[%dma_wait3A_117, %dma_wait3A_118] : memref<10000x128xf32, #tpu.memory_space<hbm>> -> memref<10000x128xf32, #tpu.memory_space<hbm>>
      tpu.wait_indirect_dma semaphore(%arg15 : memref<!tpu.dma_semaphore, #tpu.memory_space<semaphore_mem>>) src(%dma_wait3A_119 : memref<10000x128xf32, #tpu.memory_space<hbm>>) dst(%arg10 : memref<40x128xf32, #tpu.memory_space<vmem>>)
      %add3A_120 = arith.constant 4 : i32
      %add3A_121 = arith.addi %mul3A_44, %add3A_120 : i32
      %mul3A_122 = arith.constant 40 : i32
      %mul3A_123 = arith.muli %add3A_121, %mul3A_122 : i32
      %add3A_124 = arith.addi %mul3A_2, %mul3A_123 : i32
      %dma_start3A_125 = arith.constant 0 : i32
      %dma_start3A_126 = tpu.memref_slice %arg4[%add3A_124, %dma_start3A_125] : memref<76800x128xf32, #tpu.memory_space<hbm>> -> memref<40x128xf32, #tpu.memory_space<hbm>>
      %dma_start3A_127 = arith.constant 0 : i32
      %dma_start3A_128 = tpu.memref_slice %arg4[%add3A_124, %dma_start3A_127] : memref<76800x128xf32, #tpu.memory_space<hbm>> -> memref<40x128xf32, #tpu.memory_space<hbm>>
      tpu.enqueue_dma source(%arg10 : memref<40x128xf32, #tpu.memory_space<vmem>>) target(%dma_start3A_128 : memref<40x128xf32, #tpu.memory_space<hbm>>) target_semaphore(%arg20 : memref<!tpu.dma_semaphore, #tpu.memory_space<semaphore_mem>>)
      %add3A_129 = arith.constant 0 : i32
      %add3A_130 = arith.addi %mul3A_44, %add3A_129 : i32
      %mul3A_131 = arith.constant 40 : i32
      %mul3A_132 = arith.muli %add3A_130, %mul3A_131 : i32
      %add3A_133 = arith.addi %mul3A_2, %mul3A_132 : i32
      %dma_wait3A_134 = arith.constant 0 : i32
      %dma_wait3A_135 = tpu.memref_slice %arg4[%add3A_133, %dma_wait3A_134] : memref<76800x128xf32, #tpu.memory_space<hbm>> -> memref<40x128xf32, #tpu.memory_space<hbm>>
      %dma_wait3A_136 = arith.constant 0 : i32
      %dma_wait3A_137 = tpu.memref_slice %arg4[%add3A_133, %dma_wait3A_136] : memref<76800x128xf32, #tpu.memory_space<hbm>> -> memref<40x128xf32, #tpu.memory_space<hbm>>
      tpu.wait_dma2 semaphore(%arg16 : memref<!tpu.dma_semaphore, #tpu.memory_space<semaphore_mem>>) src(%arg6 : memref<40x128xf32, #tpu.memory_space<vmem>>) dst(%dma_wait3A_137 : memref<40x128xf32, #tpu.memory_space<hbm>>)
      %add3A_138 = arith.constant 1 : i32
      %add3A_139 = arith.addi %scan3A_42, %add3A_138 : i32
      %lt3A = arith.constant 12 : i32
      %lt3A_140 = arith.cmpi slt, %add3A_139, %lt3A : i32
      %convert_element_type3A = arith.extui %lt3A_140 : i1 to i32
      %cond3A = arith.constant 0 : i32
      %cond3A_141 = arith.cmpi ne, %convert_element_type3A, %cond3A : i32
      scf.if %cond3A_141 {
        %add3A_206 = arith.constant 5 : i32
        %add3A_207 = arith.addi %mul3A_44, %add3A_206 : i32
        %add3A_208 = arith.constant 0 : i32
        %add3A_209 = arith.addi %add3A_207, %add3A_208 : i32
        %dma_start3A_210 = arith.constant 0 : i32
        %dma_start3A_211 = tpu.memref_slice %arg5[%add3A_209, %dma_start3A_210] : memref<60x40xi32, #tpu.memory_space<vmem>> -> memref<1x40xi32, #tpu.memory_space<vmem>>
        %dma_start3A_212 = tpu.memref_squeeze %dma_start3A_211 : memref<1x40xi32, #tpu.memory_space<vmem>> -> memref<40xi32, #tpu.memory_space<vmem>>
        %dma_start3A_213 = arith.constant 0 : i32
        %dma_start3A_214 = arith.constant 0 : i32
        %dma_start3A_215 = tpu.memref_slice %arg2[%dma_start3A_213, %dma_start3A_214] : memref<10000x128xf32, #tpu.memory_space<hbm>> -> memref<10000x128xf32, #tpu.memory_space<hbm>>
        tpu.enqueue_indirect_dma source(%dma_start3A_215 : memref<10000x128xf32, #tpu.memory_space<hbm>>) target(%arg6 : memref<40x128xf32, #tpu.memory_space<vmem>>) offsets(%dma_start3A_212 : memref<40xi32, #tpu.memory_space<vmem>>) semaphore(%arg11 : memref<!tpu.dma_semaphore, #tpu.memory_space<semaphore_mem>>)
      } else {
      }
      %add3A_142 = arith.constant 1 : i32
      %add3A_143 = arith.addi %mul3A_44, %add3A_142 : i32
      %mul3A_144 = arith.constant 40 : i32
      %mul3A_145 = arith.muli %add3A_143, %mul3A_144 : i32
      %add3A_146 = arith.addi %mul3A_2, %mul3A_145 : i32
      %dma_wait3A_147 = arith.constant 0 : i32
      %dma_wait3A_148 = tpu.memref_slice %arg4[%add3A_146, %dma_wait3A_147] : memref<76800x128xf32, #tpu.memory_space<hbm>> -> memref<40x128xf32, #tpu.memory_space<hbm>>
      %dma_wait3A_149 = arith.constant 0 : i32
      %dma_wait3A_150 = tpu.memref_slice %arg4[%add3A_146, %dma_wait3A_149] : memref<76800x128xf32, #tpu.memory_space<hbm>> -> memref<40x128xf32, #tpu.memory_space<hbm>>
      tpu.wait_dma2 semaphore(%arg17 : memref<!tpu.dma_semaphore, #tpu.memory_space<semaphore_mem>>) src(%arg7 : memref<40x128xf32, #tpu.memory_space<vmem>>) dst(%dma_wait3A_150 : memref<40x128xf32, #tpu.memory_space<hbm>>)
      %add3A_151 = arith.constant 1 : i32
      %add3A_152 = arith.addi %scan3A_42, %add3A_151 : i32
      %lt3A_153 = arith.constant 12 : i32
      %lt3A_154 = arith.cmpi slt, %add3A_152, %lt3A_153 : i32
      %convert_element_type3A_155 = arith.extui %lt3A_154 : i1 to i32
      %cond3A_156 = arith.constant 0 : i32
      %cond3A_157 = arith.cmpi ne, %convert_element_type3A_155, %cond3A_156 : i32
      scf.if %cond3A_157 {
        %add3A_206 = arith.constant 5 : i32
        %add3A_207 = arith.addi %mul3A_44, %add3A_206 : i32
        %add3A_208 = arith.constant 1 : i32
        %add3A_209 = arith.addi %add3A_207, %add3A_208 : i32
        %dma_start3A_210 = arith.constant 0 : i32
        %dma_start3A_211 = tpu.memref_slice %arg5[%add3A_209, %dma_start3A_210] : memref<60x40xi32, #tpu.memory_space<vmem>> -> memref<1x40xi32, #tpu.memory_space<vmem>>
        %dma_start3A_212 = tpu.memref_squeeze %dma_start3A_211 : memref<1x40xi32, #tpu.memory_space<vmem>> -> memref<40xi32, #tpu.memory_space<vmem>>
        %dma_start3A_213 = arith.constant 0 : i32
        %dma_start3A_214 = arith.constant 0 : i32
        %dma_start3A_215 = tpu.memref_slice %arg2[%dma_start3A_213, %dma_start3A_214] : memref<10000x128xf32, #tpu.memory_space<hbm>> -> memref<10000x128xf32, #tpu.memory_space<hbm>>
        tpu.enqueue_indirect_dma source(%dma_start3A_215 : memref<10000x128xf32, #tpu.memory_space<hbm>>) target(%arg7 : memref<40x128xf32, #tpu.memory_space<vmem>>) offsets(%dma_start3A_212 : memref<40xi32, #tpu.memory_space<vmem>>) semaphore(%arg12 : memref<!tpu.dma_semaphore, #tpu.memory_space<semaphore_mem>>)
      } else {
      }
      %add3A_158 = arith.constant 2 : i32
      %add3A_159 = arith.addi %mul3A_44, %add3A_158 : i32
      %mul3A_160 = arith.constant 40 : i32
      %mul3A_161 = arith.muli %add3A_159, %mul3A_160 : i32
      %add3A_162 = arith.addi %mul3A_2, %mul3A_161 : i32
      %dma_wait3A_163 = arith.constant 0 : i32
      %dma_wait3A_164 = tpu.memref_slice %arg4[%add3A_162, %dma_wait3A_163] : memref<76800x128xf32, #tpu.memory_space<hbm>> -> memref<40x128xf32, #tpu.memory_space<hbm>>
      %dma_wait3A_165 = arith.constant 0 : i32
      %dma_wait3A_166 = tpu.memref_slice %arg4[%add3A_162, %dma_wait3A_165] : memref<76800x128xf32, #tpu.memory_space<hbm>> -> memref<40x128xf32, #tpu.memory_space<hbm>>
      tpu.wait_dma2 semaphore(%arg18 : memref<!tpu.dma_semaphore, #tpu.memory_space<semaphore_mem>>) src(%arg8 : memref<40x128xf32, #tpu.memory_space<vmem>>) dst(%dma_wait3A_166 : memref<40x128xf32, #tpu.memory_space<hbm>>)
      %add3A_167 = arith.constant 1 : i32
      %add3A_168 = arith.addi %scan3A_42, %add3A_167 : i32
      %lt3A_169 = arith.constant 12 : i32
      %lt3A_170 = arith.cmpi slt, %add3A_168, %lt3A_169 : i32
      %convert_element_type3A_171 = arith.extui %lt3A_170 : i1 to i32
      %cond3A_172 = arith.constant 0 : i32
      %cond3A_173 = arith.cmpi ne, %convert_element_type3A_171, %cond3A_172 : i32
      scf.if %cond3A_173 {
        %add3A_206 = arith.constant 5 : i32
        %add3A_207 = arith.addi %mul3A_44, %add3A_206 : i32
        %add3A_208 = arith.constant 2 : i32
        %add3A_209 = arith.addi %add3A_207, %add3A_208 : i32
        %dma_start3A_210 = arith.constant 0 : i32
        %dma_start3A_211 = tpu.memref_slice %arg5[%add3A_209, %dma_start3A_210] : memref<60x40xi32, #tpu.memory_space<vmem>> -> memref<1x40xi32, #tpu.memory_space<vmem>>
        %dma_start3A_212 = tpu.memref_squeeze %dma_start3A_211 : memref<1x40xi32, #tpu.memory_space<vmem>> -> memref<40xi32, #tpu.memory_space<vmem>>
        %dma_start3A_213 = arith.constant 0 : i32
        %dma_start3A_214 = arith.constant 0 : i32
        %dma_start3A_215 = tpu.memref_slice %arg2[%dma_start3A_213, %dma_start3A_214] : memref<10000x128xf32, #tpu.memory_space<hbm>> -> memref<10000x128xf32, #tpu.memory_space<hbm>>
        tpu.enqueue_indirect_dma source(%dma_start3A_215 : memref<10000x128xf32, #tpu.memory_space<hbm>>) target(%arg8 : memref<40x128xf32, #tpu.memory_space<vmem>>) offsets(%dma_start3A_212 : memref<40xi32, #tpu.memory_space<vmem>>) semaphore(%arg13 : memref<!tpu.dma_semaphore, #tpu.memory_space<semaphore_mem>>)
      } else {
      }
      %add3A_174 = arith.constant 3 : i32
      %add3A_175 = arith.addi %mul3A_44, %add3A_174 : i32
      %mul3A_176 = arith.constant 40 : i32
      %mul3A_177 = arith.muli %add3A_175, %mul3A_176 : i32
      %add3A_178 = arith.addi %mul3A_2, %mul3A_177 : i32
      %dma_wait3A_179 = arith.constant 0 : i32
      %dma_wait3A_180 = tpu.memref_slice %arg4[%add3A_178, %dma_wait3A_179] : memref<76800x128xf32, #tpu.memory_space<hbm>> -> memref<40x128xf32, #tpu.memory_space<hbm>>
      %dma_wait3A_181 = arith.constant 0 : i32
      %dma_wait3A_182 = tpu.memref_slice %arg4[%add3A_178, %dma_wait3A_181] : memref<76800x128xf32, #tpu.memory_space<hbm>> -> memref<40x128xf32, #tpu.memory_space<hbm>>
      tpu.wait_dma2 semaphore(%arg19 : memref<!tpu.dma_semaphore, #tpu.memory_space<semaphore_mem>>) src(%arg9 : memref<40x128xf32, #tpu.memory_space<vmem>>) dst(%dma_wait3A_182 : memref<40x128xf32, #tpu.memory_space<hbm>>)
      %add3A_183 = arith.constant 1 : i32
      %add3A_184 = arith.addi %scan3A_42, %add3A_183 : i32
      %lt3A_185 = arith.constant 12 : i32
      %lt3A_186 = arith.cmpi slt, %add3A_184, %lt3A_185 : i32
      %convert_element_type3A_187 = arith.extui %lt3A_186 : i1 to i32
      %cond3A_188 = arith.constant 0 : i32
      %cond3A_189 = arith.cmpi ne, %convert_element_type3A_187, %cond3A_188 : i32
      scf.if %cond3A_189 {
        %add3A_206 = arith.constant 5 : i32
        %add3A_207 = arith.addi %mul3A_44, %add3A_206 : i32
        %add3A_208 = arith.constant 3 : i32
        %add3A_209 = arith.addi %add3A_207, %add3A_208 : i32
        %dma_start3A_210 = arith.constant 0 : i32
        %dma_start3A_211 = tpu.memref_slice %arg5[%add3A_209, %dma_start3A_210] : memref<60x40xi32, #tpu.memory_space<vmem>> -> memref<1x40xi32, #tpu.memory_space<vmem>>
        %dma_start3A_212 = tpu.memref_squeeze %dma_start3A_211 : memref<1x40xi32, #tpu.memory_space<vmem>> -> memref<40xi32, #tpu.memory_space<vmem>>
        %dma_start3A_213 = arith.constant 0 : i32
        %dma_start3A_214 = arith.constant 0 : i32
        %dma_start3A_215 = tpu.memref_slice %arg2[%dma_start3A_213, %dma_start3A_214] : memref<10000x128xf32, #tpu.memory_space<hbm>> -> memref<10000x128xf32, #tpu.memory_space<hbm>>
        tpu.enqueue_indirect_dma source(%dma_start3A_215 : memref<10000x128xf32, #tpu.memory_space<hbm>>) target(%arg9 : memref<40x128xf32, #tpu.memory_space<vmem>>) offsets(%dma_start3A_212 : memref<40xi32, #tpu.memory_space<vmem>>) semaphore(%arg14 : memref<!tpu.dma_semaphore, #tpu.memory_space<semaphore_mem>>)
      } else {
      }
      %add3A_190 = arith.constant 4 : i32
      %add3A_191 = arith.addi %mul3A_44, %add3A_190 : i32
      %mul3A_192 = arith.constant 40 : i32
      %mul3A_193 = arith.muli %add3A_191, %mul3A_192 : i32
      %add3A_194 = arith.addi %mul3A_2, %mul3A_193 : i32
      %dma_wait3A_195 = arith.constant 0 : i32
      %dma_wait3A_196 = tpu.memref_slice %arg4[%add3A_194, %dma_wait3A_195] : memref<76800x128xf32, #tpu.memory_space<hbm>> -> memref<40x128xf32, #tpu.memory_space<hbm>>
      %dma_wait3A_197 = arith.constant 0 : i32
      %dma_wait3A_198 = tpu.memref_slice %arg4[%add3A_194, %dma_wait3A_197] : memref<76800x128xf32, #tpu.memory_space<hbm>> -> memref<40x128xf32, #tpu.memory_space<hbm>>
      tpu.wait_dma2 semaphore(%arg20 : memref<!tpu.dma_semaphore, #tpu.memory_space<semaphore_mem>>) src(%arg10 : memref<40x128xf32, #tpu.memory_space<vmem>>) dst(%dma_wait3A_198 : memref<40x128xf32, #tpu.memory_space<hbm>>)
      %add3A_199 = arith.constant 1 : i32
      %add3A_200 = arith.addi %scan3A_42, %add3A_199 : i32
      %lt3A_201 = arith.constant 12 : i32
      %lt3A_202 = arith.cmpi slt, %add3A_200, %lt3A_201 : i32
      %convert_element_type3A_203 = arith.extui %lt3A_202 : i1 to i32
      %cond3A_204 = arith.constant 0 : i32
      %cond3A_205 = arith.cmpi ne, %convert_element_type3A_203, %cond3A_204 : i32
      scf.if %cond3A_205 {
        %add3A_206 = arith.constant 5 : i32
        %add3A_207 = arith.addi %mul3A_44, %add3A_206 : i32
        %add3A_208 = arith.constant 4 : i32
        %add3A_209 = arith.addi %add3A_207, %add3A_208 : i32
        %dma_start3A_210 = arith.constant 0 : i32
        %dma_start3A_211 = tpu.memref_slice %arg5[%add3A_209, %dma_start3A_210] : memref<60x40xi32, #tpu.memory_space<vmem>> -> memref<1x40xi32, #tpu.memory_space<vmem>>
        %dma_start3A_212 = tpu.memref_squeeze %dma_start3A_211 : memref<1x40xi32, #tpu.memory_space<vmem>> -> memref<40xi32, #tpu.memory_space<vmem>>
        %dma_start3A_213 = arith.constant 0 : i32
        %dma_start3A_214 = arith.constant 0 : i32
        %dma_start3A_215 = tpu.memref_slice %arg2[%dma_start3A_213, %dma_start3A_214] : memref<10000x128xf32, #tpu.memory_space<hbm>> -> memref<10000x128xf32, #tpu.memory_space<hbm>>
        tpu.enqueue_indirect_dma source(%dma_start3A_215 : memref<10000x128xf32, #tpu.memory_space<hbm>>) target(%arg10 : memref<40x128xf32, #tpu.memory_space<vmem>>) offsets(%dma_start3A_212 : memref<40xi32, #tpu.memory_space<vmem>>) semaphore(%arg15 : memref<!tpu.dma_semaphore, #tpu.memory_space<semaphore_mem>>)
      } else {
      }
    }
    %scan3A_41 = arith.constant 12 : i32
    return
  }
}

module attributes {stable_mosaic.version = 14 : i64} {
  func.func @body(%arg0: i32, %arg1: memref<3200x16xf32, #tpu.memory_space<vmem>>, %arg2: memref<3200x128xf32, #tpu.memory_space<vmem>>, %arg3: memref<16x64xf32, #tpu.memory_space<vmem>>, %arg4: memref<1x64xf32, #tpu.memory_space<vmem>>, %arg5: memref<64x1024xbf16, #tpu.memory_space<vmem>>, %arg6: memref<32x32xf32, #tpu.memory_space<vmem>>, %arg7: memref<32x1024xbf16, #tpu.memory_space<vmem>>, %arg8: memref<1024x32xbf16, #tpu.memory_space<vmem>>, %arg9: memref<3200x128xf32, #tpu.memory_space<vmem>>) attributes {dimension_semantics = [#tpu.dimension_semantics<arbitrary>], iteration_bounds = array<i64: 26>, scalar_prefetch = 0 : i64, scratch_operands = 0 : i64, tpu.core_type = #tpu.core_type<tc>, window_params = [{transform_indices = @transform_0, window_bounds = array<i64: 3200, 16>}, {transform_indices = @transform_1, window_bounds = array<i64: 3200, 128>}, {pipeline_mode = #tpu.pipeline_mode<synchronous>, transform_indices = @transform_2, window_bounds = array<i64: 16, 64>}, {pipeline_mode = #tpu.pipeline_mode<synchronous>, transform_indices = @transform_3, window_bounds = array<i64: 1, 64>}, {pipeline_mode = #tpu.pipeline_mode<synchronous>, transform_indices = @transform_4, window_bounds = array<i64: 64, 1024>}, {pipeline_mode = #tpu.pipeline_mode<synchronous>, transform_indices = @transform_5, window_bounds = array<i64: 32, 32>}, {pipeline_mode = #tpu.pipeline_mode<synchronous>, transform_indices = @transform_6, window_bounds = array<i64: 32, 1024>}, {pipeline_mode = #tpu.pipeline_mode<synchronous>, transform_indices = @transform_7, window_bounds = array<i64: 1024, 32>}, {transform_indices = @transform_8, window_bounds = array<i64: 3200, 128>}]} {
    %get3A = arith.constant 0 : index
    %get3A_0 = arith.constant 0 : index
    %get3A_1 = vector.load %arg1[%get3A, %get3A_0] : memref<3200x16xf32, #tpu.memory_space<vmem>>, vector<3200x16xf32>
    %get3A_2 = arith.constant 0 : index
    %get3A_3 = arith.constant 0 : index
    %get3A_4 = vector.load %arg3[%get3A_2, %get3A_3] : memref<16x64xf32, #tpu.memory_space<vmem>>, vector<16x64xf32>
    %dot_general3A = arith.constant dense<0.000000e+00> : vector<3200x64xf32>
    %dot_general3A_5 = tpu.matmul %get3A_1, %get3A_4, %dot_general3A {dimension_numbers = #tpu.dot_dimension_numbers<[1], [0], [0], [1], [0, 0, 1, 1], [], []>, transpose_lhs_hint = false} : vector<3200x16xf32>, vector<16x64xf32>, vector<3200x64xf32> -> vector<3200x64xf32>
    %get3A_6 = arith.constant 0 : index
    %get3A_7 = arith.constant 0 : index
    %get3A_8 = vector.load %arg4[%get3A_6, %get3A_7] : memref<1x64xf32, #tpu.memory_space<vmem>>, vector<1x64xf32>
    %add3A = vector.broadcast %get3A_8 : vector<1x64xf32> to vector<3200x64xf32>
    %add3A_9 = arith.addf %dot_general3A_5, %add3A : vector<3200x64xf32>
    %mul3A = arith.constant 5.000000e-01 : f32
    %mul3A_10 = vector.broadcast %mul3A : f32 to vector<3200x64xf32>
    %mul3A_11 = arith.mulf %mul3A_10, %add3A_9 : vector<3200x64xf32>
    %mul3A_12 = arith.constant 0.707106769 : f32
    %mul3A_13 = vector.broadcast %mul3A_12 : f32 to vector<3200x64xf32>
    %mul3A_14 = arith.mulf %add3A_9, %mul3A_13 : vector<3200x64xf32>
    %erf3A = math.erf %mul3A_14 : vector<3200x64xf32>
    %add3A_15 = arith.constant 1.000000e+00 : f32
    %add3A_16 = vector.broadcast %add3A_15 : f32 to vector<3200x64xf32>
    %add3A_17 = arith.addf %add3A_16, %erf3A : vector<3200x64xf32>
    %mul3A_18 = arith.mulf %mul3A_11, %add3A_17 : vector<3200x64xf32>
    %get3A_19 = arith.constant 0 : index
    %get3A_20 = arith.constant 0 : index
    %get3A_21 = vector.load %arg2[%get3A_19, %get3A_20] : memref<3200x128xf32, #tpu.memory_space<vmem>>, vector<3200x32xf32>
    %convert_element_type3A = arith.truncf %mul3A_18 : vector<3200x64xf32> to vector<3200x64xbf16>
    %get3A_22 = arith.constant 0 : index
    %get3A_23 = arith.constant 0 : index
    %get3A_24 = vector.load %arg5[%get3A_22, %get3A_23] : memref<64x1024xbf16, #tpu.memory_space<vmem>>, vector<64x1024xbf16>
    %dot_general3A_25 = arith.constant dense<0.000000e+00> : vector<3200x1024xf32>
    %dot_general3A_26 = tpu.matmul %convert_element_type3A, %get3A_24, %dot_general3A_25 {dimension_numbers = #tpu.dot_dimension_numbers<[1], [0], [0], [1], [0, 0, 1, 1], [], []>, transpose_lhs_hint = false} : vector<3200x64xbf16>, vector<64x1024xbf16>, vector<3200x1024xf32> -> vector<3200x1024xf32>
    %convert_element_type3A_27 = arith.truncf %dot_general3A_26 : vector<3200x1024xf32> to vector<3200x1024xbf16>
    %convert_element_type3A_28 = arith.truncf %get3A_21 : vector<3200x32xf32> to vector<3200x32xbf16>
    %get3A_29 = arith.constant 0 : index
    %get3A_30 = arith.constant 0 : index
    %get3A_31 = vector.load %arg7[%get3A_29, %get3A_30] : memref<32x1024xbf16, #tpu.memory_space<vmem>>, vector<32x1024xbf16>
    %dot_general3A_32 = arith.constant dense<0.000000e+00> : vector<3200x1024xf32>
    %dot_general3A_33 = tpu.matmul %convert_element_type3A_28, %get3A_31, %dot_general3A_32 {dimension_numbers = #tpu.dot_dimension_numbers<[1], [0], [0], [1], [0, 0, 1, 1], [], []>, transpose_lhs_hint = false} : vector<3200x32xbf16>, vector<32x1024xbf16>, vector<3200x1024xf32> -> vector<3200x1024xf32>
    %convert_element_type3A_34 = arith.truncf %dot_general3A_33 : vector<3200x1024xf32> to vector<3200x1024xbf16>
    %mul3A_35 = arith.mulf %convert_element_type3A_27, %convert_element_type3A_34 : vector<3200x1024xbf16>
    %get3A_36 = arith.constant 0 : index
    %get3A_37 = arith.constant 0 : index
    %get3A_38 = vector.load %arg8[%get3A_36, %get3A_37] : memref<1024x32xbf16, #tpu.memory_space<vmem>>, vector<1024x32xbf16>
    %dot_general3A_39 = arith.constant dense<0.000000e+00> : vector<3200x32xf32>
    %dot_general3A_40 = tpu.matmul %mul3A_35, %get3A_38, %dot_general3A_39 {dimension_numbers = #tpu.dot_dimension_numbers<[1], [0], [0], [1], [0, 0, 1, 1], [], []>, transpose_lhs_hint = false} : vector<3200x1024xbf16>, vector<1024x32xbf16>, vector<3200x32xf32> -> vector<3200x32xf32>
    %get3A_41 = arith.constant 0 : index
    %get3A_42 = arith.constant 0 : index
    %get3A_43 = vector.load %arg6[%get3A_41, %get3A_42] : memref<32x32xf32, #tpu.memory_space<vmem>>, vector<32x32xf32>
    %dot_general3A_44 = arith.constant dense<0.000000e+00> : vector<3200x32xf32>
    %dot_general3A_45 = tpu.matmul %get3A_21, %get3A_43, %dot_general3A_44 {dimension_numbers = #tpu.dot_dimension_numbers<[1], [0], [0], [1], [0, 0, 1, 1], [], []>, transpose_lhs_hint = false} : vector<3200x32xf32>, vector<32x32xf32>, vector<3200x32xf32> -> vector<3200x32xf32>
    %add3A_46 = arith.addf %dot_general3A_40, %dot_general3A_45 : vector<3200x32xf32>
    %swap3A = arith.constant 0 : index
    %swap3A_47 = arith.constant 0 : index
    %swap3A_48 = vector.load %arg9[%swap3A, %swap3A_47] : memref<3200x128xf32, #tpu.memory_space<vmem>>, vector<3200x32xf32>
    tpu.vector_store %arg9[%swap3A, %swap3A_47], %add3A_46 {strides = array<i32>} : memref<3200x128xf32, #tpu.memory_space<vmem>>, vector<3200x32xf32>,
    return
  }
  func.func @transform_0(%arg0: i32) -> (i32, i32) {
    %c0_i32 = arith.constant 0 : i32
    %c0_i32_0 = arith.constant 0 : i32
    return %arg0, %c0_i32 : i32, i32
  }
  func.func @transform_1(%arg0: i32) -> (i32, i32) {
    %c0_i32 = arith.constant 0 : i32
    %c0_i32_0 = arith.constant 0 : i32
    return %arg0, %c0_i32 : i32, i32
  }
  func.func @transform_2(%arg0: i32) -> (i32, i32) {
    %c0_i32 = arith.constant 0 : i32
    %c0_i32_0 = arith.constant 0 : i32
    %c0_i32_1 = arith.constant 0 : i32
    return %c0_i32, %c0_i32_0 : i32, i32
  }
  func.func @transform_3(%arg0: i32) -> (i32, i32) {
    %c0_i32 = arith.constant 0 : i32
    %c0_i32_0 = arith.constant 0 : i32
    %c0_i32_1 = arith.constant 0 : i32
    return %c0_i32, %c0_i32_0 : i32, i32
  }
  func.func @transform_4(%arg0: i32) -> (i32, i32) {
    %c0_i32 = arith.constant 0 : i32
    %c0_i32_0 = arith.constant 0 : i32
    %c0_i32_1 = arith.constant 0 : i32
    return %c0_i32, %c0_i32_0 : i32, i32
  }
  func.func @transform_5(%arg0: i32) -> (i32, i32) {
    %c0_i32 = arith.constant 0 : i32
    %c0_i32_0 = arith.constant 0 : i32
    %c0_i32_1 = arith.constant 0 : i32
    return %c0_i32, %c0_i32_0 : i32, i32
  }
  func.func @transform_6(%arg0: i32) -> (i32, i32) {
    %c0_i32 = arith.constant 0 : i32
    %c0_i32_0 = arith.constant 0 : i32
    %c0_i32_1 = arith.constant 0 : i32
    return %c0_i32, %c0_i32_0 : i32, i32
  }
  func.func @transform_7(%arg0: i32) -> (i32, i32) {
    %c0_i32 = arith.constant 0 : i32
    %c0_i32_0 = arith.constant 0 : i32
    %c0_i32_1 = arith.constant 0 : i32
    return %c0_i32, %c0_i32_0 : i32, i32
  }
  func.func @transform_8(%arg0: i32) -> (i32, i32) {
    %c0_i32 = arith.constant 0 : i32
    %c0_i32_0 = arith.constant 0 : i32
    return %arg0, %c0_i32 : i32, i32
  }
}

module attributes {stable_mosaic.version = 14 : i64} {
  func.func @body(%arg0: i32, %arg1: memref<3200x16xf32, #tpu.memory_space<vmem>>, %arg2: memref<3200x128xf32, #tpu.memory_space<vmem>>, %arg3: memref<16x64xf32, #tpu.memory_space<vmem>>, %arg4: memref<1x64xf32, #tpu.memory_space<vmem>>, %arg5: memref<64x1024xbf16, #tpu.memory_space<vmem>>, %arg6: memref<32x32xf32, #tpu.memory_space<vmem>>, %arg7: memref<32x1024xbf16, #tpu.memory_space<vmem>>, %arg8: memref<1024x32xbf16, #tpu.memory_space<vmem>>, %arg9: memref<3200x128xf32, #tpu.memory_space<vmem>>) attributes {dimension_semantics = [#tpu.dimension_semantics<arbitrary>], iteration_bounds = array<i64: 24>, scalar_prefetch = 0 : i64, scratch_operands = 0 : i64, tpu.core_type = #tpu.core_type<tc>, window_params = [{transform_indices = @transform_0, window_bounds = array<i64: 3200, 16>}, {transform_indices = @transform_1, window_bounds = array<i64: 3200, 128>}, {pipeline_mode = #tpu.pipeline_mode<synchronous>, transform_indices = @transform_2, window_bounds = array<i64: 16, 64>}, {pipeline_mode = #tpu.pipeline_mode<synchronous>, transform_indices = @transform_3, window_bounds = array<i64: 1, 64>}, {pipeline_mode = #tpu.pipeline_mode<synchronous>, transform_indices = @transform_4, window_bounds = array<i64: 64, 1024>}, {pipeline_mode = #tpu.pipeline_mode<synchronous>, transform_indices = @transform_5, window_bounds = array<i64: 32, 32>}, {pipeline_mode = #tpu.pipeline_mode<synchronous>, transform_indices = @transform_6, window_bounds = array<i64: 32, 1024>}, {pipeline_mode = #tpu.pipeline_mode<synchronous>, transform_indices = @transform_7, window_bounds = array<i64: 1024, 32>}, {transform_indices = @transform_8, window_bounds = array<i64: 3200, 128>}]} {
    %get3A = arith.constant 0 : index
    %get3A_0 = arith.constant 0 : index
    %get3A_1 = vector.load %arg1[%get3A, %get3A_0] : memref<3200x16xf32, #tpu.memory_space<vmem>>, vector<3200x16xf32>
    %get3A_2 = arith.constant 0 : index
    %get3A_3 = arith.constant 0 : index
    %get3A_4 = vector.load %arg3[%get3A_2, %get3A_3] : memref<16x64xf32, #tpu.memory_space<vmem>>, vector<16x64xf32>
    %dot_general3A = arith.constant dense<0.000000e+00> : vector<3200x64xf32>
    %dot_general3A_5 = tpu.matmul %get3A_1, %get3A_4, %dot_general3A {dimension_numbers = #tpu.dot_dimension_numbers<[1], [0], [0], [1], [0, 0, 1, 1], [], []>, transpose_lhs_hint = false} : vector<3200x16xf32>, vector<16x64xf32>, vector<3200x64xf32> -> vector<3200x64xf32>
    %get3A_6 = arith.constant 0 : index
    %get3A_7 = arith.constant 0 : index
    %get3A_8 = vector.load %arg4[%get3A_6, %get3A_7] : memref<1x64xf32, #tpu.memory_space<vmem>>, vector<1x64xf32>
    %add3A = vector.broadcast %get3A_8 : vector<1x64xf32> to vector<3200x64xf32>
    %add3A_9 = arith.addf %dot_general3A_5, %add3A : vector<3200x64xf32>
    %mul3A = arith.constant 5.000000e-01 : f32
    %mul3A_10 = vector.broadcast %mul3A : f32 to vector<3200x64xf32>
    %mul3A_11 = arith.mulf %mul3A_10, %add3A_9 : vector<3200x64xf32>
    %mul3A_12 = arith.constant 0.707106769 : f32
    %mul3A_13 = vector.broadcast %mul3A_12 : f32 to vector<3200x64xf32>
    %mul3A_14 = arith.mulf %add3A_9, %mul3A_13 : vector<3200x64xf32>
    %erf3A = math.erf %mul3A_14 : vector<3200x64xf32>
    %add3A_15 = arith.constant 1.000000e+00 : f32
    %add3A_16 = vector.broadcast %add3A_15 : f32 to vector<3200x64xf32>
    %add3A_17 = arith.addf %add3A_16, %erf3A : vector<3200x64xf32>
    %mul3A_18 = arith.mulf %mul3A_11, %add3A_17 : vector<3200x64xf32>
    %get3A_19 = arith.constant 0 : index
    %get3A_20 = arith.constant 0 : index
    %get3A_21 = vector.load %arg2[%get3A_19, %get3A_20] : memref<3200x128xf32, #tpu.memory_space<vmem>>, vector<3200x32xf32>
    %convert_element_type3A = arith.truncf %mul3A_18 : vector<3200x64xf32> to vector<3200x64xbf16>
    %get3A_22 = arith.constant 0 : index
    %get3A_23 = arith.constant 0 : index
    %get3A_24 = vector.load %arg5[%get3A_22, %get3A_23] : memref<64x1024xbf16, #tpu.memory_space<vmem>>, vector<64x1024xbf16>
    %dot_general3A_25 = arith.constant dense<0.000000e+00> : vector<3200x1024xf32>
    %dot_general3A_26 = tpu.matmul %convert_element_type3A, %get3A_24, %dot_general3A_25 {dimension_numbers = #tpu.dot_dimension_numbers<[1], [0], [0], [1], [0, 0, 1, 1], [], []>, transpose_lhs_hint = false} : vector<3200x64xbf16>, vector<64x1024xbf16>, vector<3200x1024xf32> -> vector<3200x1024xf32>
    %convert_element_type3A_27 = arith.truncf %dot_general3A_26 : vector<3200x1024xf32> to vector<3200x1024xbf16>
    %convert_element_type3A_28 = arith.truncf %get3A_21 : vector<3200x32xf32> to vector<3200x32xbf16>
    %get3A_29 = arith.constant 0 : index
    %get3A_30 = arith.constant 0 : index
    %get3A_31 = vector.load %arg7[%get3A_29, %get3A_30] : memref<32x1024xbf16, #tpu.memory_space<vmem>>, vector<32x1024xbf16>
    %dot_general3A_32 = arith.constant dense<0.000000e+00> : vector<3200x1024xf32>
    %dot_general3A_33 = tpu.matmul %convert_element_type3A_28, %get3A_31, %dot_general3A_32 {dimension_numbers = #tpu.dot_dimension_numbers<[1], [0], [0], [1], [0, 0, 1, 1], [], []>, transpose_lhs_hint = false} : vector<3200x32xbf16>, vector<32x1024xbf16>, vector<3200x1024xf32> -> vector<3200x1024xf32>
    %convert_element_type3A_34 = arith.truncf %dot_general3A_33 : vector<3200x1024xf32> to vector<3200x1024xbf16>
    %mul3A_35 = arith.mulf %convert_element_type3A_27, %convert_element_type3A_34 : vector<3200x1024xbf16>
    %get3A_36 = arith.constant 0 : index
    %get3A_37 = arith.constant 0 : index
    %get3A_38 = vector.load %arg8[%get3A_36, %get3A_37] : memref<1024x32xbf16, #tpu.memory_space<vmem>>, vector<1024x32xbf16>
    %dot_general3A_39 = arith.constant dense<0.000000e+00> : vector<3200x32xf32>
    %dot_general3A_40 = tpu.matmul %mul3A_35, %get3A_38, %dot_general3A_39 {dimension_numbers = #tpu.dot_dimension_numbers<[1], [0], [0], [1], [0, 0, 1, 1], [], []>, transpose_lhs_hint = false} : vector<3200x1024xbf16>, vector<1024x32xbf16>, vector<3200x32xf32> -> vector<3200x32xf32>
    %get3A_41 = arith.constant 0 : index
    %get3A_42 = arith.constant 0 : index
    %get3A_43 = vector.load %arg6[%get3A_41, %get3A_42] : memref<32x32xf32, #tpu.memory_space<vmem>>, vector<32x32xf32>
    %dot_general3A_44 = arith.constant dense<0.000000e+00> : vector<3200x32xf32>
    %dot_general3A_45 = tpu.matmul %get3A_21, %get3A_43, %dot_general3A_44 {dimension_numbers = #tpu.dot_dimension_numbers<[1], [0], [0], [1], [0, 0, 1, 1], [], []>, transpose_lhs_hint = false} : vector<3200x32xf32>, vector<32x32xf32>, vector<3200x32xf32> -> vector<3200x32xf32>
    %add3A_46 = arith.addf %dot_general3A_40, %dot_general3A_45 : vector<3200x32xf32>
    %swap3A = arith.constant 0 : index
    %swap3A_47 = arith.constant 0 : index
    %swap3A_48 = vector.load %arg9[%swap3A, %swap3A_47] : memref<3200x128xf32, #tpu.memory_space<vmem>>, vector<3200x32xf32>
    tpu.vector_store %arg9[%swap3A, %swap3A_47], %add3A_46 {strides = array<i32>} : memref<3200x128xf32, #tpu.memory_space<vmem>>, vector<3200x32xf32>,
    return
  }
  func.func @transform_0(%arg0: i32) -> (i32, i32) {
    %c0_i32 = arith.constant 0 : i32
    %c0_i32_0 = arith.constant 0 : i32
    return %arg0, %c0_i32 : i32, i32
  }
  func.func @transform_1(%arg0: i32) -> (i32, i32) {
    %c0_i32 = arith.constant 0 : i32
    %c0_i32_0 = arith.constant 0 : i32
    return %arg0, %c0_i32 : i32, i32
  }
  func.func @transform_2(%arg0: i32) -> (i32, i32) {
    %c0_i32 = arith.constant 0 : i32
    %c0_i32_0 = arith.constant 0 : i32
    %c0_i32_1 = arith.constant 0 : i32
    return %c0_i32, %c0_i32_0 : i32, i32
  }
  func.func @transform_3(%arg0: i32) -> (i32, i32) {
    %c0_i32 = arith.constant 0 : i32
    %c0_i32_0 = arith.constant 0 : i32
    %c0_i32_1 = arith.constant 0 : i32
    return %c0_i32, %c0_i32_0 : i32, i32
  }
  func.func @transform_4(%arg0: i32) -> (i32, i32) {
    %c0_i32 = arith.constant 0 : i32
    %c0_i32_0 = arith.constant 0 : i32
    %c0_i32_1 = arith.constant 0 : i32
    return %c0_i32, %c0_i32_0 : i32, i32
  }
  func.func @transform_5(%arg0: i32) -> (i32, i32) {
    %c0_i32 = arith.constant 0 : i32
    %c0_i32_0 = arith.constant 0 : i32
    %c0_i32_1 = arith.constant 0 : i32
    return %c0_i32, %c0_i32_0 : i32, i32
  }
  func.func @transform_6(%arg0: i32) -> (i32, i32) {
    %c0_i32 = arith.constant 0 : i32
    %c0_i32_0 = arith.constant 0 : i32
    %c0_i32_1 = arith.constant 0 : i32
    return %c0_i32, %c0_i32_0 : i32, i32
  }
  func.func @transform_7(%arg0: i32) -> (i32, i32) {
    %c0_i32 = arith.constant 0 : i32
    %c0_i32_0 = arith.constant 0 : i32
    %c0_i32_1 = arith.constant 0 : i32
    return %c0_i32, %c0_i32_0 : i32, i32
  }
  func.func @transform_8(%arg0: i32) -> (i32, i32) {
    %c0_i32 = arith.constant 0 : i32
    %c0_i32_0 = arith.constant 0 : i32
    return %arg0, %c0_i32 : i32, i32
  }
}

module attributes {stable_mosaic.version = 14 : i64} {
  func.func @body(%arg0: memref<10000x32xf32, #tpu.memory_space<vmem>>, %arg1: memref<2x10112x128xf32, #tpu.memory_space<vmem>>, %arg2: memref<2x10112x128xf32, #tpu.memory_space<vmem>>, %arg3: memref<32x96xf32, #tpu.memory_space<vmem>>, %arg4: memref<1x96xf32, #tpu.memory_space<vmem>>, %arg5: memref<32x96xf32, #tpu.memory_space<vmem>>, %arg6: memref<1x96xf32, #tpu.memory_space<vmem>>, %arg7: memref<10000x32xf32, #tpu.memory_space<vmem>>) attributes {dimension_semantics = [], scalar_prefetch = 0 : i64, scratch_operands = 0 : i64, tpu.core_type = #tpu.core_type<tc>} {
    %get3A = arith.constant 0 : index
    %get3A_0 = arith.constant 0 : index
    %get3A_1 = arith.constant 0 : index
    %get3A_2 = vector.load %arg1[%get3A, %get3A_0, %get3A_1] : memref<2x10112x128xf32, #tpu.memory_space<vmem>>, vector<1x10000x32xf32>
    %get3A_3 = vector.shape_cast %get3A_2 : vector<1x10000x32xf32> to vector<10000x32xf32>
    %get3A_4 = arith.constant 1 : index
    %get3A_5 = arith.constant 0 : index
    %get3A_6 = arith.constant 0 : index
    %get3A_7 = vector.load %arg1[%get3A_4, %get3A_5, %get3A_6] : memref<2x10112x128xf32, #tpu.memory_space<vmem>>, vector<1x10000x32xf32>
    %get3A_8 = vector.shape_cast %get3A_7 : vector<1x10000x32xf32> to vector<10000x32xf32>
    %add3A = arith.addf %get3A_3, %get3A_8 : vector<10000x32xf32>
    %get3A_9 = arith.constant 0 : index
    %get3A_10 = arith.constant 0 : index
    %get3A_11 = arith.constant 0 : index
    %get3A_12 = vector.load %arg2[%get3A_9, %get3A_10, %get3A_11] : memref<2x10112x128xf32, #tpu.memory_space<vmem>>, vector<1x10000x32xf32>
    %get3A_13 = vector.shape_cast %get3A_12 : vector<1x10000x32xf32> to vector<10000x32xf32>
    %add3A_14 = arith.addf %add3A, %get3A_13 : vector<10000x32xf32>
    %get3A_15 = arith.constant 1 : index
    %get3A_16 = arith.constant 0 : index
    %get3A_17 = arith.constant 0 : index
    %get3A_18 = vector.load %arg2[%get3A_15, %get3A_16, %get3A_17] : memref<2x10112x128xf32, #tpu.memory_space<vmem>>, vector<1x10000x32xf32>
    %get3A_19 = vector.shape_cast %get3A_18 : vector<1x10000x32xf32> to vector<10000x32xf32>
    %add3A_20 = arith.addf %add3A_14, %get3A_19 : vector<10000x32xf32>
    %get3A_21 = arith.constant 0 : index
    %get3A_22 = arith.constant 0 : index
    %get3A_23 = vector.load %arg3[%get3A_21, %get3A_22] : memref<32x96xf32, #tpu.memory_space<vmem>>, vector<32x96xf32>
    %dot_general3A = arith.constant dense<0.000000e+00> : vector<10000x96xf32>
    %dot_general3A_24 = tpu.matmul %add3A_20, %get3A_23, %dot_general3A {dimension_numbers = #tpu.dot_dimension_numbers<[1], [0], [0], [1], [0, 0, 1, 1], [], []>, transpose_lhs_hint = false} : vector<10000x32xf32>, vector<32x96xf32>, vector<10000x96xf32> -> vector<10000x96xf32>
    %get3A_25 = arith.constant 0 : index
    %get3A_26 = arith.constant 0 : index
    %get3A_27 = vector.load %arg4[%get3A_25, %get3A_26] : memref<1x96xf32, #tpu.memory_space<vmem>>, vector<1x96xf32>
    %add3A_28 = vector.broadcast %get3A_27 : vector<1x96xf32> to vector<10000x96xf32>
    %add3A_29 = arith.addf %dot_general3A_24, %add3A_28 : vector<10000x96xf32>
    %get3A_30 = arith.constant 0 : index
    %get3A_31 = arith.constant 0 : index
    %get3A_32 = vector.load %arg0[%get3A_30, %get3A_31] : memref<10000x32xf32, #tpu.memory_space<vmem>>, vector<10000x32xf32>
    %get3A_33 = arith.constant 0 : index
    %get3A_34 = arith.constant 0 : index
    %get3A_35 = vector.load %arg5[%get3A_33, %get3A_34] : memref<32x96xf32, #tpu.memory_space<vmem>>, vector<32x96xf32>
    %dot_general3A_36 = arith.constant dense<0.000000e+00> : vector<10000x96xf32>
    %dot_general3A_37 = tpu.matmul %get3A_32, %get3A_35, %dot_general3A_36 {dimension_numbers = #tpu.dot_dimension_numbers<[1], [0], [0], [1], [0, 0, 1, 1], [], []>, transpose_lhs_hint = false} : vector<10000x32xf32>, vector<32x96xf32>, vector<10000x96xf32> -> vector<10000x96xf32>
    %get3A_38 = arith.constant 0 : index
    %get3A_39 = arith.constant 0 : index
    %get3A_40 = vector.load %arg6[%get3A_38, %get3A_39] : memref<1x96xf32, #tpu.memory_space<vmem>>, vector<1x96xf32>
    %add3A_41 = vector.broadcast %get3A_40 : vector<1x96xf32> to vector<10000x96xf32>
    %add3A_42 = arith.addf %dot_general3A_37, %add3A_41 : vector<10000x96xf32>
    %slice3A = vector.extract_strided_slice %add3A_29 {offsets = [0, 0], sizes = [10000, 32], strides = [1, 1]} : vector<10000x96xf32> to vector<10000x32xf32>
    %slice3A_43 = vector.extract_strided_slice %add3A_42 {offsets = [0, 0], sizes = [10000, 32], strides = [1, 1]} : vector<10000x96xf32> to vector<10000x32xf32>
    %add3A_44 = arith.addf %slice3A, %slice3A_43 : vector<10000x32xf32>
    %logistic3A = arith.negf %add3A_44 : vector<10000x32xf32>
    %logistic3A_45 = math.exp %logistic3A : vector<10000x32xf32>
    %logistic3A_46 = arith.constant 1.000000e+00 : f32
    %logistic3A_47 = vector.broadcast %logistic3A_46 : f32 to vector<10000x32xf32>
    %logistic3A_48 = arith.addf %logistic3A_47, %logistic3A_45 : vector<10000x32xf32>
    %logistic3A_49 = arith.divf %logistic3A_47, %logistic3A_48 : vector<10000x32xf32>
    %slice3A_50 = vector.extract_strided_slice %add3A_29 {offsets = [0, 32], sizes = [10000, 32], strides = [1, 1]} : vector<10000x96xf32> to vector<10000x32xf32>
    %slice3A_51 = vector.extract_strided_slice %add3A_42 {offsets = [0, 32], sizes = [10000, 32], strides = [1, 1]} : vector<10000x96xf32> to vector<10000x32xf32>
    %add3A_52 = arith.addf %slice3A_50, %slice3A_51 : vector<10000x32xf32>
    %logistic3A_53 = arith.negf %add3A_52 : vector<10000x32xf32>
    %logistic3A_54 = math.exp %logistic3A_53 : vector<10000x32xf32>
    %logistic3A_55 = arith.constant 1.000000e+00 : f32
    %logistic3A_56 = vector.broadcast %logistic3A_55 : f32 to vector<10000x32xf32>
    %logistic3A_57 = arith.addf %logistic3A_56, %logistic3A_54 : vector<10000x32xf32>
    %logistic3A_58 = arith.divf %logistic3A_56, %logistic3A_57 : vector<10000x32xf32>
    %slice3A_59 = vector.extract_strided_slice %add3A_29 {offsets = [0, 64], sizes = [10000, 32], strides = [1, 1]} : vector<10000x96xf32> to vector<10000x32xf32>
    %slice3A_60 = vector.extract_strided_slice %add3A_42 {offsets = [0, 64], sizes = [10000, 32], strides = [1, 1]} : vector<10000x96xf32> to vector<10000x32xf32>
    %mul3A = arith.mulf %logistic3A_49, %slice3A_60 : vector<10000x32xf32>
    %add3A_61 = arith.addf %slice3A_59, %mul3A : vector<10000x32xf32>
    %tanh3A = math.tanh %add3A_61 : vector<10000x32xf32>
    %sub3A = arith.constant 1.000000e+00 : f32
    %sub3A_62 = vector.broadcast %sub3A : f32 to vector<10000x32xf32>
    %sub3A_63 = arith.subf %sub3A_62, %logistic3A_58 : vector<10000x32xf32>
    %mul3A_64 = arith.mulf %sub3A_63, %tanh3A : vector<10000x32xf32>
    %get3A_65 = arith.constant 0 : index
    %get3A_66 = arith.constant 0 : index
    %get3A_67 = vector.load %arg0[%get3A_65, %get3A_66] : memref<10000x32xf32, #tpu.memory_space<vmem>>, vector<10000x32xf32>
    %mul3A_68 = arith.mulf %logistic3A_58, %get3A_67 : vector<10000x32xf32>
    %add3A_69 = arith.addf %mul3A_64, %mul3A_68 : vector<10000x32xf32>
    %swap3A = arith.constant 0 : index
    %swap3A_70 = arith.constant 0 : index
    %swap3A_71 = vector.load %arg7[%swap3A, %swap3A_70] : memref<10000x32xf32, #tpu.memory_space<vmem>>, vector<10000x32xf32>
    tpu.vector_store %arg7[%swap3A, %swap3A_70], %add3A_69 {strides = array<i32>} : memref<10000x32xf32, #tpu.memory_space<vmem>>, vector<10000x32xf32>,
    return
  }
}

</mosaic_0001>

<sc_bundles>
// kernel: kernel.12.cloned.1.call-start
scs
__scs_entry_jumppad:
0x0: {  	(pc) =	sbr.rel $0x88, $3  }
0x1: {  	(tag) =	ssettag $0x0;
	lr =	simm.s32 $0x1  }
0x2: {  	[smem:$0x3F96] =	sst lr;
	_ =	strace $0xD0000000  }
0x3: {  	_ = 	snop  }
0x4: {  	_ = 	snop  }
0x5: {  	_ = 	snop  }
0x6: {  	_ = 	snop  }
0x7: {  	_ = 	snop  }
__scs_overlays_trampoline_lowered:
0x8: {  	[smem:$0x3FA5] =	sst s0  }
0x9: {  	[smem:$0x3FA6] =	sst s1  }
0xa: {  	[smem:$0x3FA7] =	sst s2  }
0xb: {  	[smem:$0x3FA8] =	sst s3  }
0xc: {  	[smem:$0x3FA9] =	sst s4  }
0xd: {  	[smem:$0x3FAA] =	sst s5  }
0xe: {  	[smem:$0x3FAB] =	sst s6  }
0xf: {  	[smem:$0x3FAC] =	sst s7  }
0x10: {  	[smem:$0x3FAD] =	sst s8  }
0x11: {  	[smem:$0x3FAE] =	sst s9;
	s0 =	simm.s32 @!p0 $0x0  }
0x12: {  	s1 =	sld [smem:$0x3F94];
	s0 =	simm.s32 @p0 $0x1  }
0x13: {  	[smem:$0x3FAF] =	sst s0;
	s0 =	simm.s32 @!p1 $0x0  }
0x14: {  	s2 =	sld [smem:$0x3F93];
	s0 =	simm.s32 @p1 $0x1  }
0x15: {  	[smem:$0x3FB0] =	sst s0;
	s0 =	simm.s32 @!p2 $0x0  }
0x16: {  	s3 =	sld [smem:$0x3FDB];
	s0 =	simm.s32 @p2 $0x1  }
0x17: {  	s4 =	simm.s32 $0x1BF5;
	[smem:$0x3FB2] =	sst s0  }
0x18: {  	s0 =	sld [smem:$0x3F95];
	_ =	swait.ge [sflag:s4], $0x0  }
0x19: {  	s7 =	sld [smem:$0x3F96]  }
0x1a: {  	s8 =	sadd.s32 $0xFFFFE003, lr  }
0x1b: {  	s9 =	sadd.s32 $0xFFFFFEF7, lr;
	s5 =	simm.s32 $0xFFFFFFFF;
	p2 =	slt.u32 s8, $0xFFFFF086  }
0x1c: {  	p1 =	slt.u32 s9, $0xF7A;
	s5 =	simm.s32 @!p2 $0x0  }
0x1d: {  	s5 =	simm.s32 @p1 $0x1;
	p0 =	seq.s32 s7, s2  }
0x1e: {  	s7 =	smul.u32 @!p0 $0xF7A, s2;
	p2 =	seq.s32 @!p0 s5, $0x0  }
0x1f: {  	s9 =	smul.u32 $0xF7A, s1;
	s8 =	simm.s32 @!p0 $0x1BF5;
	p2 =	por !p2, p0  }
0x20: {  	[sflag:s8] =	ssyncset.s32 @!p0 $0xFFFFF086;
	s6 =	sadd.s32 @!p0 s3, s7;
	s7 =	simm.s32 @!p0 $0x108  }
0x21: {  	s3 =	sadd.s32 s3, s9;
	s6 =	sadd.s32 @!p0 $0x88, s6;
	s7 =	simm.s32 @p2 $0x1082  }
0x22: {  	[simem:s7], [sflag:s8] =	dma.local @!p0 [hbm:s6], $0xF7A  }
0x23: {  	s9 =	sor.u32 $0xD0000000, s2;
	s6 =	simm.s32 $0x108;
	_ =	swait.ge @!p0 [sflag:s8], $0x0  }
0x24: {  	s3 =	sadd.s32 $0x88, s3;
	s6 =	simm.s32 @!p1 $0x1082;
	[sflag:s4] =	ssyncset.s32 $0xFFFFF086  }
0x25: {  	[simem:s6], [sflag:s4] =	dma.local [hbm:s3], $0xF7A  }
0x26: {  	[smem:$0x3F96] =	sst s1;
	(tag) =	ssettag s2;
	_ =	strace s9  }
0x27: {  	s1 =	sld [smem:$0x3FA6]  }
0x28: {  	s2 =	sld [smem:$0x3FA7]  }
0x29: {  	s4 =	sld [smem:$0x3FA9]  }
0x2a: {  	p0 =	seq.s32 s5, $0x0;
	s5 =	sld [smem:$0x3FAA]  }
0x2b: {  	s6 =	sld [smem:$0x3FAB]  }
0x2c: {  	s7 =	sld [smem:$0x3FAC]  }
0x2d: {  	s3 =	simm.s32 $0x108;
	s8 =	sld [smem:$0x3FAD]  }
0x2e: {  	s3 =	simm.s32 @!p0 $0x1082;
	s9 =	sld [smem:$0x3FAE]  }
0x2f: {  	lr =	sadd.s32 s0, s3;
	s0 =	sld [smem:$0x3FA5]  }
0x30: {  	s3 =	sld [smem:$0x3FA8]  }
0x31: {  	[smem:$0x3FB1] =	sst s10  }
0x32: {  	s10 =	sld [smem:$0x3FAF];
	_ =	sdelay $0x3  }
0x33: {  	p0 =	seq.s32 s10, $0x1;
	s10 =	sld [smem:$0x3FB1];
	_ =	sdelay $0x3  }
0x34: {  	[smem:$0x3FB1] =	sst s10  }
0x35: {  	s10 =	sld [smem:$0x3FB0];
	_ =	sdelay $0x3  }
0x36: {  	p1 =	seq.s32 s10, $0x1;
	s10 =	sld [smem:$0x3FB1];
	_ =	sdelay $0x3  }
0x37: {  	[smem:$0x3FB1] =	sst s10  }
0x38: {  	s10 =	sld [smem:$0x3FB2]  }
0x39: {  	_ = 	snop;
	(pc) =	sbr.ind lr, $3  }
0x3a: {  	_ = 	snop  }
0x3b: {  	_ = 	snop  }
0x3c: {  	p2 =	seq.s32 s10, $0x1;
	s10 =	sld [smem:$0x3FB1]  }
0x3d: {  	_ =	shalt  }
0x3e: {  	_ =	shalt  }
0x3f: {  	_ =	shalt  }
0x40: {  	_ =	shalt  }
0x41: {  	_ =	shalt  }
0x42: {  	_ =	shalt  }
0x43: {  	_ =	shalt  }
0x44: {  	_ =	shalt  }
0x45: {  	_ =	shalt  }
0x46: {  	_ =	shalt  }
0x47: {  	_ =	shalt  }
0x48: {  	_ =	shalt  }
0x49: {  	_ =	shalt  }
0x4a: {  	_ =	shalt  }
0x4b: {  	_ =	shalt  }
0x4c: {  	_ =	shalt  }
0x4d: {  	_ =	shalt  }
0x4e: {  	_ =	shalt  }
0x4f: {  	_ =	shalt  }
0x50: {  	_ =	shalt  }
0x51: {  	_ =	shalt  }
0x52: {  	_ =	shalt  }
0x53: {  	_ =	shalt  }
0x54: {  	_ =	shalt  }
0x55: {  	_ =	shalt  }
0x56: {  	_ =	shalt  }
0x57: {  	_ =	shalt  }
0x58: {  	_ =	shalt  }
0x59: {  	_ =	shalt  }
0x5a: {  	_ =	shalt  }
0x5b: {  	_ =	shalt  }
0x5c: {  	_ =	shalt  }
0x5d: {  	_ =	shalt  }
0x5e: {  	_ =	shalt  }
0x5f: {  	_ =	shalt  }
0x60: {  	_ =	shalt  }
0x61: {  	_ =	shalt  }
0x62: {  	_ =	shalt  }
0x63: {  	_ =	shalt  }
0x64: {  	_ =	shalt  }
0x65: {  	_ =	shalt  }
0x66: {  	_ =	shalt  }
0x67: {  	_ =	shalt  }
0x68: {  	_ =	shalt  }
0x69: {  	_ =	shalt  }
0x6a: {  	_ =	shalt  }
0x6b: {  	_ =	shalt  }
0x6c: {  	_ =	shalt  }
0x6d: {  	_ =	shalt  }
0x6e: {  	_ =	shalt  }
0x6f: {  	_ =	shalt  }
0x70: {  	_ =	shalt  }
0x71: {  	_ =	shalt  }
0x72: {  	_ =	shalt  }
0x73: {  	_ =	shalt  }
0x74: {  	_ =	shalt  }
0x75: {  	_ =	shalt  }
0x76: {  	_ =	shalt  }
0x77: {  	_ =	shalt  }
0x78: {  	_ =	shalt  }
0x79: {  	_ =	shalt  }
0x7a: {  	_ =	shalt  }
0x7b: {  	_ =	shalt  }
0x7c: {  	_ =	shalt  }
0x7d: {  	_ =	shalt  }
0x7e: {  	_ =	shalt  }
0x7f: {  	_ =	shalt  }
0x80: {  	_ =	shalt  }
0x81: {  	_ =	shalt  }
0x82: {  	_ =	shalt  }
0x83: {  	_ =	shalt  }
0x84: {  	_ =	shalt  }
0x85: {  	_ =	shalt  }
0x86: {  	_ =	shalt  }
0x87: {  	_ =	shalt  }
.Lfunc_end0:
.L_simem_size_0:
called_computation.1_lowered:
.L_overlay_start_0:
0x88: {  	s2 =	sld [smem:$0x3FD9]  }
0x89: {  	s3 =	sld [smem:$0x3FFE];
	_ =	sdelay $0x1  }
0x8a: {  	s1 =	srdreg.scid  }
0x8b: {  	s0 =	sand.u32 $0x1, s1  }
0x8c: {  	s17 =	sshll.u32 s0, $0xA;
	s2 =	sadd.s32 s3, s2  }
0x8d: {  	s2 =	sadd.s32 s2, s17  }
0x8e: {  	[smem:$0x3FBD] =	sst s2  }
0x8f: {  	_ = 	snop  }
0x90: {  	s2 =	sld [smem:$0x3FD0];
	(tm) =	ssettm $0x1  }
0x91: {  	s18 =	sld [smem:$0x3FFB];
	_ =	sdelay $0x3  }
0x92: {  	_ =	strace s18  }
0x93: {  	s3 =	sld [smem:$0x3FFC];
	_ =	sdelay $0x3  }
0x94: {  	_ =	strace s3  }
0x95: {  	s3 =	sld [smem:$0x3FFD];
	_ =	sdelay $0x3  }
0x96: {  	_ =	strace s3  }
0x97: {  	_ =	strace $0x8FFFFFFF  }
0x98: {  	s19 =	sld [smem:$0x3FDB];
	_ =	sdelay $0x1  }
0x99: {  	s4 =	simm.s32 $_scs_section_size  }
0x9a: {  	s5 =	simm.s32 $_size__tile_overlayer_lowered;
	s6 =	simm.s32 $_tile_overlayer_lowered  }
0x9b: {  	s22 =	simm.s32 $0x1BFF;
	s21 =	sshll.u32 s6, $0x1;
	s3 =	sadd.s32 s4, s19  }
0x9c: {  	s7 =	simm.s32 $0x0;
	s20 =	sshll.u32 s5, $0x1;
	s5 =	sadd.s32 s21, s3  }
0x9d: {  	[timem:s7], [sflag:s22] =	dma.local [hbm:s5], s20  }
0x9e: {  	_ =	swait.ge [sflag:s22], s20  }
0x9f: {  	s4 =	ssub.s32 $0x0, s20;
	[sflag:s22] =	ssyncset.done $0x0  }
0xa0: {  	[sflag:s22] =	ssyncadd.s32 s4;
	_ =	sdelay $0x1  }
0xa1: {  	s23 =	simm.s32 $0x1B8B  }
0xa2: {  	_ =	swait.ge [sflag:s23], $0x1  }
0xa3: {  	[sflag:s23] =	ssyncset.done $0x0  }
0xa4: {  	s25 =	simm.s32 $0x1B8E;
	s24 =	sld [smem:$0x3FFE];
	[sflag:s23] =	ssyncadd.s32 $0xFFFFFFFF  }
0xa5: {  	s26 =	simm.s32 $execute0_lowered;
	[smem:$0x3FD2] =	sst s25  }
0xa6: {  	s5 =	sshll.u32 s26, $0x1;
	_ =	strace $0x80000046;
	[dreg:$0x1] =	wrdreg $0xFFFFFFFF  }
0xa7: {  	s28 =	simm.s32 $_size_execute0_lowered;
	s3 =	sadd.s32 s3, s5;
	[dreg:$0x0] =	wrdreg $0x0  }
0xa8: {  	s5 =	sshll.u32 s28, $0x1;
	[dreg:$0x2] =	wrdreg s3  }
0xa9: {  	[dreg:$0x3] =	wrdreg s5  }
0xaa: {  	[dreg:$0x4] =	wrdreg $0xC0  }
0xab: {  	_ =	task [dreg:s7], $0x5FFFF  }
0xac: {  	[dreg:$0x1] =	wrdreg $0xFFFFFFFF  }
0xad: {  	[dreg:$0x0] =	wrdreg $0x60  }
0xae: {  	[dreg:$0x2] =	wrdreg s24  }
0xaf: {  	[dreg:$0x3] =	wrdreg s2  }
0xb0: {  	[dreg:$0x4] =	wrdreg $0xA  }
0xb1: {  	_ =	task.clear_ibuf [dreg:s7], $0x5FFFF;
	_ =	strace $0x90000046  }
0xb2: {  	s29 =	simm.s32 $0xA;
	_ =	strace $0x80000048  }
0xb3: {  	_ =	swait.ge [sflag:s29], $0x1  }
0xb4: {  	[sflag:s29] =	ssyncadd.s32 $0xFFFFFFFF  }
0xb5: {  	_ =	strace $0x90000048  }
0xb6: {  	_ =	sfence  }
0xb7: {  	s30 =	sld [smem:$0x0];
	_ =	sdelay $0x2  }
0xb8: {  	s31 =	sshll.u32 s1, $0xD;
	s1 =	sshrl.u32 s1, $0x2  }
0xb9: {  	s3 =	sand.u32 $0x4000, s31;
	s1 =	sadd.s32 s1, s30  }
0xba: {  	s0 =	sor.u32 s3, s0;
	s1 =	sshll.u32 s1, $0x11  }
0xbb: {  	s0 =	sor.u32 s1, s0  }
0xbc: {  	s0 =	sadd.s32 $0x8F2B, s0  }
0xbd: {  	[sflag:s0] =	ssyncadd.remote.s32 $0x1  }
0xbe: {  	_ =	sfence.sel $0xFFFF  }
0xbf: {  	[dreg:$0x0] =	wrdreg $0xFFFFFFFF;
	(pc) =	sbr.abs _section_cstart, $3  }
0xc0: {  	[dreg:$0x1] =	wrdreg $0xFFFFFFFF  }
0xc1: {  	_ =	task.clear_ibuf [dreg:s7], $0x2FFFF;
	_ =	strace $0x9FFFFFFF  }
0xc2: {  	(tm) =	ssettm $0x7FFFFFFF  }
0xc3: {  	_ =	shalt  }
tec
execute0_lowered:
.L_overlay_start_1:
0x0: {  	(tag) =	ssettag $0x1  }
0x1: {  	s4 =	rddreg [dreg:$0x0]  }
0x2: {  	s5 =	rddreg [dreg:$0x1];
	s0 =	stileid.u32  }
0x3: {  	s2 =	srdreg.scid;
	s10 =	simm.s32 $0x80;
	s11 =	simm.s32 $0x3800  }
0x4: {  	s12 =	simm.s32 $0x100;
	s13 =	simm.s32 $0x4C00;
	s14 =	simm.s32 $0x180  }
0x5: {  	s15 =	simm.s32 $0x6000;
	s16 =	simm.s32 $0x200;
	s17 =	simm.s32 $0x7400  }
0x6: {  	s18 =	simm.s32 $0x1;
	s19 =	simm.s32 $0x2;
	s20 =	simm.s32 $0x3  }
0x7: {  	s21 =	simm.s32 $0x4;
	s22 =	simm.s32 $0x5;
	s23 =	simm.s32 $0x6  }
0x8: {  	s24 =	simm.s32 $0x7;
	s25 =	simm.s32 $0x8;
	s26 =	simm.s32 $0x9  }
0x9: {  	s28 =	simm.s32 $0xA;
	s29 =	simm.s32 $0x0;
	s3 =	sand.u32 $0x1, s2  }
0xa: {  	s6 =	sshll.u32 s0, $0x1;
	s2 =	simm.s32 $0x0;
	s7 =	smul.u32 $0x14500, s0  }
0xb: {  	s6 =	sor.u32 s3, s6;
	[smem:$0x7FF] =	sst s2;
	s9 =	smul.u32 $0xA280, s3  }
.Ltmp0:
0xc: {  	s8 =	ssub.s32 $0x2, s3;
	s3 =	sadd.s32 $0x29800, s4;
	(pc) =	sbr.rel .LBB2_1-.Ltmp0, $4  }
0xd: {  	s6 =	smul.u32 $0x480, s6;
	s7 =	sadd.s32 s7, s4;
	s30 =	sshrl.u32 s8, $0x1  }
0xe: {  	_ =	strace $0x80000047;
	s8 =	ssub.s32 s8, s30;
	s31 =	sadd.s32 s9, s7  }
0xf: {  	s7 =	simm.s32 $0xB;
	s9 =	simm.s32 $0x2400;
	s4 =	sadd.s32 s5, s6  }
0x10: {  	s5 =	smax.u32 s8, $0x1;
	s6 =	sadd.s32 $0x51400, s31;
	s8 =	simm.s32 $0x28  }
.LBB2_3:
0x11: {  	_ =	swait.ge [sflag:s24], $0x1400  }
0x12: {  	[sflag:s24] =	ssyncset.done $0x0  }
0x13: {  	[sflag:s24] =	ssyncadd.s32 $0xFFFFEC00  }
0x14: {  	_ =	swait.ge [sflag:s25], $0x1400  }
0x15: {  	[sflag:s25] =	ssyncset.done $0x0  }
0x16: {  	[sflag:s25] =	ssyncadd.s32 $0xFFFFEC00  }
0x17: {  	_ =	swait.ge [sflag:s26], $0x1400  }
0x18: {  	[sflag:s26] =	ssyncset.done $0x0  }
0x19: {  	[sflag:s26] =	ssyncadd.s32 $0xFFFFEC00  }
0x1a: {  	_ =	swait.ge [sflag:s28], $0x1400  }
0x1b: {  	[sflag:s28] =	ssyncset.done $0x0  }
0x1c: {  	[sflag:s28] =	ssyncadd.s32 $0xFFFFEC00  }
.LBB2_5:
0x1d: {  	s29 =	sadd.s32 $0x1, s29  }
0x1e: {  	p0 =	sne.s32 s29, s5  }
.Ltmp1:
0x1f: {  	_ = 	snop;
	(pc) =	sbr.rel @!p0 .LBB2_6-.Ltmp1, $1  }
0x20: {  	_ =	sdelay $0x3  }
.LBB2_1:
0x21: {  	[tilespmem:s2], [sflag:$0xB] =	stream.linear.gather [hbm4b:s4+s2], $0x2080, $0x38;
	[tilespmem:$0x8800] =	vst v63  }
0x22: {  	_ =	swait.ge [sflag:s7], $0x2080  }
0x23: {  	[sflag:s7] =	ssyncset.done $0x0  }
0x24: {  	[sflag:s7] =	ssyncadd.s32 $0xFFFFDF80  }
0x25: {  	[tilespmem:s9], [sflag:$0x1] =	stream.indirect.gather [hbm4b:s3+s8], $0x80, s2, s8, $0xb8;
	[tilespmem:$0x8800] =	vst v63  }
0x26: {  	_ = 	snop  }
0x27: {  	[tilespmem:s11], [sflag:$0x2] =	stream.indirect.gather [hbm4b:s3+s8], $0x80, s10, s8, $0xb8;
	[tilespmem:$0x8800] =	vst v63  }
0x28: {  	_ = 	snop  }
0x29: {  	[tilespmem:s13], [sflag:$0x3] =	stream.indirect.gather [hbm4b:s3+s8], $0x80, s12, s8, $0xb8;
	[tilespmem:$0x8800] =	vst v63  }
0x2a: {  	_ = 	snop  }
0x2b: {  	[tilespmem:s15], [sflag:$0x4] =	stream.indirect.gather [hbm4b:s3+s8], $0x80, s14, s8, $0xb8;
	[tilespmem:$0x8800] =	vst v63  }
0x2c: {  	s30 =	smov.u32 s6;
	s31 =	simm.s32 $0x0  }
0x2d: {  	[tilespmem:s17], [sflag:$0x5] =	stream.indirect.gather [hbm4b:s3+s8], $0x80, s16, s8, $0xb8;
	[tilespmem:$0x8800] =	vst v63  }
.LBB2_2:
0x2e: {  	_ =	swait.ge [sflag:s18], $0x1400  }
0x2f: {  	[sflag:s18] =	ssyncset.done $0x0  }
0x30: {  	s0 =	sadd.s32 $0xFFFFF600, s30;
	[sflag:s18] =	ssyncadd.s32 $0xFFFFEC00  }
0x31: {  	[hbm4b:s0+s2] =	stream.linear.scatter [tilespmem:s9], [sflag:$0x6], $0x1400, $0x38;
	[tilespmem:$0x8800] =	vst v63  }
0x32: {  	_ =	swait.ge [sflag:s19], $0x1400  }
0x33: {  	[sflag:s19] =	ssyncset.done $0x0  }
0x34: {  	s1 =	sadd.s32 $0xFFFFF880, s30;
	[sflag:s19] =	ssyncadd.s32 $0xFFFFEC00  }
0x35: {  	[hbm4b:s1+s2] =	stream.linear.scatter [tilespmem:s11], [sflag:$0x7], $0x1400, $0x38;
	[tilespmem:$0x8800] =	vst v63  }
0x36: {  	_ =	swait.ge [sflag:s20], $0x1400  }
0x37: {  	[sflag:s20] =	ssyncset.done $0x0  }
0x38: {  	s1 =	sadd.s32 $0xFFFFFB00, s30;
	[sflag:s20] =	ssyncadd.s32 $0xFFFFEC00  }
0x39: {  	[hbm4b:s1+s2] =	stream.linear.scatter [tilespmem:s13], [sflag:$0x8], $0x1400, $0x38;
	[tilespmem:$0x8800] =	vst v63  }
0x3a: {  	_ =	swait.ge [sflag:s21], $0x1400  }
0x3b: {  	[sflag:s21] =	ssyncset.done $0x0  }
0x3c: {  	s1 =	sadd.s32 $0xFFFFFD80, s30;
	[sflag:s21] =	ssyncadd.s32 $0xFFFFEC00  }
0x3d: {  	[hbm4b:s1+s2] =	stream.linear.scatter [tilespmem:s15], [sflag:$0x9], $0x1400, $0x38;
	[tilespmem:$0x8800] =	vst v63  }
0x3e: {  	_ =	swait.ge [sflag:s22], $0x1400  }
0x3f: {  	p0 =	sne.s32 s31, $0x7800;
	[sflag:s22] =	ssyncset.done $0x0  }
.Ltmp2:
0x40: {  	[sflag:s22] =	ssyncadd.s32 $0xFFFFEC00;
	(pc) =	sbr.rel @!p0 .LBB2_3-.Ltmp2, $4  }
0x41: {  	[hbm4b:s30+s2] =	stream.linear.scatter [tilespmem:s17], [sflag:$0xA], $0x1400, $0x38;
	[tilespmem:$0x8800] =	vst v63  }
0x42: {  	_ =	swait.ge [sflag:s23], $0x1400  }
0x43: {  	[sflag:s23] =	ssyncset.done $0x0  }
0x44: {  	[sflag:s23] =	ssyncadd.s32 $0xFFFFEC00  }
0x45: {  	s0 =	sshra.s32 s31, $0x2  }
0x46: {  	s1 =	sadd.s32 $0x280, s0  }
0x47: {  	[tilespmem:s9], [sflag:$0x1] =	stream.indirect.gather [hbm4b:s3+s8], $0x80, s1, s8, $0xb8;
	[tilespmem:$0x8800] =	vst v63  }
0x48: {  	_ =	swait.ge [sflag:s24], $0x1400  }
0x49: {  	[sflag:s24] =	ssyncset.done $0x0  }
0x4a: {  	s1 =	sadd.s32 $0x300, s0;
	[sflag:s24] =	ssyncadd.s32 $0xFFFFEC00  }
0x4b: {  	[tilespmem:s11], [sflag:$0x2] =	stream.indirect.gather [hbm4b:s3+s8], $0x80, s1, s8, $0xb8;
	[tilespmem:$0x8800] =	vst v63  }
0x4c: {  	_ =	swait.ge [sflag:s25], $0x1400  }
0x4d: {  	[sflag:s25] =	ssyncset.done $0x0  }
0x4e: {  	s1 =	sadd.s32 $0x380, s0;
	[sflag:s25] =	ssyncadd.s32 $0xFFFFEC00  }
0x4f: {  	[tilespmem:s13], [sflag:$0x3] =	stream.indirect.gather [hbm4b:s3+s8], $0x80, s1, s8, $0xb8;
	[tilespmem:$0x8800] =	vst v63  }
0x50: {  	_ =	swait.ge [sflag:s26], $0x1400  }
0x51: {  	s31 =	sadd.s32 $0xA00, s31;
	[sflag:s26] =	ssyncset.done $0x0  }
0x52: {  	p0 =	sne.s32 s31, $0x8200;
	s1 =	sadd.s32 $0x400, s0;
	[sflag:s26] =	ssyncadd.s32 $0xFFFFEC00  }
0x53: {  	[tilespmem:s15], [sflag:$0x4] =	stream.indirect.gather [hbm4b:s3+s8], $0x80, s1, s8, $0xb8;
	[tilespmem:$0x8800] =	vst v63  }
.Ltmp3:
0x54: {  	_ = 	snop;
	(pc) =	sbr.rel @p0 .LBB2_2-.Ltmp3, $4  }
.Ltmp4:
0x55: {  	_ =	swait.ge [sflag:s28], $0x1400;
	(pc) =	sbr.rel @!p0 .LBB2_5-.Ltmp4, $4  }
0x56: {  	[sflag:s28] =	ssyncset.done $0x0  }
0x57: {  	s30 =	sadd.s32 $0xC80, s30;
	s0 =	sadd.s32 $0x480, s0;
	[sflag:s28] =	ssyncadd.s32 $0xFFFFEC00  }
0x58: {  	[tilespmem:s17], [sflag:$0x5] =	stream.indirect.gather [hbm4b:s3+s8], $0x80, s0, s8, $0xb8;
	[tilespmem:$0x8800] =	vst v63  }
0x59: {  	_ = 	snop  }
.LBB2_6:
0x5a: {  	_ =	sfence.sel $0x180000  }
0x5b: {  	[bflag:$0x0] =	sbarrier.arrive $0xFFFF  }
0x5c: {  	_ =	strace $0x90000047  }
0x5d: {  	s0 =	stileid.u32;
	[bflag:$0x2] =	sbarrier.arrive $0xFFFF  }
0x5e: {  	p0 =	sne.s32 s0, $0x0;
	s0 =	rddreg [dreg:$0x2]  }
0x5f: {  	s0 =	sadd.s32 @!p0 $0x100000, s0  }
0x60: {  	[sflag:s0] =	ssyncadd.tile.s32 @!p0 $0x1;
	_ =	shalt  }
.Lfunc_end2:
_tile_overlayer_lowered:
.L_overlay_start_2:
0x61: {  	(tag) =	ssettag $0x2  }
0x62: {  	s0 =	rddreg [dreg:$0x0];
	s2 =	stileid.u32  }
0x63: {  	s1 =	rddreg [dreg:$0x1];
	p0 =	sne.s32 s2, $0x0  }
0x64: {  	s3 =	rddreg [dreg:$0x2];
	[bflag:$0x3] =	sbarrier.arrive $0xFFFF;
	s2 =	simm.s32 @!p0 $0x1C0B  }
0x65: {  	[timem:s3], [sflag:s2] =	dma.local @!p0 [hbm:s0], s1  }
0x66: {  	s0 =	simm.s32 @!p0 $0xB  }
0x67: {  	_ =	swait.ge @!p0 [sflag:s0], s1  }
0x68: {  	s1 =	ssub.s32 @!p0 $0x0, s1;
	[sflag:s0] =	ssyncset.done @!p0 $0x0  }
0x69: {  	[sflag:s0] =	ssyncadd.s32 @!p0 s1  }
0x6a: {  	[bflag:$0x3] =	sbarrier.arrive $0xFFFF  }
0x6b: {  	_ =	shalt  }

// kernel: kernel.15.cloned.1.call-start
scs
__scs_entry_jumppad:
0x0: {  	(pc) =	sbr.rel $0x88, $3  }
0x1: {  	(tag) =	ssettag $0x0;
	lr =	simm.s32 $0x1  }
0x2: {  	[smem:$0x3F96] =	sst lr;
	_ =	strace $0xD0000000  }
0x3: {  	_ = 	snop  }
0x4: {  	_ = 	snop  }
0x5: {  	_ = 	snop  }
0x6: {  	_ = 	snop  }
0x7: {  	_ = 	snop  }
__scs_overlays_trampoline_lowered:
0x8: {  	[smem:$0x3FA5] =	sst s0  }
0x9: {  	[smem:$0x3FA6] =	sst s1  }
0xa: {  	[smem:$0x3FA7] =	sst s2  }
0xb: {  	[smem:$0x3FA8] =	sst s3  }
0xc: {  	[smem:$0x3FA9] =	sst s4  }
0xd: {  	[smem:$0x3FAA] =	sst s5  }
0xe: {  	[smem:$0x3FAB] =	sst s6  }
0xf: {  	[smem:$0x3FAC] =	sst s7  }
0x10: {  	[smem:$0x3FAD] =	sst s8  }
0x11: {  	[smem:$0x3FAE] =	sst s9;
	s0 =	simm.s32 @!p0 $0x0  }
0x12: {  	s1 =	sld [smem:$0x3F94];
	s0 =	simm.s32 @p0 $0x1  }
0x13: {  	[smem:$0x3FAF] =	sst s0;
	s0 =	simm.s32 @!p1 $0x0  }
0x14: {  	s2 =	sld [smem:$0x3F93];
	s0 =	simm.s32 @p1 $0x1  }
0x15: {  	[smem:$0x3FB0] =	sst s0;
	s0 =	simm.s32 @!p2 $0x0  }
0x16: {  	s3 =	sld [smem:$0x3FDB];
	s0 =	simm.s32 @p2 $0x1  }
0x17: {  	s4 =	simm.s32 $0x1BF5;
	[smem:$0x3FB2] =	sst s0  }
0x18: {  	s0 =	sld [smem:$0x3F95];
	_ =	swait.ge [sflag:s4], $0x0  }
0x19: {  	s7 =	sld [smem:$0x3F96]  }
0x1a: {  	s8 =	sadd.s32 $0xFFFFE003, lr  }
0x1b: {  	s9 =	sadd.s32 $0xFFFFFEF7, lr;
	s5 =	simm.s32 $0xFFFFFFFF;
	p2 =	slt.u32 s8, $0xFFFFF086  }
0x1c: {  	p1 =	slt.u32 s9, $0xF7A;
	s5 =	simm.s32 @!p2 $0x0  }
0x1d: {  	s5 =	simm.s32 @p1 $0x1;
	p0 =	seq.s32 s7, s2  }
0x1e: {  	s7 =	smul.u32 @!p0 $0xF7A, s2;
	p2 =	seq.s32 @!p0 s5, $0x0  }
0x1f: {  	s9 =	smul.u32 $0xF7A, s1;
	s8 =	simm.s32 @!p0 $0x1BF5;
	p2 =	por !p2, p0  }
0x20: {  	[sflag:s8] =	ssyncset.s32 @!p0 $0xFFFFF086;
	s6 =	sadd.s32 @!p0 s3, s7;
	s7 =	simm.s32 @!p0 $0x108  }
0x21: {  	s3 =	sadd.s32 s3, s9;
	s6 =	sadd.s32 @!p0 $0x88, s6;
	s7 =	simm.s32 @p2 $0x1082  }
0x22: {  	[simem:s7], [sflag:s8] =	dma.local @!p0 [hbm:s6], $0xF7A  }
0x23: {  	s9 =	sor.u32 $0xD0000000, s2;
	s6 =	simm.s32 $0x108;
	_ =	swait.ge @!p0 [sflag:s8], $0x0  }
0x24: {  	s3 =	sadd.s32 $0x88, s3;
	s6 =	simm.s32 @!p1 $0x1082;
	[sflag:s4] =	ssyncset.s32 $0xFFFFF086  }
0x25: {  	[simem:s6], [sflag:s4] =	dma.local [hbm:s3], $0xF7A  }
0x26: {  	[smem:$0x3F96] =	sst s1;
	(tag) =	ssettag s2;
	_ =	strace s9  }
0x27: {  	s1 =	sld [smem:$0x3FA6]  }
0x28: {  	s2 =	sld [smem:$0x3FA7]  }
0x29: {  	s4 =	sld [smem:$0x3FA9]  }
0x2a: {  	p0 =	seq.s32 s5, $0x0;
	s5 =	sld [smem:$0x3FAA]  }
0x2b: {  	s6 =	sld [smem:$0x3FAB]  }
0x2c: {  	s7 =	sld [smem:$0x3FAC]  }
0x2d: {  	s3 =	simm.s32 $0x108;
	s8 =	sld [smem:$0x3FAD]  }
0x2e: {  	s3 =	simm.s32 @!p0 $0x1082;
	s9 =	sld [smem:$0x3FAE]  }
0x2f: {  	lr =	sadd.s32 s0, s3;
	s0 =	sld [smem:$0x3FA5]  }
0x30: {  	s3 =	sld [smem:$0x3FA8]  }
0x31: {  	[smem:$0x3FB1] =	sst s10  }
0x32: {  	s10 =	sld [smem:$0x3FAF];
	_ =	sdelay $0x3  }
0x33: {  	p0 =	seq.s32 s10, $0x1;
	s10 =	sld [smem:$0x3FB1];
	_ =	sdelay $0x3  }
0x34: {  	[smem:$0x3FB1] =	sst s10  }
0x35: {  	s10 =	sld [smem:$0x3FB0];
	_ =	sdelay $0x3  }
0x36: {  	p1 =	seq.s32 s10, $0x1;
	s10 =	sld [smem:$0x3FB1];
	_ =	sdelay $0x3  }
0x37: {  	[smem:$0x3FB1] =	sst s10  }
0x38: {  	s10 =	sld [smem:$0x3FB2]  }
0x39: {  	_ = 	snop;
	(pc) =	sbr.ind lr, $3  }
0x3a: {  	_ = 	snop  }
0x3b: {  	_ = 	snop  }
0x3c: {  	p2 =	seq.s32 s10, $0x1;
	s10 =	sld [smem:$0x3FB1]  }
0x3d: {  	_ =	shalt  }
0x3e: {  	_ =	shalt  }
0x3f: {  	_ =	shalt  }
0x40: {  	_ =	shalt  }
0x41: {  	_ =	shalt  }
0x42: {  	_ =	shalt  }
0x43: {  	_ =	shalt  }
0x44: {  	_ =	shalt  }
0x45: {  	_ =	shalt  }
0x46: {  	_ =	shalt  }
0x47: {  	_ =	shalt  }
0x48: {  	_ =	shalt  }
0x49: {  	_ =	shalt  }
0x4a: {  	_ =	shalt  }
0x4b: {  	_ =	shalt  }
0x4c: {  	_ =	shalt  }
0x4d: {  	_ =	shalt  }
0x4e: {  	_ =	shalt  }
0x4f: {  	_ =	shalt  }
0x50: {  	_ =	shalt  }
0x51: {  	_ =	shalt  }
0x52: {  	_ =	shalt  }
0x53: {  	_ =	shalt  }
0x54: {  	_ =	shalt  }
0x55: {  	_ =	shalt  }
0x56: {  	_ =	shalt  }
0x57: {  	_ =	shalt  }
0x58: {  	_ =	shalt  }
0x59: {  	_ =	shalt  }
0x5a: {  	_ =	shalt  }
0x5b: {  	_ =	shalt  }
0x5c: {  	_ =	shalt  }
0x5d: {  	_ =	shalt  }
0x5e: {  	_ =	shalt  }
0x5f: {  	_ =	shalt  }
0x60: {  	_ =	shalt  }
0x61: {  	_ =	shalt  }
0x62: {  	_ =	shalt  }
0x63: {  	_ =	shalt  }
0x64: {  	_ =	shalt  }
0x65: {  	_ =	shalt  }
0x66: {  	_ =	shalt  }
0x67: {  	_ =	shalt  }
0x68: {  	_ =	shalt  }
0x69: {  	_ =	shalt  }
0x6a: {  	_ =	shalt  }
0x6b: {  	_ =	shalt  }
0x6c: {  	_ =	shalt  }
0x6d: {  	_ =	shalt  }
0x6e: {  	_ =	shalt  }
0x6f: {  	_ =	shalt  }
0x70: {  	_ =	shalt  }
0x71: {  	_ =	shalt  }
0x72: {  	_ =	shalt  }
0x73: {  	_ =	shalt  }
0x74: {  	_ =	shalt  }
0x75: {  	_ =	shalt  }
0x76: {  	_ =	shalt  }
0x77: {  	_ =	shalt  }
0x78: {  	_ =	shalt  }
0x79: {  	_ =	shalt  }
0x7a: {  	_ =	shalt  }
0x7b: {  	_ =	shalt  }
0x7c: {  	_ =	shalt  }
0x7d: {  	_ =	shalt  }
0x7e: {  	_ =	shalt  }
0x7f: {  	_ =	shalt  }
0x80: {  	_ =	shalt  }
0x81: {  	_ =	shalt  }
0x82: {  	_ =	shalt  }
0x83: {  	_ =	shalt  }
0x84: {  	_ =	shalt  }
0x85: {  	_ =	shalt  }
0x86: {  	_ =	shalt  }
0x87: {  	_ =	shalt  }
.Lfunc_end0:
.L_simem_size_0:
called_computation.2_lowered:
.L_overlay_start_0:
0x88: {  	s2 =	sld [smem:$0x3FD9]  }
0x89: {  	s3 =	sld [smem:$0x3FFE];
	_ =	sdelay $0x1  }
0x8a: {  	s1 =	srdreg.scid  }
0x8b: {  	s0 =	sand.u32 $0x1, s1  }
0x8c: {  	s17 =	sshll.u32 s0, $0xA;
	s2 =	sadd.s32 s3, s2  }
0x8d: {  	s2 =	sadd.s32 s2, s17  }
0x8e: {  	[smem:$0x3FBD] =	sst s2  }
0x8f: {  	_ = 	snop  }
0x90: {  	s18 =	sld [smem:$0x3FD0];
	(tm) =	ssettm $0x1  }
0x91: {  	s19 =	sld [smem:$0x3FFB];
	_ =	sdelay $0x3  }
0x92: {  	_ =	strace s19  }
0x93: {  	s2 =	sld [smem:$0x3FFC];
	_ =	sdelay $0x3  }
0x94: {  	_ =	strace s2  }
0x95: {  	s2 =	sld [smem:$0x3FFD];
	_ =	sdelay $0x3  }
0x96: {  	_ =	strace s2  }
0x97: {  	_ =	strace $0x8FFFFFFF  }
0x98: {  	s20 =	sld [smem:$0x3FDB];
	_ =	sdelay $0x1  }
0x99: {  	s4 =	simm.s32 $_scs_section_size  }
0x9a: {  	s5 =	simm.s32 $_size__tile_overlayer_lowered;
	s6 =	simm.s32 $_tile_overlayer_lowered  }
0x9b: {  	s7 =	simm.s32 $0x1BFF;
	s21 =	sshll.u32 s6, $0x1;
	s4 =	sadd.s32 s4, s20  }
0x9c: {  	s22 =	simm.s32 $0x0;
	s5 =	sshll.u32 s5, $0x1;
	s6 =	sadd.s32 s21, s4  }
0x9d: {  	[timem:s22], [sflag:s7] =	dma.local [hbm:s6], s5  }
0x9e: {  	_ =	swait.ge [sflag:s7], s5  }
0x9f: {  	s5 =	ssub.s32 $0x0, s5;
	[sflag:s7] =	ssyncset.done $0x0  }
0xa0: {  	[sflag:s7] =	ssyncadd.s32 s5;
	_ =	sdelay $0x1  }
0xa1: {  	s23 =	simm.s32 $0x1B8B  }
0xa2: {  	_ =	swait.ge [sflag:s23], $0x1  }
0xa3: {  	[sflag:s23] =	ssyncset.done $0x0  }
0xa4: {  	[sflag:s23] =	ssyncadd.s32 $0xFFFFFFFF  }
0xa5: {  	s5 =	sld [smem:$0x0]  }
0xa6: {  	s6 =	sand.u32 $0xFFFFFFFE, s1  }
0xa7: {  	p0 =	sne.s32 s1, s6  }
0xa8: {  	s6 =	sshll.u32 @p0 s6, $0xE  }
0xa9: {  	s6 =	sadd.s32 @p0 $0x11B8D, s6;
	s7 =	sshll.u32 @p0 s5, $0x11  }
0xaa: {  	s6 =	sor.u32 @p0 s7, s6  }
0xab: {  	[sflag:s6] =	ssyncadd.remote.s32 @p0 $0x1;
	_ =	sdelay $0x1  }
0xac: {  	s6 =	simm.s32 @p0 $0x1B8D  }
0xad: {  	_ =	swait.eq @p0 [sflag:s6], $0x1  }
0xae: {  	[sflag:s6] =	ssyncadd.s32 @p0 $0xFFFFFFFF  }
0xaf: {  	s7 =	sshll.u32 @!p0 s1, $0xE  }
0xb0: {  	s7 =	sor.u32 @!p0 $0x4000, s7;
	s6 =	simm.s32 @!p0 $0x1B8D  }
0xb1: {  	s5 =	sshll.u32 @!p0 s5, $0x11;
	s7 =	sadd.s32 @!p0 $0x11B8D, s7;
	_ =	swait.eq @!p0 [sflag:s6], $0x1  }
0xb2: {  	s5 =	sor.u32 @!p0 s5, s7;
	[sflag:s6] =	ssyncadd.s32 @!p0 $0xFFFFFFFF  }
0xb3: {  	s25 =	simm.s32 $0x1B8E;
	s24 =	sld [smem:$0x3FFE];
	[sflag:s5] =	ssyncadd.remote.s32 @!p0 $0x1  }
0xb4: {  	s26 =	simm.s32 $execute0_lowered;
	[smem:$0x3FD2] =	sst s25  }
0xb5: {  	s6 =	sshll.u32 s26, $0x1;
	_ =	strace $0x8000004F;
	[dreg:$0x1] =	wrdreg $0xFFFFFFFF  }
0xb6: {  	s28 =	simm.s32 $_size_execute0_lowered;
	s4 =	sadd.s32 s4, s6;
	[dreg:$0x0] =	wrdreg $0x0  }
0xb7: {  	s6 =	sshll.u32 s28, $0x1;
	[dreg:$0x2] =	wrdreg s4  }
0xb8: {  	[dreg:$0x3] =	wrdreg s6  }
0xb9: {  	[dreg:$0x4] =	wrdreg $0xC0  }
0xba: {  	_ =	task [dreg:s22], $0x5FFFF  }
0xbb: {  	[dreg:$0x1] =	wrdreg $0xFFFFFFFF  }
0xbc: {  	[dreg:$0x0] =	wrdreg $0x60  }
0xbd: {  	[dreg:$0x2] =	wrdreg s24  }
0xbe: {  	[dreg:$0x3] =	wrdreg s18  }
0xbf: {  	[dreg:$0x4] =	wrdreg $0x20000  }
0xc0: {  	[dreg:$0x5] =	wrdreg $0x9  }
0xc1: {  	_ =	task.clear_ibuf [dreg:s22], $0x6FFFF;
	_ =	strace $0x9000004F  }
0xc2: {  	s29 =	simm.s32 $0x9;
	_ =	strace $0x80000051  }
0xc3: {  	_ =	swait.ge [sflag:s29], $0x1  }
0xc4: {  	[sflag:s29] =	ssyncadd.s32 $0xFFFFFFFF  }
0xc5: {  	_ =	strace $0x90000051  }
0xc6: {  	_ =	sfence  }
0xc7: {  	s30 =	sld [smem:$0x0];
	_ =	sdelay $0x2  }
0xc8: {  	s31 =	sshll.u32 s1, $0xD;
	s1 =	sshrl.u32 s1, $0x2  }
0xc9: {  	s4 =	sand.u32 $0x4000, s31;
	s1 =	sadd.s32 s1, s30  }
0xca: {  	s0 =	sor.u32 s4, s0;
	s1 =	sshll.u32 s1, $0x11  }
0xcb: {  	s0 =	sor.u32 s1, s0  }
0xcc: {  	s0 =	sadd.s32 $0x8F2B, s0  }
0xcd: {  	[sflag:s0] =	ssyncadd.remote.s32 $0x1  }
0xce: {  	_ =	sfence.sel $0xFFFF  }
0xcf: {  	[dreg:$0x0] =	wrdreg $0xFFFFFFFF;
	(pc) =	sbr.abs _section_cstart, $3  }
0xd0: {  	[dreg:$0x1] =	wrdreg $0xFFFFFFFF  }
0xd1: {  	_ =	task.clear_ibuf [dreg:s22], $0x2FFFF;
	_ =	strace $0x9FFFFFFF  }
0xd2: {  	(tm) =	ssettm $0x7FFFFFFF  }
0xd3: {  	_ =	shalt  }
tec
execute0_lowered:
.L_overlay_start_1:
0x0: {  	(tag) =	ssettag $0x1  }
0x1: {  	s0 =	rddreg [dreg:$0x0]  }
0x2: {  	s2 =	rddreg [dreg:$0x1]  }
0x3: {  	s1 =	rddreg [dreg:$0x2]  }
0x4: {  	s3 =	srdreg.scid;
	s11 =	stileid.u32  }
0x5: {  	s28 =	simm.s32 $0x5;
	s29 =	simm.s32 $0x6;
	s30 =	simm.s32 $0x7  }
0x6: {  	s31 =	simm.s32 $0x8;
	s4 =	sand.u32 $0x1, s3;
	s6 =	smul.u32 $0x13C00, s11  }
0x7: {  	s3 =	simm.s32 $0x0;
	s7 =	sadd.s32 $0x55F000, s0;
	s17 =	smul.u32 $0x4F000, s11  }
0x8: {  	s8 =	sadd.s32 $0x50A00, s0;
	s16 =	sshll.u32 s11, $0x1;
	s24 =	smul.u32 $0x12C00, s11  }
0x9: {  	s19 =	sshll.u32 s11, $0x6;
	s5 =	smul.u32 $0x13C000, s4;
	[smem:$0x7FF] =	sst s3  }
0xa: {  	s18 =	ssub.s32 $0x2, s4;
	_ =	strace $0x80000050;
	[dreg:$0x4] =	wrdreg s8  }
0xb: {  	s9 =	sshrl.u32 s18, $0x1;
	s8 =	sshrl.u32 s17, $0x2;
	s26 =	sadd.s32 s24, s7  }
0xc: {  	s17 =	simm.s32 $0x15C00;
	s24 =	simm.s32 $0x2;
	s5 =	sadd.s32 s6, s5  }
0xd: {  	s6 =	sor.u32 s4, s16;
	s13 =	ssub.s32 s18, s9;
	s15 =	sadd.s32 s8, s1  }
0xe: {  	s4 =	smul.u32 $0x9600, s4;
	s16 =	simm.s32 $0xB;
	s18 =	simm.s32 $0x17000  }
0xf: {  	s5 =	sshrl.u32 s5, $0x3;
	s10 =	smul.u32 $0x4B000, s6;
	s20 =	sshll.u32 s6, $0xA  }
0x10: {  	s6 =	smul.u32 $0x9600, s6;
	s13 =	smax.u32 s13, $0x1;
	s15 =	sshrl.u32 s15, $0x3  }
0x11: {  	s0 =	sadd.s32 s5, s0;
	s5 =	sor.u32 $0x1C0B, s19;
	s2 =	sadd.s32 s2, s20  }
0x12: {  	s14 =	sadd.s32 s4, s26;
	s19 =	simm.s32 $0x18400;
	s20 =	simm.s32 $0x19800  }
0x13: {  	s26 =	simm.s32 $0x4;
	s4 =	simm.s32 $0x0;
	s21 =	sshrl.u32 s10, $0x3  }
0x14: {  	[dreg:$0x5] =	wrdreg s2;
	s6 =	sadd.s32 s7, s6;
	s12 =	sadd.s32 $0xA2200, s0  }
.Ltmp0:
0x15: {  	s0 =	simm.s32 $0x9;
	s2 =	simm.s32 $0xA;
	(pc) =	sbr.rel .LBB2_1-.Ltmp0, $4  }
0x16: {  	s22 =	sadd.s32 s7, s21;
	[dreg:$0x6] =	wrdreg s6;
	s21 =	simm.s32 $0x1AC00  }
0x17: {  	s23 =	sadd.s32 $0x280, s22;
	s25 =	sadd.s32 $0x500, s22;
	s10 =	sadd.s32 $0x780, s22  }
0x18: {  	s11 =	sadd.s32 $0xA00, s22;
	s22 =	simm.s32 $0x1;
	[dreg:$0x7] =	wrdreg s23  }
0x19: {  	[dreg:$0x8] =	wrdreg s25;
	s23 =	simm.s32 $0x28;
	s25 =	simm.s32 $0x3  }
.LBB2_3:
0x1a: {  	_ =	swait.ge [sflag:s30], $0x1400  }
0x1b: {  	[sflag:s30] =	ssyncset.done $0x0  }
0x1c: {  	[sflag:s30] =	ssyncadd.s32 $0xFFFFEC00  }
0x1d: {  	_ =	swait.ge [sflag:s31], $0x1400  }
0x1e: {  	[sflag:s31] =	ssyncset.done $0x0  }
0x1f: {  	[sflag:s31] =	ssyncadd.s32 $0xFFFFEC00  }
0x20: {  	_ =	swait.ge [sflag:s0], $0x1400  }
0x21: {  	[sflag:s0] =	ssyncset.done $0x0  }
0x22: {  	[sflag:s0] =	ssyncadd.s32 $0xFFFFEC00  }
0x23: {  	_ =	swait.ge [sflag:s2], $0x1400  }
0x24: {  	[sflag:s2] =	ssyncset.done $0x0  }
0x25: {  	[sflag:s2] =	ssyncadd.s32 $0xFFFFEC00  }
.LBB2_5:
0x26: {  	s4 =	sadd.s32 $0x1, s4  }
0x27: {  	p0 =	sne.s32 s4, s13  }
.Ltmp1:
0x28: {  	[bflag:$0x0] =	sbarrier.arrive $0xFFFF;
	(pc) =	sbr.rel @!p0 .LBB2_6-.Ltmp1, $4  }
0x29: {  	[hbm:s12], [sflag:s5] =	dma.local [spmem:s15], $0x2780  }
0x2a: {  	_ =	swait.ge [sflag:s16], $0x2780  }
0x2b: {  	[sflag:s16] =	ssyncset.done $0x0  }
0x2c: {  	[sflag:s16] =	ssyncadd.s32 $0xFFFFD880  }
.LBB2_1:
0x2d: {  	s6 =	rddreg [dreg:$0x4]  }
0x2e: {  	[spmem:s15], [sflag:s5] =	dma.local [hbm:s6], $0x2780  }
0x2f: {  	_ =	swait.ge [sflag:s16], $0x2780  }
0x30: {  	[sflag:s16] =	ssyncset.done $0x0  }
0x31: {  	s9 =	rddreg [dreg:$0x5];
	[sflag:s16] =	ssyncadd.s32 $0xFFFFD880  }
0x32: {  	[tilespmem:s3], [sflag:$0xB] =	stream.linear.gather [hbm4b:s9+s3], $0x1E00, $0x38;
	[tilespmem:$0x1C000] =	vst v63  }
0x33: {  	_ =	swait.ge [sflag:s16], $0x1E00  }
0x34: {  	[sflag:s16] =	ssyncset.done $0x0  }
0x35: {  	[sflag:s16] =	ssyncadd.s32 $0xFFFFE200  }
0x36: {  	[bflag:$0x0] =	sbarrier.arrive $0xFFFF  }
0x37: {  	s7 =	rddreg [dreg:$0x6]  }
0x38: {  	[tilespmem:s17], [sflag:$0x1] =	stream.linear.gather [hbm4b:s7+s3], $0x1400, $0x38;
	[tilespmem:$0x1C000] =	vst v63  }
0x39: {  	s8 =	rddreg [dreg:$0x7]  }
0x3a: {  	[tilespmem:s18], [sflag:$0x2] =	stream.linear.gather [hbm4b:s8+s3], $0x1400, $0x38;
	[tilespmem:$0x1C000] =	vst v63  }
0x3b: {  	s9 =	rddreg [dreg:$0x8]  }
0x3c: {  	[tilespmem:s19], [sflag:$0x3] =	stream.linear.gather [hbm4b:s9+s3], $0x1400, $0x38;
	[tilespmem:$0x1C000] =	vst v63  }
0x3d: {  	_ = 	snop  }
0x3e: {  	[tilespmem:s20], [sflag:$0x4] =	stream.linear.gather [hbm4b:s10+s3], $0x1400, $0x38;
	[tilespmem:$0x1C000] =	vst v63  }
0x3f: {  	s6 =	simm.s32 $0x200;
	s7 =	simm.s32 $0x0  }
0x40: {  	[tilespmem:s21], [sflag:$0x5] =	stream.linear.gather [hbm4b:s11+s3], $0x1400, $0x38;
	[tilespmem:$0x1C000] =	vst v63  }
.LBB2_2:
0x41: {  	_ =	swait.ge [sflag:s22], $0x1400  }
0x42: {  	[sflag:s22] =	ssyncset.done $0x0  }
0x43: {  	s8 =	sadd.s32 $0xFFFFFE00, s6;
	[sflag:s22] =	ssyncadd.s32 $0xFFFFEC00  }
0x44: {  	[spmem:s1] =	stream.indirect.scatter.add.f32 [tilespmem:s17], [sflag:$0x6], $0x80, s8, s23, $0xb8;
	[tilespmem:$0x1C000] =	vst v63  }
0x45: {  	_ =	swait.ge [sflag:s24], $0x1400  }
0x46: {  	[sflag:s24] =	ssyncset.done $0x0  }
0x47: {  	s9 =	sadd.s32 $0xFFFFFE80, s6;
	[sflag:s24] =	ssyncadd.s32 $0xFFFFEC00  }
0x48: {  	[spmem:s1] =	stream.indirect.scatter.add.f32 [tilespmem:s18], [sflag:$0x7], $0x80, s9, s23, $0xb8;
	[tilespmem:$0x1C000] =	vst v63  }
0x49: {  	_ =	swait.ge [sflag:s25], $0x1400  }
0x4a: {  	[sflag:s25] =	ssyncset.done $0x0  }
0x4b: {  	s9 =	sadd.s32 $0xFFFFFF00, s6;
	[sflag:s25] =	ssyncadd.s32 $0xFFFFEC00  }
0x4c: {  	[spmem:s1] =	stream.indirect.scatter.add.f32 [tilespmem:s19], [sflag:$0x8], $0x80, s9, s23, $0xb8;
	[tilespmem:$0x1C000] =	vst v63  }
0x4d: {  	_ =	swait.ge [sflag:s26], $0x1400  }
0x4e: {  	[sflag:s26] =	ssyncset.done $0x0  }
0x4f: {  	s9 =	sadd.s32 $0xFFFFFF80, s6;
	[sflag:s26] =	ssyncadd.s32 $0xFFFFEC00  }
0x50: {  	[spmem:s1] =	stream.indirect.scatter.add.f32 [tilespmem:s20], [sflag:$0x9], $0x80, s9, s23, $0xb8;
	[tilespmem:$0x1C000] =	vst v63  }
0x51: {  	_ =	swait.ge [sflag:s28], $0x1400  }
0x52: {  	p0 =	sne.s32 s7, $0x8980;
	[sflag:s28] =	ssyncset.done $0x0  }
.Ltmp2:
0x53: {  	[sflag:s28] =	ssyncadd.s32 $0xFFFFEC00;
	(pc) =	sbr.rel @!p0 .LBB2_3-.Ltmp2, $4  }
0x54: {  	[spmem:s1] =	stream.indirect.scatter.add.f32 [tilespmem:s21], [sflag:$0xA], $0x80, s6, s23, $0xb8;
	[tilespmem:$0x1C000] =	vst v63  }
0x55: {  	_ =	swait.ge [sflag:s29], $0x1400  }
0x56: {  	[sflag:s29] =	ssyncset.done $0x0  }
0x57: {  	[sflag:s29] =	ssyncadd.s32 $0xFFFFEC00  }
0x58: {  	s8 =	sadd.s32 s7, s14  }
0x59: {  	s9 =	sadd.s32 $0xC80, s8  }
0x5a: {  	[tilespmem:s17], [sflag:$0x1] =	stream.linear.gather [hbm4b:s9+s3], $0x1400, $0x38;
	[tilespmem:$0x1C000] =	vst v63  }
0x5b: {  	_ =	swait.ge [sflag:s30], $0x1400  }
0x5c: {  	[sflag:s30] =	ssyncset.done $0x0  }
0x5d: {  	s9 =	sadd.s32 $0xF00, s8;
	[sflag:s30] =	ssyncadd.s32 $0xFFFFEC00  }
0x5e: {  	[tilespmem:s18], [sflag:$0x2] =	stream.linear.gather [hbm4b:s9+s3], $0x1400, $0x38;
	[tilespmem:$0x1C000] =	vst v63  }
0x5f: {  	_ =	swait.ge [sflag:s31], $0x1400  }
0x60: {  	[sflag:s31] =	ssyncset.done $0x0  }
0x61: {  	s9 =	sadd.s32 $0x1180, s8;
	[sflag:s31] =	ssyncadd.s32 $0xFFFFEC00  }
0x62: {  	[tilespmem:s19], [sflag:$0x3] =	stream.linear.gather [hbm4b:s9+s3], $0x1400, $0x38;
	[tilespmem:$0x1C000] =	vst v63  }
0x63: {  	_ =	swait.ge [sflag:s0], $0x1400  }
0x64: {  	s7 =	sadd.s32 $0xC80, s7;
	[sflag:s0] =	ssyncset.done $0x0  }
0x65: {  	p0 =	sne.s32 s7, $0x9600;
	s9 =	sadd.s32 $0x1400, s8;
	[sflag:s0] =	ssyncadd.s32 $0xFFFFEC00  }
0x66: {  	[tilespmem:s20], [sflag:$0x4] =	stream.linear.gather [hbm4b:s9+s3], $0x1400, $0x38;
	[tilespmem:$0x1C000] =	vst v63  }
.Ltmp3:
0x67: {  	_ = 	snop;
	(pc) =	sbr.rel @p0 .LBB2_2-.Ltmp3, $4  }
.Ltmp4:
0x68: {  	_ =	swait.ge [sflag:s2], $0x1400;
	(pc) =	sbr.rel @!p0 .LBB2_5-.Ltmp4, $4  }
0x69: {  	[sflag:s2] =	ssyncset.done $0x0  }
0x6a: {  	s6 =	sadd.s32 $0x280, s6;
	s8 =	sadd.s32 $0x1680, s8;
	[sflag:s2] =	ssyncadd.s32 $0xFFFFEC00  }
0x6b: {  	[tilespmem:s21], [sflag:$0x5] =	stream.linear.gather [hbm4b:s8+s3], $0x1400, $0x38;
	[tilespmem:$0x1C000] =	vst v63  }
0x6c: {  	_ = 	snop  }
.LBB2_6:
0x6d: {  	_ =	sfence.sel $0x180000  }
0x6e: {  	[bflag:$0x0] =	sbarrier.arrive $0xFFFF  }
0x6f: {  	_ =	strace $0x90000050  }
0x70: {  	s0 =	stileid.u32;
	[bflag:$0x2] =	sbarrier.arrive $0xFFFF  }
0x71: {  	p0 =	sne.s32 s0, $0x0;
	s0 =	rddreg [dreg:$0x3]  }
0x72: {  	s0 =	sadd.s32 @!p0 $0x100000, s0  }
0x73: {  	[sflag:s0] =	ssyncadd.tile.s32 @!p0 $0x1;
	_ =	shalt  }
.Lfunc_end2:
_tile_overlayer_lowered:
.L_overlay_start_2:
0x74: {  	(tag) =	ssettag $0x2  }
0x75: {  	s0 =	rddreg [dreg:$0x0];
	s2 =	stileid.u32  }
0x76: {  	s1 =	rddreg [dreg:$0x1];
	p0 =	sne.s32 s2, $0x0  }
0x77: {  	s3 =	rddreg [dreg:$0x2];
	[bflag:$0x3] =	sbarrier.arrive $0xFFFF;
	s2 =	simm.s32 @!p0 $0x1C0B  }
0x78: {  	[timem:s3], [sflag:s2] =	dma.local @!p0 [hbm:s0], s1  }
0x79: {  	s0 =	simm.s32 @!p0 $0xB  }
0x7a: {  	_ =	swait.ge @!p0 [sflag:s0], s1  }
0x7b: {  	s1 =	ssub.s32 @!p0 $0x0, s1;
	[sflag:s0] =	ssyncset.done @!p0 $0x0  }
0x7c: {  	[sflag:s0] =	ssyncadd.s32 @!p0 s1  }
0x7d: {  	[bflag:$0x3] =	sbarrier.arrive $0xFFFF  }
0x7e: {  	_ =	shalt  }

// kernel: kernel.18.cloned.1.call-start
scs
__scs_entry_jumppad:
0x0: {  	(pc) =	sbr.rel $0x88, $3  }
0x1: {  	(tag) =	ssettag $0x0;
	lr =	simm.s32 $0x1  }
0x2: {  	[smem:$0x3F96] =	sst lr;
	_ =	strace $0xD0000000  }
0x3: {  	_ = 	snop  }
0x4: {  	_ = 	snop  }
0x5: {  	_ = 	snop  }
0x6: {  	_ = 	snop  }
0x7: {  	_ = 	snop  }
__scs_overlays_trampoline_lowered:
0x8: {  	[smem:$0x3FA5] =	sst s0  }
0x9: {  	[smem:$0x3FA6] =	sst s1  }
0xa: {  	[smem:$0x3FA7] =	sst s2  }
0xb: {  	[smem:$0x3FA8] =	sst s3  }
0xc: {  	[smem:$0x3FA9] =	sst s4  }
0xd: {  	[smem:$0x3FAA] =	sst s5  }
0xe: {  	[smem:$0x3FAB] =	sst s6  }
0xf: {  	[smem:$0x3FAC] =	sst s7  }
0x10: {  	[smem:$0x3FAD] =	sst s8  }
0x11: {  	[smem:$0x3FAE] =	sst s9;
	s0 =	simm.s32 @!p0 $0x0  }
0x12: {  	s1 =	sld [smem:$0x3F94];
	s0 =	simm.s32 @p0 $0x1  }
0x13: {  	[smem:$0x3FAF] =	sst s0;
	s0 =	simm.s32 @!p1 $0x0  }
0x14: {  	s2 =	sld [smem:$0x3F93];
	s0 =	simm.s32 @p1 $0x1  }
0x15: {  	[smem:$0x3FB0] =	sst s0;
	s0 =	simm.s32 @!p2 $0x0  }
0x16: {  	s3 =	sld [smem:$0x3FDB];
	s0 =	simm.s32 @p2 $0x1  }
0x17: {  	s4 =	simm.s32 $0x1BF5;
	[smem:$0x3FB2] =	sst s0  }
0x18: {  	s0 =	sld [smem:$0x3F95];
	_ =	swait.ge [sflag:s4], $0x0  }
0x19: {  	s7 =	sld [smem:$0x3F96]  }
0x1a: {  	s8 =	sadd.s32 $0xFFFFE003, lr  }
0x1b: {  	s9 =	sadd.s32 $0xFFFFFEF7, lr;
	s5 =	simm.s32 $0xFFFFFFFF;
	p2 =	slt.u32 s8, $0xFFFFF086  }
0x1c: {  	p1 =	slt.u32 s9, $0xF7A;
	s5 =	simm.s32 @!p2 $0x0  }
0x1d: {  	s5 =	simm.s32 @p1 $0x1;
	p0 =	seq.s32 s7, s2  }
0x1e: {  	s7 =	smul.u32 @!p0 $0xF7A, s2;
	p2 =	seq.s32 @!p0 s5, $0x0  }
0x1f: {  	s9 =	smul.u32 $0xF7A, s1;
	s8 =	simm.s32 @!p0 $0x1BF5;
	p2 =	por !p2, p0  }
0x20: {  	[sflag:s8] =	ssyncset.s32 @!p0 $0xFFFFF086;
	s6 =	sadd.s32 @!p0 s3, s7;
	s7 =	simm.s32 @!p0 $0x108  }
0x21: {  	s3 =	sadd.s32 s3, s9;
	s6 =	sadd.s32 @!p0 $0x88, s6;
	s7 =	simm.s32 @p2 $0x1082  }
0x22: {  	[simem:s7], [sflag:s8] =	dma.local @!p0 [hbm:s6], $0xF7A  }
0x23: {  	s9 =	sor.u32 $0xD0000000, s2;
	s6 =	simm.s32 $0x108;
	_ =	swait.ge @!p0 [sflag:s8], $0x0  }
0x24: {  	s3 =	sadd.s32 $0x88, s3;
	s6 =	simm.s32 @!p1 $0x1082;
	[sflag:s4] =	ssyncset.s32 $0xFFFFF086  }
0x25: {  	[simem:s6], [sflag:s4] =	dma.local [hbm:s3], $0xF7A  }
0x26: {  	[smem:$0x3F96] =	sst s1;
	(tag) =	ssettag s2;
	_ =	strace s9  }
0x27: {  	s1 =	sld [smem:$0x3FA6]  }
0x28: {  	s2 =	sld [smem:$0x3FA7]  }
0x29: {  	s4 =	sld [smem:$0x3FA9]  }
0x2a: {  	p0 =	seq.s32 s5, $0x0;
	s5 =	sld [smem:$0x3FAA]  }
0x2b: {  	s6 =	sld [smem:$0x3FAB]  }
0x2c: {  	s7 =	sld [smem:$0x3FAC]  }
0x2d: {  	s3 =	simm.s32 $0x108;
	s8 =	sld [smem:$0x3FAD]  }
0x2e: {  	s3 =	simm.s32 @!p0 $0x1082;
	s9 =	sld [smem:$0x3FAE]  }
0x2f: {  	lr =	sadd.s32 s0, s3;
	s0 =	sld [smem:$0x3FA5]  }
0x30: {  	s3 =	sld [smem:$0x3FA8]  }
0x31: {  	[smem:$0x3FB1] =	sst s10  }
0x32: {  	s10 =	sld [smem:$0x3FAF];
	_ =	sdelay $0x3  }
0x33: {  	p0 =	seq.s32 s10, $0x1;
	s10 =	sld [smem:$0x3FB1];
	_ =	sdelay $0x3  }
0x34: {  	[smem:$0x3FB1] =	sst s10  }
0x35: {  	s10 =	sld [smem:$0x3FB0];
	_ =	sdelay $0x3  }
0x36: {  	p1 =	seq.s32 s10, $0x1;
	s10 =	sld [smem:$0x3FB1];
	_ =	sdelay $0x3  }
0x37: {  	[smem:$0x3FB1] =	sst s10  }
0x38: {  	s10 =	sld [smem:$0x3FB2]  }
0x39: {  	_ = 	snop;
	(pc) =	sbr.ind lr, $3  }
0x3a: {  	_ = 	snop  }
0x3b: {  	_ = 	snop  }
0x3c: {  	p2 =	seq.s32 s10, $0x1;
	s10 =	sld [smem:$0x3FB1]  }
0x3d: {  	_ =	shalt  }
0x3e: {  	_ =	shalt  }
0x3f: {  	_ =	shalt  }
0x40: {  	_ =	shalt  }
0x41: {  	_ =	shalt  }
0x42: {  	_ =	shalt  }
0x43: {  	_ =	shalt  }
0x44: {  	_ =	shalt  }
0x45: {  	_ =	shalt  }
0x46: {  	_ =	shalt  }
0x47: {  	_ =	shalt  }
0x48: {  	_ =	shalt  }
0x49: {  	_ =	shalt  }
0x4a: {  	_ =	shalt  }
0x4b: {  	_ =	shalt  }
0x4c: {  	_ =	shalt  }
0x4d: {  	_ =	shalt  }
0x4e: {  	_ =	shalt  }
0x4f: {  	_ =	shalt  }
0x50: {  	_ =	shalt  }
0x51: {  	_ =	shalt  }
0x52: {  	_ =	shalt  }
0x53: {  	_ =	shalt  }
0x54: {  	_ =	shalt  }
0x55: {  	_ =	shalt  }
0x56: {  	_ =	shalt  }
0x57: {  	_ =	shalt  }
0x58: {  	_ =	shalt  }
0x59: {  	_ =	shalt  }
0x5a: {  	_ =	shalt  }
0x5b: {  	_ =	shalt  }
0x5c: {  	_ =	shalt  }
0x5d: {  	_ =	shalt  }
0x5e: {  	_ =	shalt  }
0x5f: {  	_ =	shalt  }
0x60: {  	_ =	shalt  }
0x61: {  	_ =	shalt  }
0x62: {  	_ =	shalt  }
0x63: {  	_ =	shalt  }
0x64: {  	_ =	shalt  }
0x65: {  	_ =	shalt  }
0x66: {  	_ =	shalt  }
0x67: {  	_ =	shalt  }
0x68: {  	_ =	shalt  }
0x69: {  	_ =	shalt  }
0x6a: {  	_ =	shalt  }
0x6b: {  	_ =	shalt  }
0x6c: {  	_ =	shalt  }
0x6d: {  	_ =	shalt  }
0x6e: {  	_ =	shalt  }
0x6f: {  	_ =	shalt  }
0x70: {  	_ =	shalt  }
0x71: {  	_ =	shalt  }
0x72: {  	_ =	shalt  }
0x73: {  	_ =	shalt  }
0x74: {  	_ =	shalt  }
0x75: {  	_ =	shalt  }
0x76: {  	_ =	shalt  }
0x77: {  	_ =	shalt  }
0x78: {  	_ =	shalt  }
0x79: {  	_ =	shalt  }
0x7a: {  	_ =	shalt  }
0x7b: {  	_ =	shalt  }
0x7c: {  	_ =	shalt  }
0x7d: {  	_ =	shalt  }
0x7e: {  	_ =	shalt  }
0x7f: {  	_ =	shalt  }
0x80: {  	_ =	shalt  }
0x81: {  	_ =	shalt  }
0x82: {  	_ =	shalt  }
0x83: {  	_ =	shalt  }
0x84: {  	_ =	shalt  }
0x85: {  	_ =	shalt  }
0x86: {  	_ =	shalt  }
0x87: {  	_ =	shalt  }
.Lfunc_end0:
.L_simem_size_0:
called_computation.3_lowered:
.L_overlay_start_0:
0x88: {  	s2 =	sld [smem:$0x3FD9]  }
0x89: {  	s3 =	sld [smem:$0x3FFE];
	_ =	sdelay $0x1  }
0x8a: {  	s1 =	srdreg.scid  }
0x8b: {  	s0 =	sand.u32 $0x1, s1  }
0x8c: {  	s17 =	sshll.u32 s0, $0xA;
	s2 =	sadd.s32 s3, s2  }
0x8d: {  	s2 =	sadd.s32 s2, s17  }
0x8e: {  	[smem:$0x3FBD] =	sst s2  }
0x8f: {  	_ = 	snop  }
0x90: {  	(tm) =	ssettm $0x1  }
0x91: {  	s18 =	sld [smem:$0x3FFB];
	_ =	sdelay $0x3  }
0x92: {  	_ =	strace s18  }
0x93: {  	s2 =	sld [smem:$0x3FFC];
	_ =	sdelay $0x3  }
0x94: {  	_ =	strace s2  }
0x95: {  	s2 =	sld [smem:$0x3FFD];
	_ =	sdelay $0x3  }
0x96: {  	_ =	strace s2  }
0x97: {  	_ =	strace $0x8FFFFFFF  }
0x98: {  	s19 =	sld [smem:$0x3FDB];
	_ =	sdelay $0x1  }
0x99: {  	s20 =	simm.s32 $_scs_section_size  }
0x9a: {  	s4 =	simm.s32 $_size__tile_overlayer_lowered;
	s5 =	simm.s32 $_tile_overlayer_lowered  }
0x9b: {  	s6 =	simm.s32 $0x1BFF;
	s21 =	sshll.u32 s5, $0x1;
	s3 =	sadd.s32 s20, s19  }
0x9c: {  	s22 =	simm.s32 $0x0;
	s4 =	sshll.u32 s4, $0x1;
	s5 =	sadd.s32 s21, s3  }
0x9d: {  	[timem:s22], [sflag:s6] =	dma.local [hbm:s5], s4  }
0x9e: {  	_ =	swait.ge [sflag:s6], s4  }
0x9f: {  	s4 =	ssub.s32 $0x0, s4;
	[sflag:s6] =	ssyncset.done $0x0  }
0xa0: {  	[sflag:s6] =	ssyncadd.s32 s4;
	_ =	sdelay $0x1  }
0xa1: {  	s23 =	simm.s32 $0x1B8B  }
0xa2: {  	_ =	swait.ge [sflag:s23], $0x1  }
0xa3: {  	[sflag:s23] =	ssyncset.done $0x0  }
0xa4: {  	[sflag:s23] =	ssyncadd.s32 $0xFFFFFFFF  }
0xa5: {  	s4 =	sld [smem:$0x0]  }
0xa6: {  	s5 =	sand.u32 $0xFFFFFFFE, s1  }
0xa7: {  	p0 =	sne.s32 s1, s5  }
0xa8: {  	s5 =	sshll.u32 @p0 s5, $0xE  }
0xa9: {  	s5 =	sadd.s32 @p0 $0x11B8D, s5;
	s6 =	sshll.u32 @p0 s4, $0x11  }
0xaa: {  	s5 =	sor.u32 @p0 s6, s5  }
0xab: {  	[sflag:s5] =	ssyncadd.remote.s32 @p0 $0x1;
	_ =	sdelay $0x1  }
0xac: {  	s5 =	simm.s32 @p0 $0x1B8D  }
0xad: {  	_ =	swait.eq @p0 [sflag:s5], $0x1  }
0xae: {  	[sflag:s5] =	ssyncadd.s32 @p0 $0xFFFFFFFF  }
0xaf: {  	s6 =	sshll.u32 @!p0 s1, $0xE  }
0xb0: {  	s6 =	sor.u32 @!p0 $0x4000, s6;
	s5 =	simm.s32 @!p0 $0x1B8D  }
0xb1: {  	s4 =	sshll.u32 @!p0 s4, $0x11;
	s6 =	sadd.s32 @!p0 $0x11B8D, s6;
	_ =	swait.eq @!p0 [sflag:s5], $0x1  }
0xb2: {  	s4 =	sor.u32 @!p0 s4, s6;
	[sflag:s5] =	ssyncadd.s32 @!p0 $0xFFFFFFFF  }
0xb3: {  	s25 =	simm.s32 $0x1B8E;
	s24 =	sld [smem:$0x3FFE];
	[sflag:s4] =	ssyncadd.remote.s32 @!p0 $0x1  }
0xb4: {  	s26 =	simm.s32 $execute0_lowered;
	[smem:$0x3FD2] =	sst s25  }
0xb5: {  	s5 =	sshll.u32 s26, $0x1;
	_ =	strace $0x8000004C;
	[dreg:$0x1] =	wrdreg $0xFFFFFFFF  }
0xb6: {  	s28 =	simm.s32 $_size_execute0_lowered;
	s3 =	sadd.s32 s3, s5;
	[dreg:$0x0] =	wrdreg $0x0  }
0xb7: {  	s5 =	sshll.u32 s28, $0x1;
	[dreg:$0x2] =	wrdreg s3  }
0xb8: {  	[dreg:$0x3] =	wrdreg s5  }
0xb9: {  	[dreg:$0x4] =	wrdreg $0xC0  }
0xba: {  	_ =	task [dreg:s22], $0x5FFFF  }
0xbb: {  	[dreg:$0x1] =	wrdreg $0xFFFFFFFF  }
0xbc: {  	[dreg:$0x0] =	wrdreg $0x60  }
0xbd: {  	[dreg:$0x2] =	wrdreg s24  }
0xbe: {  	[dreg:$0x3] =	wrdreg $0x24000  }
0xbf: {  	[dreg:$0x4] =	wrdreg $0xA  }
0xc0: {  	_ =	task.clear_ibuf [dreg:s22], $0x5FFFF;
	_ =	strace $0x9000004C  }
0xc1: {  	s29 =	simm.s32 $0xA;
	_ =	strace $0x8000004E  }
0xc2: {  	_ =	swait.ge [sflag:s29], $0x1  }
0xc3: {  	[sflag:s29] =	ssyncadd.s32 $0xFFFFFFFF  }
0xc4: {  	_ =	strace $0x9000004E  }
0xc5: {  	_ =	sfence  }
0xc6: {  	s30 =	sld [smem:$0x0];
	_ =	sdelay $0x2  }
0xc7: {  	s31 =	sshll.u32 s1, $0xD;
	s1 =	sshrl.u32 s1, $0x2  }
0xc8: {  	s4 =	sand.u32 $0x4000, s31;
	s1 =	sadd.s32 s1, s30  }
0xc9: {  	s0 =	sor.u32 s4, s0;
	s1 =	sshll.u32 s1, $0x11  }
0xca: {  	s0 =	sor.u32 s1, s0  }
0xcb: {  	s0 =	sadd.s32 $0x8F2B, s0  }
0xcc: {  	[sflag:s0] =	ssyncadd.remote.s32 $0x1  }
0xcd: {  	_ =	sfence.sel $0xFFFF  }
0xce: {  	[dreg:$0x0] =	wrdreg $0xFFFFFFFF;
	(pc) =	sbr.abs _section_cstart, $3  }
0xcf: {  	[dreg:$0x1] =	wrdreg $0xFFFFFFFF  }
0xd0: {  	_ =	task.clear_ibuf [dreg:s22], $0x2FFFF;
	_ =	strace $0x9FFFFFFF  }
0xd1: {  	(tm) =	ssettm $0x7FFFFFFF  }
tec
execute0_lowered:
.L_overlay_start_1:
0x0: {  	(tag) =	ssettag $0x1  }
0x1: {  	s0 =	srdreg.scid;
	s4 =	rddreg [dreg:$0x0]  }
0x2: {  	s12 =	stileid.u32;
	s2 =	rddreg [dreg:$0x1];
	s3 =	simm.s32 $0x0  }
0x3: {  	s16 =	simm.s32 $0xB;
	s17 =	simm.s32 $0x16000;
	s28 =	simm.s32 $0x5  }
0x4: {  	s29 =	simm.s32 $0x6;
	s30 =	simm.s32 $0x7;
	s7 =	smul.u32 $0x13C00, s12  }
0x5: {  	s31 =	simm.s32 $0x8;
	s0 =	sand.u32 $0x1, s0;
	s19 =	smul.u32 $0x4F000, s12  }
0x6: {  	s1 =	sshll.u32 s12, $0x1;
	[smem:$0x7FF] =	sst s3;
	s25 =	smul.u32 $0x14500, s12  }
0x7: {  	s13 =	sadd.s32 $0x41A000, s4;
	s20 =	sadd.s32 $0x50A00, s4;
	s6 =	smul.u32 $0x13C000, s0  }
0x8: {  	s1 =	sor.u32 s0, s1;
	s21 =	ssub.s32 $0x2, s0;
	s0 =	smul.u32 $0xA280, s0  }
0x9: {  	s22 =	sshll.u32 s12, $0x6;
	_ =	strace $0x8000004D;
	s5 =	smul.u32 $0x480, s1  }
0xa: {  	[dreg:$0x3] =	wrdreg s20;
	s20 =	simm.s32 $0x19C00;
	s10 =	smul.u32 $0x51400, s1  }
0xb: {  	s9 =	sshrl.u32 s21, $0x1;
	s1 =	smul.u32 $0xA280, s1;
	s18 =	sadd.s32 s7, s6  }
0xc: {  	s6 =	sshrl.u32 s19, $0x2;
	s7 =	ssub.s32 s21, s9;
	s19 =	simm.s32 $0x18800  }
0xd: {  	s21 =	simm.s32 $0x1B000;
	s8 =	sadd.s32 s5, s4;
	s5 =	sshrl.u32 s18, $0x3  }
0xe: {  	s6 =	sadd.s32 s6, s2;
	s23 =	sshrl.u32 s10, $0x3;
	s1 =	sadd.s32 s13, s1  }
0xf: {  	s18 =	simm.s32 $0x17400;
	s4 =	sadd.s32 s5, s4;
	s5 =	sor.u32 $0x1C0B, s22  }
0x10: {  	s8 =	sadd.s32 $0x411000, s8;
	s11 =	sadd.s32 s13, s23;
	[dreg:$0x5] =	wrdreg s1  }
0x11: {  	s1 =	sadd.s32 s25, s13;
	s13 =	smax.u32 s7, $0x1;
	s15 =	sshrl.u32 s6, $0x3  }
0x12: {  	s22 =	simm.s32 $0x1;
	s23 =	simm.s32 $0x28;
	s25 =	simm.s32 $0x3  }
.Ltmp0:
0x13: {  	[dreg:$0x4] =	wrdreg s8;
	s24 =	sadd.s32 $0x280, s11;
	(pc) =	sbr.rel .LBB2_1-.Ltmp0, $4  }
0x14: {  	s26 =	sadd.s32 $0x500, s11;
	s10 =	sadd.s32 $0x780, s11;
	s11 =	sadd.s32 $0xA00, s11  }
0x15: {  	s12 =	sadd.s32 $0x53200, s4;
	s14 =	sadd.s32 s0, s1;
	s1 =	simm.s32 $0x9  }
0x16: {  	s0 =	simm.s32 $0xA;
	s4 =	simm.s32 $0x0;
	[dreg:$0x6] =	wrdreg s24  }
0x17: {  	[dreg:$0x7] =	wrdreg s26;
	s24 =	simm.s32 $0x2;
	s26 =	simm.s32 $0x4  }
.LBB2_3:
0x18: {  	_ =	swait.ge [sflag:s30], $0x1400  }
0x19: {  	[sflag:s30] =	ssyncset.done $0x0  }
0x1a: {  	[sflag:s30] =	ssyncadd.s32 $0xFFFFEC00  }
0x1b: {  	_ =	swait.ge [sflag:s31], $0x1400  }
0x1c: {  	[sflag:s31] =	ssyncset.done $0x0  }
0x1d: {  	[sflag:s31] =	ssyncadd.s32 $0xFFFFEC00  }
0x1e: {  	_ =	swait.ge [sflag:s1], $0x1400  }
0x1f: {  	[sflag:s1] =	ssyncset.done $0x0  }
0x20: {  	[sflag:s1] =	ssyncadd.s32 $0xFFFFEC00  }
0x21: {  	_ =	swait.ge [sflag:s0], $0x1400  }
0x22: {  	[sflag:s0] =	ssyncset.done $0x0  }
0x23: {  	[sflag:s0] =	ssyncadd.s32 $0xFFFFEC00  }
.LBB2_5:
0x24: {  	s4 =	sadd.s32 $0x1, s4  }
0x25: {  	p0 =	sne.s32 s4, s13  }
.Ltmp1:
0x26: {  	[bflag:$0x0] =	sbarrier.arrive $0xFFFF;
	(pc) =	sbr.rel @!p0 .LBB2_6-.Ltmp1, $4  }
0x27: {  	[hbm:s12], [sflag:s5] =	dma.local [spmem:s15], $0x2780  }
0x28: {  	_ =	swait.ge [sflag:s16], $0x2780  }
0x29: {  	[sflag:s16] =	ssyncset.done $0x0  }
0x2a: {  	[sflag:s16] =	ssyncadd.s32 $0xFFFFD880  }
.LBB2_1:
0x2b: {  	s6 =	rddreg [dreg:$0x3]  }
0x2c: {  	[spmem:s15], [sflag:s5] =	dma.local [hbm:s6], $0x2780  }
0x2d: {  	_ =	swait.ge [sflag:s16], $0x2780  }
0x2e: {  	[sflag:s16] =	ssyncset.done $0x0  }
0x2f: {  	s9 =	rddreg [dreg:$0x4];
	[sflag:s16] =	ssyncadd.s32 $0xFFFFD880  }
0x30: {  	[tilespmem:s3], [sflag:$0xB] =	stream.linear.gather [hbm4b:s9+s3], $0x2080, $0x38;
	[tilespmem:$0x1C400] =	vst v63  }
0x31: {  	_ =	swait.ge [sflag:s16], $0x2080  }
0x32: {  	[sflag:s16] =	ssyncset.done $0x0  }
0x33: {  	[sflag:s16] =	ssyncadd.s32 $0xFFFFDF80  }
0x34: {  	[bflag:$0x0] =	sbarrier.arrive $0xFFFF  }
0x35: {  	s7 =	rddreg [dreg:$0x5]  }
0x36: {  	[tilespmem:s17], [sflag:$0x1] =	stream.linear.gather [hbm4b:s7+s3], $0x1400, $0x38;
	[tilespmem:$0x1C400] =	vst v63  }
0x37: {  	s8 =	rddreg [dreg:$0x6]  }
0x38: {  	[tilespmem:s18], [sflag:$0x2] =	stream.linear.gather [hbm4b:s8+s3], $0x1400, $0x38;
	[tilespmem:$0x1C400] =	vst v63  }
0x39: {  	s9 =	rddreg [dreg:$0x7]  }
0x3a: {  	[tilespmem:s19], [sflag:$0x3] =	stream.linear.gather [hbm4b:s9+s3], $0x1400, $0x38;
	[tilespmem:$0x1C400] =	vst v63  }
0x3b: {  	_ = 	snop  }
0x3c: {  	[tilespmem:s20], [sflag:$0x4] =	stream.linear.gather [hbm4b:s10+s3], $0x1400, $0x38;
	[tilespmem:$0x1C400] =	vst v63  }
0x3d: {  	s6 =	simm.s32 $0x200;
	s7 =	simm.s32 $0x0  }
0x3e: {  	[tilespmem:s21], [sflag:$0x5] =	stream.linear.gather [hbm4b:s11+s3], $0x1400, $0x38;
	[tilespmem:$0x1C400] =	vst v63  }
.LBB2_2:
0x3f: {  	_ =	swait.ge [sflag:s22], $0x1400  }
0x40: {  	[sflag:s22] =	ssyncset.done $0x0  }
0x41: {  	s8 =	sadd.s32 $0xFFFFFE00, s6;
	[sflag:s22] =	ssyncadd.s32 $0xFFFFEC00  }
0x42: {  	[spmem:s2] =	stream.indirect.scatter.add.f32 [tilespmem:s17], [sflag:$0x6], $0x80, s8, s23, $0xb8;
	[tilespmem:$0x1C400] =	vst v63  }
0x43: {  	_ =	swait.ge [sflag:s24], $0x1400  }
0x44: {  	[sflag:s24] =	ssyncset.done $0x0  }
0x45: {  	s9 =	sadd.s32 $0xFFFFFE80, s6;
	[sflag:s24] =	ssyncadd.s32 $0xFFFFEC00  }
0x46: {  	[spmem:s2] =	stream.indirect.scatter.add.f32 [tilespmem:s18], [sflag:$0x7], $0x80, s9, s23, $0xb8;
	[tilespmem:$0x1C400] =	vst v63  }
0x47: {  	_ =	swait.ge [sflag:s25], $0x1400  }
0x48: {  	[sflag:s25] =	ssyncset.done $0x0  }
0x49: {  	s9 =	sadd.s32 $0xFFFFFF00, s6;
	[sflag:s25] =	ssyncadd.s32 $0xFFFFEC00  }
0x4a: {  	[spmem:s2] =	stream.indirect.scatter.add.f32 [tilespmem:s19], [sflag:$0x8], $0x80, s9, s23, $0xb8;
	[tilespmem:$0x1C400] =	vst v63  }
0x4b: {  	_ =	swait.ge [sflag:s26], $0x1400  }
0x4c: {  	[sflag:s26] =	ssyncset.done $0x0  }
0x4d: {  	s9 =	sadd.s32 $0xFFFFFF80, s6;
	[sflag:s26] =	ssyncadd.s32 $0xFFFFEC00  }
0x4e: {  	[spmem:s2] =	stream.indirect.scatter.add.f32 [tilespmem:s20], [sflag:$0x9], $0x80, s9, s23, $0xb8;
	[tilespmem:$0x1C400] =	vst v63  }
0x4f: {  	_ =	swait.ge [sflag:s28], $0x1400  }
0x50: {  	p0 =	sne.s32 s7, $0x9600;
	[sflag:s28] =	ssyncset.done $0x0  }
.Ltmp2:
0x51: {  	[sflag:s28] =	ssyncadd.s32 $0xFFFFEC00;
	(pc) =	sbr.rel @!p0 .LBB2_3-.Ltmp2, $4  }
0x52: {  	[spmem:s2] =	stream.indirect.scatter.add.f32 [tilespmem:s21], [sflag:$0xA], $0x80, s6, s23, $0xb8;
	[tilespmem:$0x1C400] =	vst v63  }
0x53: {  	_ =	swait.ge [sflag:s29], $0x1400  }
0x54: {  	[sflag:s29] =	ssyncset.done $0x0  }
0x55: {  	[sflag:s29] =	ssyncadd.s32 $0xFFFFEC00  }
0x56: {  	s8 =	sadd.s32 s7, s14  }
0x57: {  	s9 =	sadd.s32 $0xC80, s8  }
0x58: {  	[tilespmem:s17], [sflag:$0x1] =	stream.linear.gather [hbm4b:s9+s3], $0x1400, $0x38;
	[tilespmem:$0x1C400] =	vst v63  }
0x59: {  	_ =	swait.ge [sflag:s30], $0x1400  }
0x5a: {  	[sflag:s30] =	ssyncset.done $0x0  }
0x5b: {  	s9 =	sadd.s32 $0xF00, s8;
	[sflag:s30] =	ssyncadd.s32 $0xFFFFEC00  }
0x5c: {  	[tilespmem:s18], [sflag:$0x2] =	stream.linear.gather [hbm4b:s9+s3], $0x1400, $0x38;
	[tilespmem:$0x1C400] =	vst v63  }
0x5d: {  	_ =	swait.ge [sflag:s31], $0x1400  }
0x5e: {  	[sflag:s31] =	ssyncset.done $0x0  }
0x5f: {  	s9 =	sadd.s32 $0x1180, s8;
	[sflag:s31] =	ssyncadd.s32 $0xFFFFEC00  }
0x60: {  	[tilespmem:s19], [sflag:$0x3] =	stream.linear.gather [hbm4b:s9+s3], $0x1400, $0x38;
	[tilespmem:$0x1C400] =	vst v63  }
0x61: {  	_ =	swait.ge [sflag:s1], $0x1400  }
0x62: {  	s7 =	sadd.s32 $0xC80, s7;
	[sflag:s1] =	ssyncset.done $0x0  }
0x63: {  	p0 =	sne.s32 s7, $0xA280;
	s9 =	sadd.s32 $0x1400, s8;
	[sflag:s1] =	ssyncadd.s32 $0xFFFFEC00  }
0x64: {  	[tilespmem:s20], [sflag:$0x4] =	stream.linear.gather [hbm4b:s9+s3], $0x1400, $0x38;
	[tilespmem:$0x1C400] =	vst v63  }
.Ltmp3:
0x65: {  	_ = 	snop;
	(pc) =	sbr.rel @p0 .LBB2_2-.Ltmp3, $4  }
.Ltmp4:
0x66: {  	_ =	swait.ge [sflag:s0], $0x1400;
	(pc) =	sbr.rel @!p0 .LBB2_5-.Ltmp4, $4  }
0x67: {  	[sflag:s0] =	ssyncset.done $0x0  }
0x68: {  	s6 =	sadd.s32 $0x280, s6;
	s8 =	sadd.s32 $0x1680, s8;
	[sflag:s0] =	ssyncadd.s32 $0xFFFFEC00  }
0x69: {  	[tilespmem:s21], [sflag:$0x5] =	stream.linear.gather [hbm4b:s8+s3], $0x1400, $0x38;
	[tilespmem:$0x1C400] =	vst v63  }
0x6a: {  	_ = 	snop  }
.LBB2_6:
0x6b: {  	_ =	sfence.sel $0x180000  }
0x6c: {  	[bflag:$0x0] =	sbarrier.arrive $0xFFFF  }
0x6d: {  	_ =	strace $0x9000004D  }
0x6e: {  	s0 =	stileid.u32;
	[bflag:$0x2] =	sbarrier.arrive $0xFFFF  }
0x6f: {  	p0 =	sne.s32 s0, $0x0;
	s0 =	rddreg [dreg:$0x2]  }
0x70: {  	s0 =	sadd.s32 @!p0 $0x100000, s0  }
0x71: {  	[sflag:s0] =	ssyncadd.tile.s32 @!p0 $0x1;
	_ =	shalt  }
.Lfunc_end2:
_tile_overlayer_lowered:
.L_overlay_start_2:
0x72: {  	(tag) =	ssettag $0x2  }
0x73: {  	s0 =	rddreg [dreg:$0x0];
	s2 =	stileid.u32  }
0x74: {  	s1 =	rddreg [dreg:$0x1];
	p0 =	sne.s32 s2, $0x0  }
0x75: {  	s3 =	rddreg [dreg:$0x2];
	[bflag:$0x3] =	sbarrier.arrive $0xFFFF;
	s2 =	simm.s32 @!p0 $0x1C0B  }
0x76: {  	[timem:s3], [sflag:s2] =	dma.local @!p0 [hbm:s0], s1  }
0x77: {  	s0 =	simm.s32 @!p0 $0xB  }
0x78: {  	_ =	swait.ge @!p0 [sflag:s0], s1  }
0x79: {  	s1 =	ssub.s32 @!p0 $0x0, s1;
	[sflag:s0] =	ssyncset.done @!p0 $0x0  }
0x7a: {  	[sflag:s0] =	ssyncadd.s32 @!p0 s1  }
0x7b: {  	[bflag:$0x3] =	sbarrier.arrive $0xFFFF  }
0x7c: {  	_ =	shalt  }

// kernel: kernel.9.cloned.1.call-start
scs
__scs_entry_jumppad:
0x0: {  	(pc) =	sbr.rel $0x88, $3  }
0x1: {  	(tag) =	ssettag $0x0;
	lr =	simm.s32 $0x1  }
0x2: {  	[smem:$0x3F96] =	sst lr;
	_ =	strace $0xD0000000  }
0x3: {  	_ = 	snop  }
0x4: {  	_ = 	snop  }
0x5: {  	_ = 	snop  }
0x6: {  	_ = 	snop  }
0x7: {  	_ = 	snop  }
__scs_overlays_trampoline_lowered:
0x8: {  	[smem:$0x3FA5] =	sst s0  }
0x9: {  	[smem:$0x3FA6] =	sst s1  }
0xa: {  	[smem:$0x3FA7] =	sst s2  }
0xb: {  	[smem:$0x3FA8] =	sst s3  }
0xc: {  	[smem:$0x3FA9] =	sst s4  }
0xd: {  	[smem:$0x3FAA] =	sst s5  }
0xe: {  	[smem:$0x3FAB] =	sst s6  }
0xf: {  	[smem:$0x3FAC] =	sst s7  }
0x10: {  	[smem:$0x3FAD] =	sst s8  }
0x11: {  	[smem:$0x3FAE] =	sst s9;
	s0 =	simm.s32 @!p0 $0x0  }
0x12: {  	s1 =	sld [smem:$0x3F94];
	s0 =	simm.s32 @p0 $0x1  }
0x13: {  	[smem:$0x3FAF] =	sst s0;
	s0 =	simm.s32 @!p1 $0x0  }
0x14: {  	s2 =	sld [smem:$0x3F93];
	s0 =	simm.s32 @p1 $0x1  }
0x15: {  	[smem:$0x3FB0] =	sst s0;
	s0 =	simm.s32 @!p2 $0x0  }
0x16: {  	s3 =	sld [smem:$0x3FDB];
	s0 =	simm.s32 @p2 $0x1  }
0x17: {  	s4 =	simm.s32 $0x1BF5;
	[smem:$0x3FB2] =	sst s0  }
0x18: {  	s0 =	sld [smem:$0x3F95];
	_ =	swait.ge [sflag:s4], $0x0  }
0x19: {  	s7 =	sld [smem:$0x3F96]  }
0x1a: {  	s8 =	sadd.s32 $0xFFFFE003, lr  }
0x1b: {  	s9 =	sadd.s32 $0xFFFFFEF7, lr;
	s5 =	simm.s32 $0xFFFFFFFF;
	p2 =	slt.u32 s8, $0xFFFFF086  }
0x1c: {  	p1 =	slt.u32 s9, $0xF7A;
	s5 =	simm.s32 @!p2 $0x0  }
0x1d: {  	s5 =	simm.s32 @p1 $0x1;
	p0 =	seq.s32 s7, s2  }
0x1e: {  	s7 =	smul.u32 @!p0 $0xF7A, s2;
	p2 =	seq.s32 @!p0 s5, $0x0  }
0x1f: {  	s9 =	smul.u32 $0xF7A, s1;
	s8 =	simm.s32 @!p0 $0x1BF5;
	p2 =	por !p2, p0  }
0x20: {  	[sflag:s8] =	ssyncset.s32 @!p0 $0xFFFFF086;
	s6 =	sadd.s32 @!p0 s3, s7;
	s7 =	simm.s32 @!p0 $0x108  }
0x21: {  	s3 =	sadd.s32 s3, s9;
	s6 =	sadd.s32 @!p0 $0x88, s6;
	s7 =	simm.s32 @p2 $0x1082  }
0x22: {  	[simem:s7], [sflag:s8] =	dma.local @!p0 [hbm:s6], $0xF7A  }
0x23: {  	s9 =	sor.u32 $0xD0000000, s2;
	s6 =	simm.s32 $0x108;
	_ =	swait.ge @!p0 [sflag:s8], $0x0  }
0x24: {  	s3 =	sadd.s32 $0x88, s3;
	s6 =	simm.s32 @!p1 $0x1082;
	[sflag:s4] =	ssyncset.s32 $0xFFFFF086  }
0x25: {  	[simem:s6], [sflag:s4] =	dma.local [hbm:s3], $0xF7A  }
0x26: {  	[smem:$0x3F96] =	sst s1;
	(tag) =	ssettag s2;
	_ =	strace s9  }
0x27: {  	s1 =	sld [smem:$0x3FA6]  }
0x28: {  	s2 =	sld [smem:$0x3FA7]  }
0x29: {  	s4 =	sld [smem:$0x3FA9]  }
0x2a: {  	p0 =	seq.s32 s5, $0x0;
	s5 =	sld [smem:$0x3FAA]  }
0x2b: {  	s6 =	sld [smem:$0x3FAB]  }
0x2c: {  	s7 =	sld [smem:$0x3FAC]  }
0x2d: {  	s3 =	simm.s32 $0x108;
	s8 =	sld [smem:$0x3FAD]  }
0x2e: {  	s3 =	simm.s32 @!p0 $0x1082;
	s9 =	sld [smem:$0x3FAE]  }
0x2f: {  	lr =	sadd.s32 s0, s3;
	s0 =	sld [smem:$0x3FA5]  }
0x30: {  	s3 =	sld [smem:$0x3FA8]  }
0x31: {  	[smem:$0x3FB1] =	sst s10  }
0x32: {  	s10 =	sld [smem:$0x3FAF];
	_ =	sdelay $0x3  }
0x33: {  	p0 =	seq.s32 s10, $0x1;
	s10 =	sld [smem:$0x3FB1];
	_ =	sdelay $0x3  }
0x34: {  	[smem:$0x3FB1] =	sst s10  }
0x35: {  	s10 =	sld [smem:$0x3FB0];
	_ =	sdelay $0x3  }
0x36: {  	p1 =	seq.s32 s10, $0x1;
	s10 =	sld [smem:$0x3FB1];
	_ =	sdelay $0x3  }
0x37: {  	[smem:$0x3FB1] =	sst s10  }
0x38: {  	s10 =	sld [smem:$0x3FB2]  }
0x39: {  	_ = 	snop;
	(pc) =	sbr.ind lr, $3  }
0x3a: {  	_ = 	snop  }
0x3b: {  	_ = 	snop  }
0x3c: {  	p2 =	seq.s32 s10, $0x1;
	s10 =	sld [smem:$0x3FB1]  }
0x3d: {  	_ =	shalt  }
0x3e: {  	_ =	shalt  }
0x3f: {  	_ =	shalt  }
0x40: {  	_ =	shalt  }
0x41: {  	_ =	shalt  }
0x42: {  	_ =	shalt  }
0x43: {  	_ =	shalt  }
0x44: {  	_ =	shalt  }
0x45: {  	_ =	shalt  }
0x46: {  	_ =	shalt  }
0x47: {  	_ =	shalt  }
0x48: {  	_ =	shalt  }
0x49: {  	_ =	shalt  }
0x4a: {  	_ =	shalt  }
0x4b: {  	_ =	shalt  }
0x4c: {  	_ =	shalt  }
0x4d: {  	_ =	shalt  }
0x4e: {  	_ =	shalt  }
0x4f: {  	_ =	shalt  }
0x50: {  	_ =	shalt  }
0x51: {  	_ =	shalt  }
0x52: {  	_ =	shalt  }
0x53: {  	_ =	shalt  }
0x54: {  	_ =	shalt  }
0x55: {  	_ =	shalt  }
0x56: {  	_ =	shalt  }
0x57: {  	_ =	shalt  }
0x58: {  	_ =	shalt  }
0x59: {  	_ =	shalt  }
0x5a: {  	_ =	shalt  }
0x5b: {  	_ =	shalt  }
0x5c: {  	_ =	shalt  }
0x5d: {  	_ =	shalt  }
0x5e: {  	_ =	shalt  }
0x5f: {  	_ =	shalt  }
0x60: {  	_ =	shalt  }
0x61: {  	_ =	shalt  }
0x62: {  	_ =	shalt  }
0x63: {  	_ =	shalt  }
0x64: {  	_ =	shalt  }
0x65: {  	_ =	shalt  }
0x66: {  	_ =	shalt  }
0x67: {  	_ =	shalt  }
0x68: {  	_ =	shalt  }
0x69: {  	_ =	shalt  }
0x6a: {  	_ =	shalt  }
0x6b: {  	_ =	shalt  }
0x6c: {  	_ =	shalt  }
0x6d: {  	_ =	shalt  }
0x6e: {  	_ =	shalt  }
0x6f: {  	_ =	shalt  }
0x70: {  	_ =	shalt  }
0x71: {  	_ =	shalt  }
0x72: {  	_ =	shalt  }
0x73: {  	_ =	shalt  }
0x74: {  	_ =	shalt  }
0x75: {  	_ =	shalt  }
0x76: {  	_ =	shalt  }
0x77: {  	_ =	shalt  }
0x78: {  	_ =	shalt  }
0x79: {  	_ =	shalt  }
0x7a: {  	_ =	shalt  }
0x7b: {  	_ =	shalt  }
0x7c: {  	_ =	shalt  }
0x7d: {  	_ =	shalt  }
0x7e: {  	_ =	shalt  }
0x7f: {  	_ =	shalt  }
0x80: {  	_ =	shalt  }
0x81: {  	_ =	shalt  }
0x82: {  	_ =	shalt  }
0x83: {  	_ =	shalt  }
0x84: {  	_ =	shalt  }
0x85: {  	_ =	shalt  }
0x86: {  	_ =	shalt  }
0x87: {  	_ =	shalt  }
.Lfunc_end0:
.L_simem_size_0:
called_computation_lowered:
.L_overlay_start_0:
0x88: {  	s2 =	sld [smem:$0x3FD9]  }
0x89: {  	s3 =	sld [smem:$0x3FFE];
	_ =	sdelay $0x1  }
0x8a: {  	s1 =	srdreg.scid  }
0x8b: {  	s0 =	sand.u32 $0x1, s1  }
0x8c: {  	s17 =	sshll.u32 s0, $0xA;
	s2 =	sadd.s32 s3, s2  }
0x8d: {  	s2 =	sadd.s32 s2, s17  }
0x8e: {  	[smem:$0x3FBD] =	sst s2  }
0x8f: {  	_ = 	snop  }
0x90: {  	(tm) =	ssettm $0x1  }
0x91: {  	s18 =	sld [smem:$0x3FFB];
	_ =	sdelay $0x3  }
0x92: {  	_ =	strace s18  }
0x93: {  	s2 =	sld [smem:$0x3FFC];
	_ =	sdelay $0x3  }
0x94: {  	_ =	strace s2  }
0x95: {  	s2 =	sld [smem:$0x3FFD];
	_ =	sdelay $0x3  }
0x96: {  	_ =	strace s2  }
0x97: {  	_ =	strace $0x8FFFFFFF  }
0x98: {  	s19 =	sld [smem:$0x3FDB];
	_ =	sdelay $0x1  }
0x99: {  	s20 =	simm.s32 $_scs_section_size  }
0x9a: {  	s4 =	simm.s32 $_size__tile_overlayer_lowered;
	s5 =	simm.s32 $_tile_overlayer_lowered  }
0x9b: {  	s6 =	simm.s32 $0x1BFF;
	s21 =	sshll.u32 s5, $0x1;
	s3 =	sadd.s32 s20, s19  }
0x9c: {  	s22 =	simm.s32 $0x0;
	s4 =	sshll.u32 s4, $0x1;
	s5 =	sadd.s32 s21, s3  }
0x9d: {  	[timem:s22], [sflag:s6] =	dma.local [hbm:s5], s4  }
0x9e: {  	_ =	swait.ge [sflag:s6], s4  }
0x9f: {  	s4 =	ssub.s32 $0x0, s4;
	[sflag:s6] =	ssyncset.done $0x0  }
0xa0: {  	[sflag:s6] =	ssyncadd.s32 s4;
	_ =	sdelay $0x1  }
0xa1: {  	s23 =	simm.s32 $0x1B8B  }
0xa2: {  	_ =	swait.ge [sflag:s23], $0x1  }
0xa3: {  	[sflag:s23] =	ssyncset.done $0x0  }
0xa4: {  	[sflag:s23] =	ssyncadd.s32 $0xFFFFFFFF  }
0xa5: {  	s4 =	sld [smem:$0x0]  }
0xa6: {  	s5 =	sand.u32 $0xFFFFFFFE, s1  }
0xa7: {  	p0 =	sne.s32 s1, s5  }
0xa8: {  	s5 =	sshll.u32 @p0 s5, $0xE  }
0xa9: {  	s5 =	sadd.s32 @p0 $0x11B8D, s5;
	s6 =	sshll.u32 @p0 s4, $0x11  }
0xaa: {  	s5 =	sor.u32 @p0 s6, s5  }
0xab: {  	[sflag:s5] =	ssyncadd.remote.s32 @p0 $0x1;
	_ =	sdelay $0x1  }
0xac: {  	s5 =	simm.s32 @p0 $0x1B8D  }
0xad: {  	_ =	swait.eq @p0 [sflag:s5], $0x1  }
0xae: {  	[sflag:s5] =	ssyncadd.s32 @p0 $0xFFFFFFFF  }
0xaf: {  	s6 =	sshll.u32 @!p0 s1, $0xE  }
0xb0: {  	s6 =	sor.u32 @!p0 $0x4000, s6;
	s5 =	simm.s32 @!p0 $0x1B8D  }
0xb1: {  	s4 =	sshll.u32 @!p0 s4, $0x11;
	s6 =	sadd.s32 @!p0 $0x11B8D, s6;
	_ =	swait.eq @!p0 [sflag:s5], $0x1  }
0xb2: {  	s4 =	sor.u32 @!p0 s4, s6;
	[sflag:s5] =	ssyncadd.s32 @!p0 $0xFFFFFFFF  }
0xb3: {  	s25 =	simm.s32 $0x1B8E;
	s24 =	sld [smem:$0x3FFE];
	[sflag:s4] =	ssyncadd.remote.s32 @!p0 $0x1  }
0xb4: {  	s26 =	simm.s32 $execute0_lowered;
	[smem:$0x3FD2] =	sst s25  }
0xb5: {  	s5 =	sshll.u32 s26, $0x1;
	_ =	strace $0x80000049;
	[dreg:$0x1] =	wrdreg $0xFFFFFFFF  }
0xb6: {  	s28 =	simm.s32 $_size_execute0_lowered;
	s3 =	sadd.s32 s3, s5;
	[dreg:$0x0] =	wrdreg $0x0  }
0xb7: {  	s5 =	sshll.u32 s28, $0x1;
	[dreg:$0x2] =	wrdreg s3  }
0xb8: {  	[dreg:$0x3] =	wrdreg s5  }
0xb9: {  	[dreg:$0x4] =	wrdreg $0xC0  }
0xba: {  	_ =	task [dreg:s22], $0x5FFFF  }
0xbb: {  	[dreg:$0x1] =	wrdreg $0xFFFFFFFF  }
0xbc: {  	[dreg:$0x0] =	wrdreg $0x60  }
0xbd: {  	[dreg:$0x2] =	wrdreg s24  }
0xbe: {  	[dreg:$0x3] =	wrdreg $0x9  }
0xbf: {  	_ =	task.clear_ibuf [dreg:s22], $0x4FFFF;
	_ =	strace $0x90000049  }
0xc0: {  	s29 =	simm.s32 $0x9;
	_ =	strace $0x8000004B  }
0xc1: {  	_ =	swait.ge [sflag:s29], $0x1  }
0xc2: {  	[sflag:s29] =	ssyncadd.s32 $0xFFFFFFFF  }
0xc3: {  	_ =	strace $0x9000004B  }
0xc4: {  	_ =	sfence  }
0xc5: {  	s30 =	sld [smem:$0x0];
	_ =	sdelay $0x2  }
0xc6: {  	s31 =	sshll.u32 s1, $0xD;
	s1 =	sshrl.u32 s1, $0x2  }
0xc7: {  	s4 =	sand.u32 $0x4000, s31;
	s1 =	sadd.s32 s1, s30  }
0xc8: {  	s0 =	sor.u32 s4, s0;
	s1 =	sshll.u32 s1, $0x11  }
0xc9: {  	s0 =	sor.u32 s1, s0  }
0xca: {  	s0 =	sadd.s32 $0x8F2B, s0  }
0xcb: {  	[sflag:s0] =	ssyncadd.remote.s32 $0x1  }
0xcc: {  	_ =	sfence.sel $0xFFFF  }
0xcd: {  	[dreg:$0x0] =	wrdreg $0xFFFFFFFF;
	(pc) =	sbr.abs _section_cstart, $3  }
0xce: {  	[dreg:$0x1] =	wrdreg $0xFFFFFFFF  }
0xcf: {  	_ =	task.clear_ibuf [dreg:s22], $0x2FFFF;
	_ =	strace $0x9FFFFFFF  }
0xd0: {  	(tm) =	ssettm $0x7FFFFFFF  }
0xd1: {  	_ =	shalt  }
tec
execute0_lowered:
.L_overlay_start_1:
0x0: {  	(tag) =	ssettag $0x1  }
0x1: {  	s4 =	rddreg [dreg:$0x0];
	s1 =	simm.s32 $0x0;
	s5 =	srdreg.scid  }
0x2: {  	s0 =	stileid.u32;
	s9 =	simm.s32 $0x2000;
	s10 =	simm.s32 $0x80  }
0x3: {  	s11 =	simm.s32 $0x3400;
	s12 =	simm.s32 $0x100;
	s13 =	simm.s32 $0x4800  }
0x4: {  	s14 =	simm.s32 $0x180;
	s15 =	simm.s32 $0x5C00;
	s16 =	simm.s32 $0x200  }
0x5: {  	s17 =	simm.s32 $0x7000;
	s18 =	simm.s32 $0x1;
	s19 =	simm.s32 $0x2  }
0x6: {  	s20 =	simm.s32 $0x3;
	s21 =	simm.s32 $0x4;
	s22 =	simm.s32 $0x5  }
0x7: {  	s23 =	simm.s32 $0x6;
	s24 =	simm.s32 $0x7;
	s25 =	simm.s32 $0x8  }
0x8: {  	s28 =	simm.s32 $0xA;
	s29 =	simm.s32 $0x0;
	[smem:$0x7FF] =	sst s1  }
0x9: {  	s3 =	sadd.s32 $0x29800, s4;
	s5 =	sand.u32 $0x1, s5;
	s8 =	smul.u32 $0x12C00, s0  }
0xa: {  	s7 =	sshll.u32 s5, $0xA;
	s26 =	ssub.s32 $0x2, s5;
	s5 =	smul.u32 $0x9600, s5  }
.Ltmp0:
0xb: {  	s6 =	sshll.u32 s0, $0xB;
	_ =	strace $0x8000004A;
	(pc) =	sbr.rel .LBB2_1-.Ltmp0, $4  }
0xc: {  	s6 =	sor.u32 s7, s6;
	s8 =	sadd.s32 s8, s4;
	s30 =	sshrl.u32 s26, $0x1  }
0xd: {  	s6 =	sadd.s32 s6, s4;
	s7 =	ssub.s32 s26, s30;
	s31 =	sadd.s32 s5, s8  }
0xe: {  	s8 =	simm.s32 $0x28;
	s26 =	simm.s32 $0x9;
	s4 =	sadd.s32 $0x198000, s6  }
0xf: {  	s5 =	smax.u32 s7, $0x1;
	s6 =	sadd.s32 $0x1A0A00, s31;
	s7 =	simm.s32 $0xB  }
.LBB2_3:
0x10: {  	_ =	swait.ge [sflag:s24], $0x1400  }
0x11: {  	[sflag:s24] =	ssyncset.done $0x0  }
0x12: {  	[sflag:s24] =	ssyncadd.s32 $0xFFFFEC00  }
0x13: {  	_ =	swait.ge [sflag:s25], $0x1400  }
0x14: {  	[sflag:s25] =	ssyncset.done $0x0  }
0x15: {  	[sflag:s25] =	ssyncadd.s32 $0xFFFFEC00  }
0x16: {  	_ =	swait.ge [sflag:s26], $0x1400  }
0x17: {  	[sflag:s26] =	ssyncset.done $0x0  }
0x18: {  	[sflag:s26] =	ssyncadd.s32 $0xFFFFEC00  }
0x19: {  	_ =	swait.ge [sflag:s28], $0x1400  }
0x1a: {  	[sflag:s28] =	ssyncset.done $0x0  }
0x1b: {  	[sflag:s28] =	ssyncadd.s32 $0xFFFFEC00  }
.LBB2_5:
0x1c: {  	s29 =	sadd.s32 $0x1, s29  }
0x1d: {  	p0 =	sne.s32 s29, s5  }
.Ltmp1:
0x1e: {  	_ = 	snop;
	(pc) =	sbr.rel @!p0 .LBB2_6-.Ltmp1, $1  }
0x1f: {  	_ =	sdelay $0x3  }
.LBB2_1:
0x20: {  	[tilespmem:s1], [sflag:$0xB] =	stream.linear.gather [hbm4b:s4+s1], $0x1E00, $0x38;
	[tilespmem:$0x8400] =	vst v63  }
0x21: {  	_ =	swait.ge [sflag:s7], $0x1E00  }
0x22: {  	[sflag:s7] =	ssyncset.done $0x0  }
0x23: {  	[sflag:s7] =	ssyncadd.s32 $0xFFFFE200  }
0x24: {  	[tilespmem:s9], [sflag:$0x1] =	stream.indirect.gather [hbm4b:s3+s8], $0x80, s1, s8, $0xb8;
	[tilespmem:$0x8400] =	vst v63  }
0x25: {  	_ = 	snop  }
0x26: {  	[tilespmem:s11], [sflag:$0x2] =	stream.indirect.gather [hbm4b:s3+s8], $0x80, s10, s8, $0xb8;
	[tilespmem:$0x8400] =	vst v63  }
0x27: {  	_ = 	snop  }
0x28: {  	[tilespmem:s13], [sflag:$0x3] =	stream.indirect.gather [hbm4b:s3+s8], $0x80, s12, s8, $0xb8;
	[tilespmem:$0x8400] =	vst v63  }
0x29: {  	_ = 	snop  }
0x2a: {  	[tilespmem:s15], [sflag:$0x4] =	stream.indirect.gather [hbm4b:s3+s8], $0x80, s14, s8, $0xb8;
	[tilespmem:$0x8400] =	vst v63  }
0x2b: {  	s30 =	smov.u32 s6;
	s31 =	simm.s32 $0x0  }
0x2c: {  	[tilespmem:s17], [sflag:$0x5] =	stream.indirect.gather [hbm4b:s3+s8], $0x80, s16, s8, $0xb8;
	[tilespmem:$0x8400] =	vst v63  }
.LBB2_2:
0x2d: {  	_ =	swait.ge [sflag:s18], $0x1400  }
0x2e: {  	[sflag:s18] =	ssyncset.done $0x0  }
0x2f: {  	s0 =	sadd.s32 $0xFFFFF600, s30;
	[sflag:s18] =	ssyncadd.s32 $0xFFFFEC00  }
0x30: {  	[hbm4b:s0+s1] =	stream.linear.scatter [tilespmem:s9], [sflag:$0x6], $0x1400, $0x38;
	[tilespmem:$0x8400] =	vst v63  }
0x31: {  	_ =	swait.ge [sflag:s19], $0x1400  }
0x32: {  	[sflag:s19] =	ssyncset.done $0x0  }
0x33: {  	s2 =	sadd.s32 $0xFFFFF880, s30;
	[sflag:s19] =	ssyncadd.s32 $0xFFFFEC00  }
0x34: {  	[hbm4b:s2+s1] =	stream.linear.scatter [tilespmem:s11], [sflag:$0x7], $0x1400, $0x38;
	[tilespmem:$0x8400] =	vst v63  }
0x35: {  	_ =	swait.ge [sflag:s20], $0x1400  }
0x36: {  	[sflag:s20] =	ssyncset.done $0x0  }
0x37: {  	s2 =	sadd.s32 $0xFFFFFB00, s30;
	[sflag:s20] =	ssyncadd.s32 $0xFFFFEC00  }
0x38: {  	[hbm4b:s2+s1] =	stream.linear.scatter [tilespmem:s13], [sflag:$0x8], $0x1400, $0x38;
	[tilespmem:$0x8400] =	vst v63  }
0x39: {  	_ =	swait.ge [sflag:s21], $0x1400  }
0x3a: {  	[sflag:s21] =	ssyncset.done $0x0  }
0x3b: {  	s2 =	sadd.s32 $0xFFFFFD80, s30;
	[sflag:s21] =	ssyncadd.s32 $0xFFFFEC00  }
0x3c: {  	[hbm4b:s2+s1] =	stream.linear.scatter [tilespmem:s15], [sflag:$0x9], $0x1400, $0x38;
	[tilespmem:$0x8400] =	vst v63  }
0x3d: {  	_ =	swait.ge [sflag:s22], $0x1400  }
0x3e: {  	p0 =	sne.s32 s31, $0x6E00;
	[sflag:s22] =	ssyncset.done $0x0  }
.Ltmp2:
0x3f: {  	[sflag:s22] =	ssyncadd.s32 $0xFFFFEC00;
	(pc) =	sbr.rel @!p0 .LBB2_3-.Ltmp2, $4  }
0x40: {  	[hbm4b:s30+s1] =	stream.linear.scatter [tilespmem:s17], [sflag:$0xA], $0x1400, $0x38;
	[tilespmem:$0x8400] =	vst v63  }
0x41: {  	_ =	swait.ge [sflag:s23], $0x1400  }
0x42: {  	[sflag:s23] =	ssyncset.done $0x0  }
0x43: {  	[sflag:s23] =	ssyncadd.s32 $0xFFFFEC00  }
0x44: {  	s0 =	sshra.s32 s31, $0x2  }
0x45: {  	s2 =	sadd.s32 $0x280, s0  }
0x46: {  	[tilespmem:s9], [sflag:$0x1] =	stream.indirect.gather [hbm4b:s3+s8], $0x80, s2, s8, $0xb8;
	[tilespmem:$0x8400] =	vst v63  }
0x47: {  	_ =	swait.ge [sflag:s24], $0x1400  }
0x48: {  	[sflag:s24] =	ssyncset.done $0x0  }
0x49: {  	s2 =	sadd.s32 $0x300, s0;
	[sflag:s24] =	ssyncadd.s32 $0xFFFFEC00  }
0x4a: {  	[tilespmem:s11], [sflag:$0x2] =	stream.indirect.gather [hbm4b:s3+s8], $0x80, s2, s8, $0xb8;
	[tilespmem:$0x8400] =	vst v63  }
0x4b: {  	_ =	swait.ge [sflag:s25], $0x1400  }
0x4c: {  	[sflag:s25] =	ssyncset.done $0x0  }
0x4d: {  	s2 =	sadd.s32 $0x380, s0;
	[sflag:s25] =	ssyncadd.s32 $0xFFFFEC00  }
0x4e: {  	[tilespmem:s13], [sflag:$0x3] =	stream.indirect.gather [hbm4b:s3+s8], $0x80, s2, s8, $0xb8;
	[tilespmem:$0x8400] =	vst v63  }
0x4f: {  	_ =	swait.ge [sflag:s26], $0x1400  }
0x50: {  	s31 =	sadd.s32 $0xA00, s31;
	[sflag:s26] =	ssyncset.done $0x0  }
0x51: {  	p0 =	sne.s32 s31, $0x7800;
	s2 =	sadd.s32 $0x400, s0;
	[sflag:s26] =	ssyncadd.s32 $0xFFFFEC00  }
0x52: {  	[tilespmem:s15], [sflag:$0x4] =	stream.indirect.gather [hbm4b:s3+s8], $0x80, s2, s8, $0xb8;
	[tilespmem:$0x8400] =	vst v63  }
.Ltmp3:
0x53: {  	_ = 	snop;
	(pc) =	sbr.rel @p0 .LBB2_2-.Ltmp3, $4  }
.Ltmp4:
0x54: {  	_ =	swait.ge [sflag:s28], $0x1400;
	(pc) =	sbr.rel @!p0 .LBB2_5-.Ltmp4, $4  }
0x55: {  	[sflag:s28] =	ssyncset.done $0x0  }
0x56: {  	s30 =	sadd.s32 $0xC80, s30;
	s0 =	sadd.s32 $0x480, s0;
	[sflag:s28] =	ssyncadd.s32 $0xFFFFEC00  }
0x57: {  	[tilespmem:s17], [sflag:$0x5] =	stream.indirect.gather [hbm4b:s3+s8], $0x80, s0, s8, $0xb8;
	[tilespmem:$0x8400] =	vst v63  }
0x58: {  	_ = 	snop  }
.LBB2_6:
0x59: {  	_ =	sfence.sel $0x180000  }
0x5a: {  	[bflag:$0x0] =	sbarrier.arrive $0xFFFF  }
0x5b: {  	_ =	strace $0x9000004A  }
0x5c: {  	s0 =	stileid.u32;
	[bflag:$0x2] =	sbarrier.arrive $0xFFFF  }
0x5d: {  	p0 =	sne.s32 s0, $0x0;
	s0 =	rddreg [dreg:$0x1]  }
0x5e: {  	s0 =	sadd.s32 @!p0 $0x100000, s0  }
0x5f: {  	[sflag:s0] =	ssyncadd.tile.s32 @!p0 $0x1;
	_ =	shalt  }
.Lfunc_end2:
_tile_overlayer_lowered:
.L_overlay_start_2:
0x60: {  	(tag) =	ssettag $0x2  }
0x61: {  	s0 =	rddreg [dreg:$0x0];
	s2 =	stileid.u32  }
0x62: {  	s1 =	rddreg [dreg:$0x1];
	p0 =	sne.s32 s2, $0x0  }
0x63: {  	s3 =	rddreg [dreg:$0x2];
	[bflag:$0x3] =	sbarrier.arrive $0xFFFF;
	s2 =	simm.s32 @!p0 $0x1C0B  }
0x64: {  	[timem:s3], [sflag:s2] =	dma.local @!p0 [hbm:s0], s1  }
0x65: {  	s0 =	simm.s32 @!p0 $0xB  }
0x66: {  	_ =	swait.ge @!p0 [sflag:s0], s1  }
0x67: {  	s1 =	ssub.s32 @!p0 $0x0, s1;
	[sflag:s0] =	ssyncset.done @!p0 $0x0  }
0x68: {  	[sflag:s0] =	ssyncadd.s32 @!p0 s1  }
0x69: {  	[bflag:$0x3] =	sbarrier.arrive $0xFFFF  }
0x6a: {  	_ =	shalt  }

</sc_bundles>
